<compile_context>
chip_gen: v7x
topology: tpu7x:2x2x1
jax: 0.10.2.dev20260603
libtpu: 0.0.44.dev20260713+nightly
codegen_flags: <defaults>
</compile_context>

<pallas_src>
import functools

import jax
import jax.numpy as jnp
from jax import lax
from jax.experimental import pallas as pl
from jax.experimental.pallas import tpu as pltpu
from jax.experimental.pallas import tpu_sc as plsc

BLK = 256



def _rank_lt(rows, k):
    sel = []
    for i, ci in enumerate(rows):
        rank = None
        for j, cj in enumerate(rows):
            if j == i:
                continue
            beats = (cj > ci) if j > i else (cj >= ci)
            b = beats.astype(jnp.float32)
            rank = b if rank is None else rank + b
        sel.append(rank < k)
    return sel


def _router_body(x_ref, gate_ref, comb_ref, *, n_group, topk_group, top_k):
    lt = jax.lax.dot_general(
        gate_ref[...], x_ref[...], (((1,), (1,)), ((), ())),
        preferred_element_type=jnp.float32)
    m = jnp.max(lt, axis=0, keepdims=True)
    p = jnp.exp(lt - m)
    p = p / jnp.sum(p, axis=0, keepdims=True)
    e_total = p.shape[0]
    per_g = e_total // n_group
    prows = [p[i:i + 1, :] for i in range(e_total)]
    grows = []
    for g in range(n_group):
        gc = prows[g * per_g]
        for r in range(1, per_g):
            gc = jnp.maximum(gc, prows[g * per_g + r])
        grows.append(gc)
    gsel = _rank_lt(grows, topk_group)
    trows = [jnp.where(gsel[i // per_g], prows[i], 0.0) for i in range(e_total)]
    esel = _rank_lt(trows, top_k)
    crows = [jnp.where(esel[i], trows[i], 0.0) for i in range(e_total)]
    comb_ref[...] = jnp.concatenate(crows, axis=0)



def _planner_body(comb_ref, pos_ref, blk_ref, *, n_experts, t_tokens,
                  n_slots):
    E, T = n_experts, t_tokens
    NCH = T // 16
    mask = jnp.minimum(comb_ref[...] * 1e30, 1.0)
    jt = jax.lax.broadcasted_iota(jnp.int32, (T, T), 0)
    it2 = jax.lax.broadcasted_iota(jnp.int32, (T, T), 1)
    same = jnp.clip(1 - jnp.abs(jt // 16 - it2 // 16), 0, 1)
    lower = jnp.clip(it2 - jt, 0, 1)
    bds = (same * lower).astype(jnp.float32)
    rank = jax.lax.dot_general(
        mask, bds, (((1,), (0,)), ((), ())),
        preferred_element_type=jnp.float32, precision=jax.lax.Precision.HIGHEST)
    it = jax.lax.broadcasted_iota(jnp.int32, (T, NCH), 0)
    ic = jax.lax.broadcasted_iota(jnp.int32, (T, NCH), 1)
    dif = jnp.abs((it // 16) - ic)
    sel = jnp.clip(1 - dif, 0, 1).astype(jnp.float32)
    cnt = jax.lax.dot_general(
        mask, sel, (((1,), (0,)), ((), ())),
        preferred_element_type=jnp.float32, precision=jax.lax.Precision.HIGHEST)
    a = jax.lax.broadcasted_iota(jnp.int32, (NCH, NCH), 0)
    b = jax.lax.broadcasted_iota(jnp.int32, (NCH, NCH), 1)
    trin = jnp.clip(b - a, 0, 1).astype(jnp.float32)
    px = jax.lax.dot_general(
        cnt, trin, (((1,), (0,)), ((), ())),
        preferred_element_type=jnp.float32, precision=jax.lax.Precision.HIGHEST)
    tot = jax.lax.dot_general(
        cnt, jnp.ones((NCH, 1), jnp.float32), (((1,), (0,)), ((), ())),
        preferred_element_type=jnp.float32, precision=jax.lax.Precision.HIGHEST)
    padded = jnp.floor((tot + (BLK - 1)) / BLK) * BLK
    e1 = jax.lax.broadcasted_iota(jnp.int32, (E, E), 0)
    e2 = jax.lax.broadcasted_iota(jnp.int32, (E, E), 1)
    m8 = jnp.clip(e1 - e2, 0, 1).astype(jnp.float32)
    seg = jax.lax.dot_general(
        m8, padded, (((1,), (0,)), ((), ())),
        preferred_element_type=jnp.float32, precision=jax.lax.Precision.HIGHEST)
    pxtok = jax.lax.dot_general(
        px, sel, (((1,), (1,)), ((), ())),
        preferred_element_type=jnp.float32, precision=jax.lax.Precision.HIGHEST)
    pos_ref[...] = seg + pxtok + rank
    nblk = n_slots // BLK
    bi = jax.lax.broadcasted_iota(jnp.int32, (nblk, E), 0).astype(jnp.float32) * BLK
    segr = seg.reshape(1, E)
    cmp = jnp.clip(bi - segr + 1.0, 0.0, 1.0)
    nblkcnt = jax.lax.dot_general(
        cmp, jnp.ones((E, 1), jnp.float32), (((1,), (0,)), ((), ())),
        preferred_element_type=jnp.float32, precision=jax.lax.Precision.HIGHEST)
    blk_ref[...] = nblkcnt.astype(jnp.int32) - 1


def _dispatch_body(comb_hbm, pos_hbm, x_hbm, xs_hbm, pos0_hbm, pos1_hbm,
                   w0_hbm, w1_hbm, comb_v, posf_v, xrows_v, pos0_v, pos1_v,
                   w0_v, w1_v, sem, *, t_tokens, n_experts, n_workers,
                   n_cores):
    wid = lax.axis_index("s") * n_cores + lax.axis_index("c")
    tpw = t_tokens // n_workers
    tbase = wid * tpw
    my_first = wid * (tpw // 16)

    pltpu.sync_copy(comb_hbm, comb_v)
    pltpu.sync_copy(pos_hbm, posf_v)

    for c in range(tpw // 16):
        chunk = my_first + c
        pos0 = jnp.full((16,), -1, jnp.int32)
        pos1 = jnp.full((16,), -1, jnp.int32)
        wt0 = jnp.zeros((16,), jnp.float32)
        wt1 = jnp.zeros((16,), jnp.float32)
        for e in range(n_experts):
            cv = comb_v[e, pl.ds(chunk * 16, 16)]
            pf = posf_v[e, pl.ds(chunk * 16, 16)]
            mi = jnp.minimum(cv * 1e30, 1.0).astype(jnp.int32)
            posl = pf.astype(jnp.int32)
            asg = jnp.clip(pos0 + 1, 0, 1)
            take0 = mi * (1 - asg)
            take1 = mi * asg
            t0f = take0.astype(jnp.float32)
            t1f = take1.astype(jnp.float32)
            pos0 = take0 * posl + (1 - take0) * pos0
            wt0 = t0f * cv + (1.0 - t0f) * wt0
            pos1 = take1 * posl + (1 - take1) * pos1
            wt1 = t1f * cv + (1.0 - t1f) * wt1
        pos0_v[pl.ds(c * 16, 16)] = pos0
        pos1_v[pl.ds(c * 16, 16)] = pos1
        w0_v[pl.ds(c * 16, 16)] = wt0
        w1_v[pl.ds(c * 16, 16)] = wt1

    pltpu.sync_copy(pos0_v, pos0_hbm.at[pl.ds(tbase, tpw)])
    pltpu.sync_copy(pos1_v, pos1_hbm.at[pl.ds(tbase, tpw)])
    pltpu.sync_copy(w0_v, w0_hbm.at[pl.ds(tbase, tpw)])
    pltpu.sync_copy(w1_v, w1_hbm.at[pl.ds(tbase, tpw)])

    pltpu.sync_copy(x_hbm.at[pl.ds(tbase, tpw)], xrows_v)
    pltpu.async_copy(xrows_v, xs_hbm.at[pos0_v], sem).wait()
    pltpu.async_copy(xrows_v, xs_hbm.at[pos1_v], sem).wait()



def _group_mm_body(blk_ref, xs_ref, w1_ref, w2_ref, ys_ref, *, f):
    xr = xs_ref[...]
    xr = jnp.where(jnp.abs(xr) < 1e30, xr, 0.0)
    xb = xr.astype(jnp.bfloat16)
    h = jax.lax.dot_general(
        xb, w1_ref[0], (((1,), (1,)), ((), ())),
        preferred_element_type=jnp.float32)
    hg = h[:, :f]
    hu = h[:, f:]
    a = (hg * jax.nn.sigmoid(hg) * hu).astype(jnp.bfloat16)
    ys_ref[...] = jax.lax.dot_general(
        a, w2_ref[0], (((1,), (1,)), ((), ())),
        preferred_element_type=jnp.float32)



def _shared_body(x_ref, w1_ref, w2_ref, out_ref, *, f, bt, n_pseudo):
    e = pl.program_id(0)
    t = pl.program_id(1)
    xb = x_ref[...].astype(jnp.bfloat16)
    h = jax.lax.dot_general(
        xb, w1_ref[0], (((1,), (1,)), ((), ())),
        preferred_element_type=jnp.float32)
    hg = h[:, :f]
    hu = h[:, f:]
    a = (hg * jax.nn.sigmoid(hg) * hu).astype(jnp.bfloat16)
    o = jax.lax.dot_general(
        a, w2_ref[0], (((1,), (1,)), ((), ())),
        preferred_element_type=jnp.float32)
    rows = pl.ds(t * bt, bt)

    @pl.when(e == 0)
    def _():
        out_ref[rows, :] = o

    @pl.when(e > 0)
    def _():
        out_ref[rows, :] = out_ref[rows, :] + o


def _combine_body(p0_ref, p1_ref, w0_ref, w1_ref, ys_ref, sh_ref, out_ref,
                  *, n_slots):
    bt = p0_ref.shape[1]
    slot = jax.lax.broadcasted_iota(jnp.int32, (n_slots, bt), 0)
    p0 = p0_ref[...]
    p1 = p1_ref[...]
    w0 = w0_ref[...]
    w1 = w1_ref[...]
    eq0 = jnp.clip(1 - jnp.abs(slot - p0), 0, 1).astype(jnp.float32)
    eq1 = jnp.clip(1 - jnp.abs(slot - p1), 0, 1).astype(jnp.float32)
    mt = (eq0 * w0 + eq1 * w1).astype(jnp.bfloat16)
    out_ref[...] = jax.lax.dot_general(
        mt, ys_ref[...], (((0,), (0,)), ((), ())),
        preferred_element_type=jnp.float32) + sh_ref[...]



def kernel(x, gate_weight, w1, w2, shared_w1, shared_w2):
    T, D = x.shape
    E, F2, _ = w1.shape
    F = F2 // 2
    FS = shared_w2.shape[1]
    NP = FS // F
    n_group, topk_group, top_k = 4, 2, 2
    BT = 512
    NSLOT = top_k * T + E * BLK - E
    NSLOT = ((NSLOT + BLK - 1) // BLK) * BLK
    NBLK = NSLOT // BLK

    info = plsc.get_sparse_core_info()
    NC, NS = info.num_cores, info.num_subcores
    NW = NC * NS

    comb_t = pl.pallas_call(
        functools.partial(_router_body, n_group=n_group,
                          topk_group=topk_group, top_k=top_k),
        grid=(T // BT,),
        in_specs=[
            pl.BlockSpec((BT, D), lambda t: (t, 0)),
            pl.BlockSpec((E, D), lambda t: (0, 0)),
        ],
        out_specs=pl.BlockSpec((E, BT), lambda t: (0, t)),
        out_shape=jax.ShapeDtypeStruct((E, T), jnp.float32),
    )(x, gate_weight)

    posf, blk2 = pl.pallas_call(
        functools.partial(_planner_body, n_experts=E, t_tokens=T,
                          n_slots=NSLOT),
        grid=(1,),
        in_specs=[pl.BlockSpec((E, T), lambda i: (0, 0))],
        out_specs=[
            pl.BlockSpec((E, T), lambda i: (0, 0)),
            pl.BlockSpec((NBLK, 1), lambda i: (0, 0)),
        ],
        out_shape=[
            jax.ShapeDtypeStruct((E, T), jnp.float32),
            jax.ShapeDtypeStruct((NBLK, 1), jnp.int32),
        ],
    )(comb_t)
    blk = blk2.reshape(NBLK)

    dispatch = pl.kernel(
        functools.partial(_dispatch_body, t_tokens=T, n_experts=E,
                          n_workers=NW, n_cores=NC),
        out_type=[
            jax.ShapeDtypeStruct((NSLOT, D), jnp.float32),
            jax.ShapeDtypeStruct((T,), jnp.int32),
            jax.ShapeDtypeStruct((T,), jnp.int32),
            jax.ShapeDtypeStruct((T,), jnp.float32),
            jax.ShapeDtypeStruct((T,), jnp.float32),
        ],
        mesh=plsc.VectorSubcoreMesh(core_axis_name="c", subcore_axis_name="s"),
        scratch_types=[
            pltpu.VMEM((E, T), jnp.float32),
            pltpu.VMEM((E, T), jnp.float32),
            pltpu.VMEM((T // NW, D), jnp.float32),
            pltpu.VMEM((T // NW,), jnp.int32),
            pltpu.VMEM((T // NW,), jnp.int32),
            pltpu.VMEM((T // NW,), jnp.float32),
            pltpu.VMEM((T // NW,), jnp.float32),
            pltpu.SemaphoreType.DMA,
        ],
    )
    xs, pos0, pos1, w0, w1v = dispatch(comb_t, posf, x)

    W1 = w1.astype(jnp.bfloat16)
    W2 = w2.astype(jnp.bfloat16)

    ys = pl.pallas_call(
        functools.partial(_group_mm_body, f=F),
        grid_spec=pltpu.PrefetchScalarGridSpec(
            num_scalar_prefetch=1,
            grid=(NBLK,),
            in_specs=[
                pl.BlockSpec((BLK, D), lambda b, blk_ref: (b, 0)),
                pl.BlockSpec((1, F2, D), lambda b, blk_ref: (blk_ref[b], 0, 0)),
                pl.BlockSpec((1, D, F), lambda b, blk_ref: (blk_ref[b], 0, 0)),
            ],
            out_specs=pl.BlockSpec((BLK, D), lambda b, blk_ref: (b, 0)),
        ),
        out_shape=jax.ShapeDtypeStruct((NSLOT, D), jnp.float32),
        compiler_params=pltpu.CompilerParams(
            dimension_semantics=("arbitrary",),
        ),
    )(blk, xs, W1, W2)

    sg = shared_w1[:FS]
    su = shared_w1[FS:]
    pw1 = jnp.stack([
        jnp.concatenate([sg[i * F:(i + 1) * F], su[i * F:(i + 1) * F]], axis=0)
        for i in range(NP)]).astype(jnp.bfloat16)
    pw2 = jnp.stack([shared_w2[:, i * F:(i + 1) * F]
                     for i in range(NP)]).astype(jnp.bfloat16)

    shared_out = pl.pallas_call(
        functools.partial(_shared_body, f=F, bt=BT, n_pseudo=NP),
        grid=(NP, T // BT),
        in_specs=[
            pl.BlockSpec((BT, D), lambda e, t: (t, 0)),
            pl.BlockSpec((1, F2, D), lambda e, t: (e, 0, 0)),
            pl.BlockSpec((1, D, F), lambda e, t: (e, 0, 0)),
        ],
        out_specs=pl.BlockSpec((T, D), lambda e, t: (0, 0)),
        out_shape=jax.ShapeDtypeStruct((T, D), jnp.float32),
        compiler_params=pltpu.CompilerParams(
            dimension_semantics=("arbitrary", "arbitrary"),
        ),
    )(x, pw1, pw2)

    out = pl.pallas_call(
        functools.partial(_combine_body, n_slots=NSLOT),
        grid=(T // BT,),
        in_specs=[
            pl.BlockSpec((1, BT), lambda t: (0, t)),
            pl.BlockSpec((1, BT), lambda t: (0, t)),
            pl.BlockSpec((1, BT), lambda t: (0, t)),
            pl.BlockSpec((1, BT), lambda t: (0, t)),
            pl.BlockSpec((NSLOT, D), lambda t: (0, 0)),
            pl.BlockSpec((BT, D), lambda t: (t, 0)),
        ],
        out_specs=pl.BlockSpec((BT, D), lambda t: (t, 0)),
        out_shape=jax.ShapeDtypeStruct((T, D), jnp.float32),
    )(pos0[None, :], pos1[None, :], w0[None, :], w1v[None, :],
      ys.astype(jnp.bfloat16), shared_out)
    return out

# --- scband reference (transcript-rebuilt; emitter-appended) ---
"""Pipeline reference for scband-deepseek-v2-layer-79336635892597 (READ-ONLY COPY).

The authoritative reference and input builder live on the scoring server;
editing this copy changes nothing except your own understanding.
"""

import jax, jax.numpy as jnp
import numpy as np

T, D = 2048, 1024
E, F = 8, 1408
N_SHARED = 2
TOP_K, N_GROUP, TOPK_GROUP = 2, 4, 2
ROUTED_SCALING = 1.0
NORM_TOPK_PROB = False


def silu_and_mul(h):
    f = h.shape[-1] // 2
    return jax.nn.silu(h[..., :f]) * h[..., f:]


def grouped_topk_jax(scores, topk, n_group, topk_group, renormalize):
    num_token, n_experts = scores.shape
    group_scores = scores.reshape(num_token, n_group, -1).max(axis=-1)
    _, group_idx = jax.lax.top_k(group_scores, topk_group)
    group_mask = jnp.zeros_like(group_scores).at[jnp.arange(num_token)[:, None], group_idx].set(1.0)
    score_mask = jnp.repeat(group_mask, n_experts // n_group, axis=1)
    tmp_scores = jnp.where(score_mask > 0, scores, 0.0)
    topk_weights, topk_ids = jax.lax.top_k(tmp_scores, topk)
    if renormalize:
        topk_weights = topk_weights / jnp.sum(topk_weights, axis=-1, keepdims=True)
    return topk_weights, topk_ids


def setup_inputs(seed: int = 0):
    key = jax.random.key(seed)
    ks = jax.random.split(key, 6)
    x = jax.random.normal(ks[0], (T, D), dtype=jnp.float32)
    gate_weight = jax.random.normal(ks[1], (E, D), dtype=jnp.float32) * 0.02
    # fused gate_proj+up_proj per expert: [E, 2F, D]
    w1 = jax.random.normal(ks[2], (E, 2 * F, D), dtype=jnp.float32) * 0.02
    # down_proj per expert: [E, D, F]
    w2 = jax.random.normal(ks[3], (E, D, F), dtype=jnp.float32) * 0.02
    # shared experts fused MLP (n_shared_experts * moe_intermediate_size)
    shared_w1 = jax.random.normal(ks[4], (2 * F * N_SHARED, D), dtype=jnp.float32) * 0.02
    shared_w2 = jax.random.normal(ks[5], (D, F * N_SHARED), dtype=jnp.float32) * 0.02
    return {"x": x, "gate_weight": gate_weight, "w1": w1, "w2": w2,
            "shared_w1": shared_w1, "shared_w2": shared_w2}


def reference(x, gate_weight, w1, w2, shared_w1, shared_w2):
    # router: gating logits -> softmax -> group-limited top-k (grouped_topk)
    logits = x @ gate_weight.T
    scores = jax.nn.softmax(logits, axis=-1)
    topk_weights, topk_ids = grouped_topk_jax(scores, TOP_K, N_GROUP, TOPK_GROUP, NORM_TOPK_PROB)
    # dense one-hot combine weights [T, E] (static-shape equivalent of fused_experts dispatch)
    comb = (jax.nn.one_hot(topk_ids, E, dtype=x.dtype) * topk_weights[..., None]).sum(axis=1)
    # expert MLPs: h = x @ w1^T ; silu_and_mul ; @ w2^T ; weighted-sum over experts
    h = jnp.einsum('td,efd->tef', x, w1)
    a = silu_and_mul(h)
    routed_out = jnp.einsum('tef,edf,te->td', a, w2, comb) * ROUTED_SCALING
    # shared experts (always-on dense MLP)
    sh = silu_and_mul(x @ shared_w1.T)
    shared_out = sh @ shared_w2.T
    return routed_out + shared_out

if __name__ == "__main__":
    import jax
    _d = setup_inputs()
    print(jax.jit(kernel)(*tuple(_d.values())))

</pallas_src>

<mosaic_0001>
#map = affine_map<(d0, d1) -> (0, 0)>
#map1 = affine_map<(d0, d1) -> (0)>
module attributes {stable_mosaic.version = 14 : i64} {
  func.func @_dispatch_body(%arg0: i32, %arg1: i32, %arg2: memref<8x2048xf32, #tpu.memory_space<hbm>>, %arg3: memref<8x2048xf32, #tpu.memory_space<hbm>>, %arg4: memref<2048x1024xf32, #tpu.memory_space<hbm>>, %arg5: memref<6144x1024xf32, #tpu.memory_space<hbm>>, %arg6: memref<2048xi32, #tpu.memory_space<hbm>>, %arg7: memref<2048xi32, #tpu.memory_space<hbm>>, %arg8: memref<2048xf32, #tpu.memory_space<hbm>>, %arg9: memref<2048xf32, #tpu.memory_space<hbm>>, %arg10: memref<8x2048xf32, #tpu.memory_space<vmem>>, %arg11: memref<8x2048xf32, #tpu.memory_space<vmem>>, %arg12: memref<64x1024xf32, #tpu.memory_space<vmem>>, %arg13: memref<64xi32, #tpu.memory_space<vmem>>, %arg14: memref<64xi32, #tpu.memory_space<vmem>>, %arg15: memref<64xf32, #tpu.memory_space<vmem>>, %arg16: memref<64xf32, #tpu.memory_space<vmem>>, %arg17: memref<!tpu.dma_semaphore, #tpu.memory_space<semaphore_mem>>) attributes {dimension_semantics = [#tpu.dimension_semantics<core_parallel>, #tpu.dimension_semantics<subcore_parallel>], iteration_bounds = array<i64: 2, 16>, scalar_prefetch = 0 : i64, scratch_operands = 8 : i64, tpu.core_type = #tpu.core_type<sc_vector_subcore>, window_params = [{transform_indices = #map}, {transform_indices = #map}, {transform_indices = #map}, {transform_indices = #map}, {transform_indices = #map1}, {transform_indices = #map1}, {transform_indices = #map1}, {transform_indices = #map1}]} {
    %mul3A = arith.constant 2 : i32
    %mul3A_0 = arith.muli %arg1, %mul3A : i32
    %add3A = arith.addi %mul3A_0, %arg0 : i32
    %mul3A_1 = arith.constant 64 : i32
    %mul3A_2 = arith.muli %add3A, %mul3A_1 : i32
    %mul3A_3 = arith.constant 4 : i32
    %mul3A_4 = arith.muli %add3A, %mul3A_3 : i32
    "tpu.region"() ({
      %run_scoped3A = tpu.sem_alloc : memref<!tpu.dma_semaphore, #tpu.memory_space<semaphore_mem>>
      tpu.enqueue_dma source(%arg2 : memref<8x2048xf32, #tpu.memory_space<hbm>>) target(%arg10 : memref<8x2048xf32, #tpu.memory_space<vmem>>) target_semaphore(%run_scoped3A : memref<!tpu.dma_semaphore, #tpu.memory_space<semaphore_mem>>)
      tpu.wait_dma2 semaphore(%run_scoped3A : memref<!tpu.dma_semaphore, #tpu.memory_space<semaphore_mem>>) src(%arg2 : memref<8x2048xf32, #tpu.memory_space<hbm>>) dst(%arg10 : memref<8x2048xf32, #tpu.memory_space<vmem>>)
      tpu.yield
    }) : () -> ()
    "tpu.region"() ({
      %run_scoped3A = tpu.sem_alloc : memref<!tpu.dma_semaphore, #tpu.memory_space<semaphore_mem>>
      tpu.enqueue_dma source(%arg3 : memref<8x2048xf32, #tpu.memory_space<hbm>>) target(%arg11 : memref<8x2048xf32, #tpu.memory_space<vmem>>) target_semaphore(%run_scoped3A : memref<!tpu.dma_semaphore, #tpu.memory_space<semaphore_mem>>)
      tpu.wait_dma2 semaphore(%run_scoped3A : memref<!tpu.dma_semaphore, #tpu.memory_space<semaphore_mem>>) src(%arg3 : memref<8x2048xf32, #tpu.memory_space<hbm>>) dst(%arg11 : memref<8x2048xf32, #tpu.memory_space<vmem>>)
      tpu.yield
    }) : () -> ()
    %add3A_5 = arith.constant 0 : i32
    %add3A_6 = arith.addi %mul3A_4, %add3A_5 : i32
    %broadcast_in_dim3A = arith.constant -1 : i32
    %broadcast_in_dim3A_7 = vector.broadcast %broadcast_in_dim3A : i32 to vector<16xi32>
    %broadcast_in_dim3A_8 = arith.constant -1 : i32
    %broadcast_in_dim3A_9 = vector.broadcast %broadcast_in_dim3A_8 : i32 to vector<16xi32>
    %broadcast_in_dim3A_10 = arith.constant 0.000000e+00 : f32
    %broadcast_in_dim3A_11 = vector.broadcast %broadcast_in_dim3A_10 : f32 to vector<16xf32>
    %broadcast_in_dim3A_12 = arith.constant 0.000000e+00 : f32
    %broadcast_in_dim3A_13 = vector.broadcast %broadcast_in_dim3A_12 : f32 to vector<16xf32>
    %mul3A_14 = arith.constant 16 : i32
    %mul3A_15 = arith.muli %add3A_6, %mul3A_14 : i32
    %get3A = arith.constant 0 : i32
    %get3A_16 = arith.index_cast %get3A : i32 to index
    %get3A_17 = arith.index_cast %mul3A_15 : i32 to index
    %get3A_18 = tpu.vector_load %arg10[%get3A_16, %get3A_17] {strides = array<i32>} : memref<8x2048xf32, #tpu.memory_space<vmem>>, vector<1x16xf32>,
    %get3A_19 = vector.shape_cast %get3A_18 : vector<1x16xf32> to vector<16xf32>
    %mul3A_20 = arith.constant 16 : i32
    %mul3A_21 = arith.muli %add3A_6, %mul3A_20 : i32
    %get3A_22 = arith.constant 0 : i32
    %get3A_23 = arith.index_cast %get3A_22 : i32 to index
    %get3A_24 = arith.index_cast %mul3A_21 : i32 to index
    %get3A_25 = tpu.vector_load %arg11[%get3A_23, %get3A_24] {strides = array<i32>} : memref<8x2048xf32, #tpu.memory_space<vmem>>, vector<1x16xf32>,
    %get3A_26 = vector.shape_cast %get3A_25 : vector<1x16xf32> to vector<16xf32>
    %mul3A_27 = arith.constant 1.000000e+30 : f32
    %mul3A_28 = vector.broadcast %mul3A_27 : f32 to vector<16xf32>
    %mul3A_29 = arith.mulf %get3A_19, %mul3A_28 : vector<16xf32>
    %min3A = arith.constant 1.000000e+00 : f32
    %min3A_30 = vector.broadcast %min3A : f32 to vector<16xf32>
    %min3A_31 = arith.minimumf %mul3A_29, %min3A_30 : vector<16xf32>
    %convert_element_type3A = arith.fptosi %min3A_31 : vector<16xf32> to vector<16xi32>
    %convert_element_type3A_32 = arith.fptosi %get3A_26 : vector<16xf32> to vector<16xi32>
    %add3A_33 = arith.constant 1 : i32
    %add3A_34 = vector.broadcast %add3A_33 : i32 to vector<16xi32>
    %add3A_35 = arith.addi %broadcast_in_dim3A_7, %add3A_34 : vector<16xi32>
    %jit3A = arith.constant 0 : i32
    %jit3A_36 = arith.constant 1 : i32
    %max3A = vector.broadcast %jit3A : i32 to vector<16xi32>
    %max3A_37 = arith.maxsi %max3A, %add3A_35 : vector<16xi32>
    %min3A_38 = vector.broadcast %jit3A_36 : i32 to vector<16xi32>
    %min3A_39 = arith.minsi %min3A_38, %max3A_37 : vector<16xi32>
    %sub3A = arith.constant 1 : i32
    %sub3A_40 = vector.broadcast %sub3A : i32 to vector<16xi32>
    %sub3A_41 = arith.subi %sub3A_40, %min3A_39 : vector<16xi32>
    %mul3A_42 = arith.muli %convert_element_type3A, %sub3A_41 : vector<16xi32>
    %mul3A_43 = arith.muli %convert_element_type3A, %min3A_39 : vector<16xi32>
    %convert_element_type3A_44 = arith.sitofp %mul3A_42 : vector<16xi32> to vector<16xf32>
    %convert_element_type3A_45 = arith.sitofp %mul3A_43 : vector<16xi32> to vector<16xf32>
    %mul3A_46 = arith.muli %mul3A_42, %convert_element_type3A_32 : vector<16xi32>
    %sub3A_47 = arith.constant 1 : i32
    %sub3A_48 = vector.broadcast %sub3A_47 : i32 to vector<16xi32>
    %sub3A_49 = arith.subi %sub3A_48, %mul3A_42 : vector<16xi32>
    %mul3A_50 = arith.muli %sub3A_49, %broadcast_in_dim3A_7 : vector<16xi32>
    %add3A_51 = arith.addi %mul3A_46, %mul3A_50 : vector<16xi32>
    %mul3A_52 = arith.mulf %convert_element_type3A_44, %get3A_19 : vector<16xf32>
    %sub3A_53 = arith.constant 1.000000e+00 : f32
    %sub3A_54 = vector.broadcast %sub3A_53 : f32 to vector<16xf32>
    %sub3A_55 = arith.subf %sub3A_54, %convert_element_type3A_44 : vector<16xf32>
    %mul3A_56 = arith.mulf %sub3A_55, %broadcast_in_dim3A_11 : vector<16xf32>
    %add3A_57 = arith.addf %mul3A_52, %mul3A_56 : vector<16xf32>
    %mul3A_58 = arith.muli %mul3A_43, %convert_element_type3A_32 : vector<16xi32>
    %sub3A_59 = arith.constant 1 : i32
    %sub3A_60 = vector.broadcast %sub3A_59 : i32 to vector<16xi32>
    %sub3A_61 = arith.subi %sub3A_60, %mul3A_43 : vector<16xi32>
    %mul3A_62 = arith.muli %sub3A_61, %broadcast_in_dim3A_9 : vector<16xi32>
    %add3A_63 = arith.addi %mul3A_58, %mul3A_62 : vector<16xi32>
    %mul3A_64 = arith.mulf %convert_element_type3A_45, %get3A_19 : vector<16xf32>
    %sub3A_65 = arith.constant 1.000000e+00 : f32
    %sub3A_66 = vector.broadcast %sub3A_65 : f32 to vector<16xf32>
    %sub3A_67 = arith.subf %sub3A_66, %convert_element_type3A_45 : vector<16xf32>
    %mul3A_68 = arith.mulf %sub3A_67, %broadcast_in_dim3A_13 : vector<16xf32>
    %add3A_69 = arith.addf %mul3A_64, %mul3A_68 : vector<16xf32>
    %mul3A_70 = arith.constant 16 : i32
    %mul3A_71 = arith.muli %add3A_6, %mul3A_70 : i32
    %get3A_72 = arith.constant 1 : i32
    %get3A_73 = arith.index_cast %get3A_72 : i32 to index
    %get3A_74 = arith.index_cast %mul3A_71 : i32 to index
    %get3A_75 = tpu.vector_load %arg10[%get3A_73, %get3A_74] {strides = array<i32>} : memref<8x2048xf32, #tpu.memory_space<vmem>>, vector<1x16xf32>,
    %get3A_76 = vector.shape_cast %get3A_75 : vector<1x16xf32> to vector<16xf32>
    %mul3A_77 = arith.constant 16 : i32
    %mul3A_78 = arith.muli %add3A_6, %mul3A_77 : i32
    %get3A_79 = arith.constant 1 : i32
    %get3A_80 = arith.index_cast %get3A_79 : i32 to index
    %get3A_81 = arith.index_cast %mul3A_78 : i32 to index
    %get3A_82 = tpu.vector_load %arg11[%get3A_80, %get3A_81] {strides = array<i32>} : memref<8x2048xf32, #tpu.memory_space<vmem>>, vector<1x16xf32>,
    %get3A_83 = vector.shape_cast %get3A_82 : vector<1x16xf32> to vector<16xf32>
    %mul3A_84 = arith.constant 1.000000e+30 : f32
    %mul3A_85 = vector.broadcast %mul3A_84 : f32 to vector<16xf32>
    %mul3A_86 = arith.mulf %get3A_76, %mul3A_85 : vector<16xf32>
    %min3A_87 = arith.constant 1.000000e+00 : f32
    %min3A_88 = vector.broadcast %min3A_87 : f32 to vector<16xf32>
    %min3A_89 = arith.minimumf %mul3A_86, %min3A_88 : vector<16xf32>
    %convert_element_type3A_90 = arith.fptosi %min3A_89 : vector<16xf32> to vector<16xi32>
    %convert_element_type3A_91 = arith.fptosi %get3A_83 : vector<16xf32> to vector<16xi32>
    %add3A_92 = arith.constant 1 : i32
    %add3A_93 = vector.broadcast %add3A_92 : i32 to vector<16xi32>
    %add3A_94 = arith.addi %add3A_51, %add3A_93 : vector<16xi32>
    %jit3A_95 = arith.constant 0 : i32
    %jit3A_96 = arith.constant 1 : i32
    %max3A_97 = vector.broadcast %jit3A_95 : i32 to vector<16xi32>
    %max3A_98 = arith.maxsi %max3A_97, %add3A_94 : vector<16xi32>
    %min3A_99 = vector.broadcast %jit3A_96 : i32 to vector<16xi32>
    %min3A_100 = arith.minsi %min3A_99, %max3A_98 : vector<16xi32>
    %sub3A_101 = arith.constant 1 : i32
    %sub3A_102 = vector.broadcast %sub3A_101 : i32 to vector<16xi32>
    %sub3A_103 = arith.subi %sub3A_102, %min3A_100 : vector<16xi32>
    %mul3A_104 = arith.muli %convert_element_type3A_90, %sub3A_103 : vector<16xi32>
    %mul3A_105 = arith.muli %convert_element_type3A_90, %min3A_100 : vector<16xi32>
    %convert_element_type3A_106 = arith.sitofp %mul3A_104 : vector<16xi32> to vector<16xf32>
    %convert_element_type3A_107 = arith.sitofp %mul3A_105 : vector<16xi32> to vector<16xf32>
    %mul3A_108 = arith.muli %mul3A_104, %convert_element_type3A_91 : vector<16xi32>
    %sub3A_109 = arith.constant 1 : i32
    %sub3A_110 = vector.broadcast %sub3A_109 : i32 to vector<16xi32>
    %sub3A_111 = arith.subi %sub3A_110, %mul3A_104 : vector<16xi32>
    %mul3A_112 = arith.muli %sub3A_111, %add3A_51 : vector<16xi32>
    %add3A_113 = arith.addi %mul3A_108, %mul3A_112 : vector<16xi32>
    %mul3A_114 = arith.mulf %convert_element_type3A_106, %get3A_76 : vector<16xf32>
    %sub3A_115 = arith.constant 1.000000e+00 : f32
    %sub3A_116 = vector.broadcast %sub3A_115 : f32 to vector<16xf32>
    %sub3A_117 = arith.subf %sub3A_116, %convert_element_type3A_106 : vector<16xf32>
    %mul3A_118 = arith.mulf %sub3A_117, %add3A_57 : vector<16xf32>
    %add3A_119 = arith.addf %mul3A_114, %mul3A_118 : vector<16xf32>
    %mul3A_120 = arith.muli %mul3A_105, %convert_element_type3A_91 : vector<16xi32>
    %sub3A_121 = arith.constant 1 : i32
    %sub3A_122 = vector.broadcast %sub3A_121 : i32 to vector<16xi32>
    %sub3A_123 = arith.subi %sub3A_122, %mul3A_105 : vector<16xi32>
    %mul3A_124 = arith.muli %sub3A_123, %add3A_63 : vector<16xi32>
    %add3A_125 = arith.addi %mul3A_120, %mul3A_124 : vector<16xi32>
    %mul3A_126 = arith.mulf %convert_element_type3A_107, %get3A_76 : vector<16xf32>
    %sub3A_127 = arith.constant 1.000000e+00 : f32
    %sub3A_128 = vector.broadcast %sub3A_127 : f32 to vector<16xf32>
    %sub3A_129 = arith.subf %sub3A_128, %convert_element_type3A_107 : vector<16xf32>
    %mul3A_130 = arith.mulf %sub3A_129, %add3A_69 : vector<16xf32>
    %add3A_131 = arith.addf %mul3A_126, %mul3A_130 : vector<16xf32>
    %mul3A_132 = arith.constant 16 : i32
    %mul3A_133 = arith.muli %add3A_6, %mul3A_132 : i32
    %get3A_134 = arith.constant 2 : i32
    %get3A_135 = arith.index_cast %get3A_134 : i32 to index
    %get3A_136 = arith.index_cast %mul3A_133 : i32 to index
    %get3A_137 = tpu.vector_load %arg10[%get3A_135, %get3A_136] {strides = array<i32>} : memref<8x2048xf32, #tpu.memory_space<vmem>>, vector<1x16xf32>,
    %get3A_138 = vector.shape_cast %get3A_137 : vector<1x16xf32> to vector<16xf32>
    %mul3A_139 = arith.constant 16 : i32
    %mul3A_140 = arith.muli %add3A_6, %mul3A_139 : i32
    %get3A_141 = arith.constant 2 : i32
    %get3A_142 = arith.index_cast %get3A_141 : i32 to index
    %get3A_143 = arith.index_cast %mul3A_140 : i32 to index
    %get3A_144 = tpu.vector_load %arg11[%get3A_142, %get3A_143] {strides = array<i32>} : memref<8x2048xf32, #tpu.memory_space<vmem>>, vector<1x16xf32>,
    %get3A_145 = vector.shape_cast %get3A_144 : vector<1x16xf32> to vector<16xf32>
    %mul3A_146 = arith.constant 1.000000e+30 : f32
    %mul3A_147 = vector.broadcast %mul3A_146 : f32 to vector<16xf32>
    %mul3A_148 = arith.mulf %get3A_138, %mul3A_147 : vector<16xf32>
    %min3A_149 = arith.constant 1.000000e+00 : f32
    %min3A_150 = vector.broadcast %min3A_149 : f32 to vector<16xf32>
    %min3A_151 = arith.minimumf %mul3A_148, %min3A_150 : vector<16xf32>
    %convert_element_type3A_152 = arith.fptosi %min3A_151 : vector<16xf32> to vector<16xi32>
    %convert_element_type3A_153 = arith.fptosi %get3A_145 : vector<16xf32> to vector<16xi32>
    %add3A_154 = arith.constant 1 : i32
    %add3A_155 = vector.broadcast %add3A_154 : i32 to vector<16xi32>
    %add3A_156 = arith.addi %add3A_113, %add3A_155 : vector<16xi32>
    %jit3A_157 = arith.constant 0 : i32
    %jit3A_158 = arith.constant 1 : i32
    %max3A_159 = vector.broadcast %jit3A_157 : i32 to vector<16xi32>
    %max3A_160 = arith.maxsi %max3A_159, %add3A_156 : vector<16xi32>
    %min3A_161 = vector.broadcast %jit3A_158 : i32 to vector<16xi32>
    %min3A_162 = arith.minsi %min3A_161, %max3A_160 : vector<16xi32>
    %sub3A_163 = arith.constant 1 : i32
    %sub3A_164 = vector.broadcast %sub3A_163 : i32 to vector<16xi32>
    %sub3A_165 = arith.subi %sub3A_164, %min3A_162 : vector<16xi32>
    %mul3A_166 = arith.muli %convert_element_type3A_152, %sub3A_165 : vector<16xi32>
    %mul3A_167 = arith.muli %convert_element_type3A_152, %min3A_162 : vector<16xi32>
    %convert_element_type3A_168 = arith.sitofp %mul3A_166 : vector<16xi32> to vector<16xf32>
    %convert_element_type3A_169 = arith.sitofp %mul3A_167 : vector<16xi32> to vector<16xf32>
    %mul3A_170 = arith.muli %mul3A_166, %convert_element_type3A_153 : vector<16xi32>
    %sub3A_171 = arith.constant 1 : i32
    %sub3A_172 = vector.broadcast %sub3A_171 : i32 to vector<16xi32>
    %sub3A_173 = arith.subi %sub3A_172, %mul3A_166 : vector<16xi32>
    %mul3A_174 = arith.muli %sub3A_173, %add3A_113 : vector<16xi32>
    %add3A_175 = arith.addi %mul3A_170, %mul3A_174 : vector<16xi32>
    %mul3A_176 = arith.mulf %convert_element_type3A_168, %get3A_138 : vector<16xf32>
    %sub3A_177 = arith.constant 1.000000e+00 : f32
    %sub3A_178 = vector.broadcast %sub3A_177 : f32 to vector<16xf32>
    %sub3A_179 = arith.subf %sub3A_178, %convert_element_type3A_168 : vector<16xf32>
    %mul3A_180 = arith.mulf %sub3A_179, %add3A_119 : vector<16xf32>
    %add3A_181 = arith.addf %mul3A_176, %mul3A_180 : vector<16xf32>
    %mul3A_182 = arith.muli %mul3A_167, %convert_element_type3A_153 : vector<16xi32>
    %sub3A_183 = arith.constant 1 : i32
    %sub3A_184 = vector.broadcast %sub3A_183 : i32 to vector<16xi32>
    %sub3A_185 = arith.subi %sub3A_184, %mul3A_167 : vector<16xi32>
    %mul3A_186 = arith.muli %sub3A_185, %add3A_125 : vector<16xi32>
    %add3A_187 = arith.addi %mul3A_182, %mul3A_186 : vector<16xi32>
    %mul3A_188 = arith.mulf %convert_element_type3A_169, %get3A_138 : vector<16xf32>
    %sub3A_189 = arith.constant 1.000000e+00 : f32
    %sub3A_190 = vector.broadcast %sub3A_189 : f32 to vector<16xf32>
    %sub3A_191 = arith.subf %sub3A_190, %convert_element_type3A_169 : vector<16xf32>
    %mul3A_192 = arith.mulf %sub3A_191, %add3A_131 : vector<16xf32>
    %add3A_193 = arith.addf %mul3A_188, %mul3A_192 : vector<16xf32>
    %mul3A_194 = arith.constant 16 : i32
    %mul3A_195 = arith.muli %add3A_6, %mul3A_194 : i32
    %get3A_196 = arith.constant 3 : i32
    %get3A_197 = arith.index_cast %get3A_196 : i32 to index
    %get3A_198 = arith.index_cast %mul3A_195 : i32 to index
    %get3A_199 = tpu.vector_load %arg10[%get3A_197, %get3A_198] {strides = array<i32>} : memref<8x2048xf32, #tpu.memory_space<vmem>>, vector<1x16xf32>,
    %get3A_200 = vector.shape_cast %get3A_199 : vector<1x16xf32> to vector<16xf32>
    %mul3A_201 = arith.constant 16 : i32
    %mul3A_202 = arith.muli %add3A_6, %mul3A_201 : i32
    %get3A_203 = arith.constant 3 : i32
    %get3A_204 = arith.index_cast %get3A_203 : i32 to index
    %get3A_205 = arith.index_cast %mul3A_202 : i32 to index
    %get3A_206 = tpu.vector_load %arg11[%get3A_204, %get3A_205] {strides = array<i32>} : memref<8x2048xf32, #tpu.memory_space<vmem>>, vector<1x16xf32>,
    %get3A_207 = vector.shape_cast %get3A_206 : vector<1x16xf32> to vector<16xf32>
    %mul3A_208 = arith.constant 1.000000e+30 : f32
    %mul3A_209 = vector.broadcast %mul3A_208 : f32 to vector<16xf32>
    %mul3A_210 = arith.mulf %get3A_200, %mul3A_209 : vector<16xf32>
    %min3A_211 = arith.constant 1.000000e+00 : f32
    %min3A_212 = vector.broadcast %min3A_211 : f32 to vector<16xf32>
    %min3A_213 = arith.minimumf %mul3A_210, %min3A_212 : vector<16xf32>
    %convert_element_type3A_214 = arith.fptosi %min3A_213 : vector<16xf32> to vector<16xi32>
    %convert_element_type3A_215 = arith.fptosi %get3A_207 : vector<16xf32> to vector<16xi32>
    %add3A_216 = arith.constant 1 : i32
    %add3A_217 = vector.broadcast %add3A_216 : i32 to vector<16xi32>
    %add3A_218 = arith.addi %add3A_175, %add3A_217 : vector<16xi32>
    %jit3A_219 = arith.constant 0 : i32
    %jit3A_220 = arith.constant 1 : i32
    %max3A_221 = vector.broadcast %jit3A_219 : i32 to vector<16xi32>
    %max3A_222 = arith.maxsi %max3A_221, %add3A_218 : vector<16xi32>
    %min3A_223 = vector.broadcast %jit3A_220 : i32 to vector<16xi32>
    %min3A_224 = arith.minsi %min3A_223, %max3A_222 : vector<16xi32>
    %sub3A_225 = arith.constant 1 : i32
    %sub3A_226 = vector.broadcast %sub3A_225 : i32 to vector<16xi32>
    %sub3A_227 = arith.subi %sub3A_226, %min3A_224 : vector<16xi32>
    %mul3A_228 = arith.muli %convert_element_type3A_214, %sub3A_227 : vector<16xi32>
    %mul3A_229 = arith.muli %convert_element_type3A_214, %min3A_224 : vector<16xi32>
    %convert_element_type3A_230 = arith.sitofp %mul3A_228 : vector<16xi32> to vector<16xf32>
    %convert_element_type3A_231 = arith.sitofp %mul3A_229 : vector<16xi32> to vector<16xf32>
    %mul3A_232 = arith.muli %mul3A_228, %convert_element_type3A_215 : vector<16xi32>
    %sub3A_233 = arith.constant 1 : i32
    %sub3A_234 = vector.broadcast %sub3A_233 : i32 to vector<16xi32>
    %sub3A_235 = arith.subi %sub3A_234, %mul3A_228 : vector<16xi32>
    %mul3A_236 = arith.muli %sub3A_235, %add3A_175 : vector<16xi32>
    %add3A_237 = arith.addi %mul3A_232, %mul3A_236 : vector<16xi32>
    %mul3A_238 = arith.mulf %convert_element_type3A_230, %get3A_200 : vector<16xf32>
    %sub3A_239 = arith.constant 1.000000e+00 : f32
    %sub3A_240 = vector.broadcast %sub3A_239 : f32 to vector<16xf32>
    %sub3A_241 = arith.subf %sub3A_240, %convert_element_type3A_230 : vector<16xf32>
    %mul3A_242 = arith.mulf %sub3A_241, %add3A_181 : vector<16xf32>
    %add3A_243 = arith.addf %mul3A_238, %mul3A_242 : vector<16xf32>
    %mul3A_244 = arith.muli %mul3A_229, %convert_element_type3A_215 : vector<16xi32>
    %sub3A_245 = arith.constant 1 : i32
    %sub3A_246 = vector.broadcast %sub3A_245 : i32 to vector<16xi32>
    %sub3A_247 = arith.subi %sub3A_246, %mul3A_229 : vector<16xi32>
    %mul3A_248 = arith.muli %sub3A_247, %add3A_187 : vector<16xi32>
    %add3A_249 = arith.addi %mul3A_244, %mul3A_248 : vector<16xi32>
    %mul3A_250 = arith.mulf %convert_element_type3A_231, %get3A_200 : vector<16xf32>
    %sub3A_251 = arith.constant 1.000000e+00 : f32
    %sub3A_252 = vector.broadcast %sub3A_251 : f32 to vector<16xf32>
    %sub3A_253 = arith.subf %sub3A_252, %convert_element_type3A_231 : vector<16xf32>
    %mul3A_254 = arith.mulf %sub3A_253, %add3A_193 : vector<16xf32>
    %add3A_255 = arith.addf %mul3A_250, %mul3A_254 : vector<16xf32>
    %mul3A_256 = arith.constant 16 : i32
    %mul3A_257 = arith.muli %add3A_6, %mul3A_256 : i32
    %get3A_258 = arith.constant 4 : i32
    %get3A_259 = arith.index_cast %get3A_258 : i32 to index
    %get3A_260 = arith.index_cast %mul3A_257 : i32 to index
    %get3A_261 = tpu.vector_load %arg10[%get3A_259, %get3A_260] {strides = array<i32>} : memref<8x2048xf32, #tpu.memory_space<vmem>>, vector<1x16xf32>,
    %get3A_262 = vector.shape_cast %get3A_261 : vector<1x16xf32> to vector<16xf32>
    %mul3A_263 = arith.constant 16 : i32
    %mul3A_264 = arith.muli %add3A_6, %mul3A_263 : i32
    %get3A_265 = arith.constant 4 : i32
    %get3A_266 = arith.index_cast %get3A_265 : i32 to index
    %get3A_267 = arith.index_cast %mul3A_264 : i32 to index
    %get3A_268 = tpu.vector_load %arg11[%get3A_266, %get3A_267] {strides = array<i32>} : memref<8x2048xf32, #tpu.memory_space<vmem>>, vector<1x16xf32>,
    %get3A_269 = vector.shape_cast %get3A_268 : vector<1x16xf32> to vector<16xf32>
    %mul3A_270 = arith.constant 1.000000e+30 : f32
    %mul3A_271 = vector.broadcast %mul3A_270 : f32 to vector<16xf32>
    %mul3A_272 = arith.mulf %get3A_262, %mul3A_271 : vector<16xf32>
    %min3A_273 = arith.constant 1.000000e+00 : f32
    %min3A_274 = vector.broadcast %min3A_273 : f32 to vector<16xf32>
    %min3A_275 = arith.minimumf %mul3A_272, %min3A_274 : vector<16xf32>
    %convert_element_type3A_276 = arith.fptosi %min3A_275 : vector<16xf32> to vector<16xi32>
    %convert_element_type3A_277 = arith.fptosi %get3A_269 : vector<16xf32> to vector<16xi32>
    %add3A_278 = arith.constant 1 : i32
    %add3A_279 = vector.broadcast %add3A_278 : i32 to vector<16xi32>
    %add3A_280 = arith.addi %add3A_237, %add3A_279 : vector<16xi32>
    %jit3A_281 = arith.constant 0 : i32
    %jit3A_282 = arith.constant 1 : i32
    %max3A_283 = vector.broadcast %jit3A_281 : i32 to vector<16xi32>
    %max3A_284 = arith.maxsi %max3A_283, %add3A_280 : vector<16xi32>
    %min3A_285 = vector.broadcast %jit3A_282 : i32 to vector<16xi32>
    %min3A_286 = arith.minsi %min3A_285, %max3A_284 : vector<16xi32>
    %sub3A_287 = arith.constant 1 : i32
    %sub3A_288 = vector.broadcast %sub3A_287 : i32 to vector<16xi32>
    %sub3A_289 = arith.subi %sub3A_288, %min3A_286 : vector<16xi32>
    %mul3A_290 = arith.muli %convert_element_type3A_276, %sub3A_289 : vector<16xi32>
    %mul3A_291 = arith.muli %convert_element_type3A_276, %min3A_286 : vector<16xi32>
    %convert_element_type3A_292 = arith.sitofp %mul3A_290 : vector<16xi32> to vector<16xf32>
    %convert_element_type3A_293 = arith.sitofp %mul3A_291 : vector<16xi32> to vector<16xf32>
    %mul3A_294 = arith.muli %mul3A_290, %convert_element_type3A_277 : vector<16xi32>
    %sub3A_295 = arith.constant 1 : i32
    %sub3A_296 = vector.broadcast %sub3A_295 : i32 to vector<16xi32>
    %sub3A_297 = arith.subi %sub3A_296, %mul3A_290 : vector<16xi32>
    %mul3A_298 = arith.muli %sub3A_297, %add3A_237 : vector<16xi32>
    %add3A_299 = arith.addi %mul3A_294, %mul3A_298 : vector<16xi32>
    %mul3A_300 = arith.mulf %convert_element_type3A_292, %get3A_262 : vector<16xf32>
    %sub3A_301 = arith.constant 1.000000e+00 : f32
    %sub3A_302 = vector.broadcast %sub3A_301 : f32 to vector<16xf32>
    %sub3A_303 = arith.subf %sub3A_302, %convert_element_type3A_292 : vector<16xf32>
    %mul3A_304 = arith.mulf %sub3A_303, %add3A_243 : vector<16xf32>
    %add3A_305 = arith.addf %mul3A_300, %mul3A_304 : vector<16xf32>
    %mul3A_306 = arith.muli %mul3A_291, %convert_element_type3A_277 : vector<16xi32>
    %sub3A_307 = arith.constant 1 : i32
    %sub3A_308 = vector.broadcast %sub3A_307 : i32 to vector<16xi32>
    %sub3A_309 = arith.subi %sub3A_308, %mul3A_291 : vector<16xi32>
    %mul3A_310 = arith.muli %sub3A_309, %add3A_249 : vector<16xi32>
    %add3A_311 = arith.addi %mul3A_306, %mul3A_310 : vector<16xi32>
    %mul3A_312 = arith.mulf %convert_element_type3A_293, %get3A_262 : vector<16xf32>
    %sub3A_313 = arith.constant 1.000000e+00 : f32
    %sub3A_314 = vector.broadcast %sub3A_313 : f32 to vector<16xf32>
    %sub3A_315 = arith.subf %sub3A_314, %convert_element_type3A_293 : vector<16xf32>
    %mul3A_316 = arith.mulf %sub3A_315, %add3A_255 : vector<16xf32>
    %add3A_317 = arith.addf %mul3A_312, %mul3A_316 : vector<16xf32>
    %mul3A_318 = arith.constant 16 : i32
    %mul3A_319 = arith.muli %add3A_6, %mul3A_318 : i32
    %get3A_320 = arith.constant 5 : i32
    %get3A_321 = arith.index_cast %get3A_320 : i32 to index
    %get3A_322 = arith.index_cast %mul3A_319 : i32 to index
    %get3A_323 = tpu.vector_load %arg10[%get3A_321, %get3A_322] {strides = array<i32>} : memref<8x2048xf32, #tpu.memory_space<vmem>>, vector<1x16xf32>,
    %get3A_324 = vector.shape_cast %get3A_323 : vector<1x16xf32> to vector<16xf32>
    %mul3A_325 = arith.constant 16 : i32
    %mul3A_326 = arith.muli %add3A_6, %mul3A_325 : i32
    %get3A_327 = arith.constant 5 : i32
    %get3A_328 = arith.index_cast %get3A_327 : i32 to index
    %get3A_329 = arith.index_cast %mul3A_326 : i32 to index
    %get3A_330 = tpu.vector_load %arg11[%get3A_328, %get3A_329] {strides = array<i32>} : memref<8x2048xf32, #tpu.memory_space<vmem>>, vector<1x16xf32>,
    %get3A_331 = vector.shape_cast %get3A_330 : vector<1x16xf32> to vector<16xf32>
    %mul3A_332 = arith.constant 1.000000e+30 : f32
    %mul3A_333 = vector.broadcast %mul3A_332 : f32 to vector<16xf32>
    %mul3A_334 = arith.mulf %get3A_324, %mul3A_333 : vector<16xf32>
    %min3A_335 = arith.constant 1.000000e+00 : f32
    %min3A_336 = vector.broadcast %min3A_335 : f32 to vector<16xf32>
    %min3A_337 = arith.minimumf %mul3A_334, %min3A_336 : vector<16xf32>
    %convert_element_type3A_338 = arith.fptosi %min3A_337 : vector<16xf32> to vector<16xi32>
    %convert_element_type3A_339 = arith.fptosi %get3A_331 : vector<16xf32> to vector<16xi32>
    %add3A_340 = arith.constant 1 : i32
    %add3A_341 = vector.broadcast %add3A_340 : i32 to vector<16xi32>
    %add3A_342 = arith.addi %add3A_299, %add3A_341 : vector<16xi32>
    %jit3A_343 = arith.constant 0 : i32
    %jit3A_344 = arith.constant 1 : i32
    %max3A_345 = vector.broadcast %jit3A_343 : i32 to vector<16xi32>
    %max3A_346 = arith.maxsi %max3A_345, %add3A_342 : vector<16xi32>
    %min3A_347 = vector.broadcast %jit3A_344 : i32 to vector<16xi32>
    %min3A_348 = arith.minsi %min3A_347, %max3A_346 : vector<16xi32>
    %sub3A_349 = arith.constant 1 : i32
    %sub3A_350 = vector.broadcast %sub3A_349 : i32 to vector<16xi32>
    %sub3A_351 = arith.subi %sub3A_350, %min3A_348 : vector<16xi32>
    %mul3A_352 = arith.muli %convert_element_type3A_338, %sub3A_351 : vector<16xi32>
    %mul3A_353 = arith.muli %convert_element_type3A_338, %min3A_348 : vector<16xi32>
    %convert_element_type3A_354 = arith.sitofp %mul3A_352 : vector<16xi32> to vector<16xf32>
    %convert_element_type3A_355 = arith.sitofp %mul3A_353 : vector<16xi32> to vector<16xf32>
    %mul3A_356 = arith.muli %mul3A_352, %convert_element_type3A_339 : vector<16xi32>
    %sub3A_357 = arith.constant 1 : i32
    %sub3A_358 = vector.broadcast %sub3A_357 : i32 to vector<16xi32>
    %sub3A_359 = arith.subi %sub3A_358, %mul3A_352 : vector<16xi32>
    %mul3A_360 = arith.muli %sub3A_359, %add3A_299 : vector<16xi32>
    %add3A_361 = arith.addi %mul3A_356, %mul3A_360 : vector<16xi32>
    %mul3A_362 = arith.mulf %convert_element_type3A_354, %get3A_324 : vector<16xf32>
    %sub3A_363 = arith.constant 1.000000e+00 : f32
    %sub3A_364 = vector.broadcast %sub3A_363 : f32 to vector<16xf32>
    %sub3A_365 = arith.subf %sub3A_364, %convert_element_type3A_354 : vector<16xf32>
    %mul3A_366 = arith.mulf %sub3A_365, %add3A_305 : vector<16xf32>
    %add3A_367 = arith.addf %mul3A_362, %mul3A_366 : vector<16xf32>
    %mul3A_368 = arith.muli %mul3A_353, %convert_element_type3A_339 : vector<16xi32>
    %sub3A_369 = arith.constant 1 : i32
    %sub3A_370 = vector.broadcast %sub3A_369 : i32 to vector<16xi32>
    %sub3A_371 = arith.subi %sub3A_370, %mul3A_353 : vector<16xi32>
    %mul3A_372 = arith.muli %sub3A_371, %add3A_311 : vector<16xi32>
    %add3A_373 = arith.addi %mul3A_368, %mul3A_372 : vector<16xi32>
    %mul3A_374 = arith.mulf %convert_element_type3A_355, %get3A_324 : vector<16xf32>
    %sub3A_375 = arith.constant 1.000000e+00 : f32
    %sub3A_376 = vector.broadcast %sub3A_375 : f32 to vector<16xf32>
    %sub3A_377 = arith.subf %sub3A_376, %convert_element_type3A_355 : vector<16xf32>
    %mul3A_378 = arith.mulf %sub3A_377, %add3A_317 : vector<16xf32>
    %add3A_379 = arith.addf %mul3A_374, %mul3A_378 : vector<16xf32>
    %mul3A_380 = arith.constant 16 : i32
    %mul3A_381 = arith.muli %add3A_6, %mul3A_380 : i32
    %get3A_382 = arith.constant 6 : i32
    %get3A_383 = arith.index_cast %get3A_382 : i32 to index
    %get3A_384 = arith.index_cast %mul3A_381 : i32 to index
    %get3A_385 = tpu.vector_load %arg10[%get3A_383, %get3A_384] {strides = array<i32>} : memref<8x2048xf32, #tpu.memory_space<vmem>>, vector<1x16xf32>,
    %get3A_386 = vector.shape_cast %get3A_385 : vector<1x16xf32> to vector<16xf32>
    %mul3A_387 = arith.constant 16 : i32
    %mul3A_388 = arith.muli %add3A_6, %mul3A_387 : i32
    %get3A_389 = arith.constant 6 : i32
    %get3A_390 = arith.index_cast %get3A_389 : i32 to index
    %get3A_391 = arith.index_cast %mul3A_388 : i32 to index
    %get3A_392 = tpu.vector_load %arg11[%get3A_390, %get3A_391] {strides = array<i32>} : memref<8x2048xf32, #tpu.memory_space<vmem>>, vector<1x16xf32>,
    %get3A_393 = vector.shape_cast %get3A_392 : vector<1x16xf32> to vector<16xf32>
    %mul3A_394 = arith.constant 1.000000e+30 : f32
    %mul3A_395 = vector.broadcast %mul3A_394 : f32 to vector<16xf32>
    %mul3A_396 = arith.mulf %get3A_386, %mul3A_395 : vector<16xf32>
    %min3A_397 = arith.constant 1.000000e+00 : f32
    %min3A_398 = vector.broadcast %min3A_397 : f32 to vector<16xf32>
    %min3A_399 = arith.minimumf %mul3A_396, %min3A_398 : vector<16xf32>
    %convert_element_type3A_400 = arith.fptosi %min3A_399 : vector<16xf32> to vector<16xi32>
    %convert_element_type3A_401 = arith.fptosi %get3A_393 : vector<16xf32> to vector<16xi32>
    %add3A_402 = arith.constant 1 : i32
    %add3A_403 = vector.broadcast %add3A_402 : i32 to vector<16xi32>
    %add3A_404 = arith.addi %add3A_361, %add3A_403 : vector<16xi32>
    %jit3A_405 = arith.constant 0 : i32
    %jit3A_406 = arith.constant 1 : i32
    %max3A_407 = vector.broadcast %jit3A_405 : i32 to vector<16xi32>
    %max3A_408 = arith.maxsi %max3A_407, %add3A_404 : vector<16xi32>
    %min3A_409 = vector.broadcast %jit3A_406 : i32 to vector<16xi32>
    %min3A_410 = arith.minsi %min3A_409, %max3A_408 : vector<16xi32>
    %sub3A_411 = arith.constant 1 : i32
    %sub3A_412 = vector.broadcast %sub3A_411 : i32 to vector<16xi32>
    %sub3A_413 = arith.subi %sub3A_412, %min3A_410 : vector<16xi32>
    %mul3A_414 = arith.muli %convert_element_type3A_400, %sub3A_413 : vector<16xi32>
    %mul3A_415 = arith.muli %convert_element_type3A_400, %min3A_410 : vector<16xi32>
    %convert_element_type3A_416 = arith.sitofp %mul3A_414 : vector<16xi32> to vector<16xf32>
    %convert_element_type3A_417 = arith.sitofp %mul3A_415 : vector<16xi32> to vector<16xf32>
    %mul3A_418 = arith.muli %mul3A_414, %convert_element_type3A_401 : vector<16xi32>
    %sub3A_419 = arith.constant 1 : i32
    %sub3A_420 = vector.broadcast %sub3A_419 : i32 to vector<16xi32>
    %sub3A_421 = arith.subi %sub3A_420, %mul3A_414 : vector<16xi32>
    %mul3A_422 = arith.muli %sub3A_421, %add3A_361 : vector<16xi32>
    %add3A_423 = arith.addi %mul3A_418, %mul3A_422 : vector<16xi32>
    %mul3A_424 = arith.mulf %convert_element_type3A_416, %get3A_386 : vector<16xf32>
    %sub3A_425 = arith.constant 1.000000e+00 : f32
    %sub3A_426 = vector.broadcast %sub3A_425 : f32 to vector<16xf32>
    %sub3A_427 = arith.subf %sub3A_426, %convert_element_type3A_416 : vector<16xf32>
    %mul3A_428 = arith.mulf %sub3A_427, %add3A_367 : vector<16xf32>
    %add3A_429 = arith.addf %mul3A_424, %mul3A_428 : vector<16xf32>
    %mul3A_430 = arith.muli %mul3A_415, %convert_element_type3A_401 : vector<16xi32>
    %sub3A_431 = arith.constant 1 : i32
    %sub3A_432 = vector.broadcast %sub3A_431 : i32 to vector<16xi32>
    %sub3A_433 = arith.subi %sub3A_432, %mul3A_415 : vector<16xi32>
    %mul3A_434 = arith.muli %sub3A_433, %add3A_373 : vector<16xi32>
    %add3A_435 = arith.addi %mul3A_430, %mul3A_434 : vector<16xi32>
    %mul3A_436 = arith.mulf %convert_element_type3A_417, %get3A_386 : vector<16xf32>
    %sub3A_437 = arith.constant 1.000000e+00 : f32
    %sub3A_438 = vector.broadcast %sub3A_437 : f32 to vector<16xf32>
    %sub3A_439 = arith.subf %sub3A_438, %convert_element_type3A_417 : vector<16xf32>
    %mul3A_440 = arith.mulf %sub3A_439, %add3A_379 : vector<16xf32>
    %add3A_441 = arith.addf %mul3A_436, %mul3A_440 : vector<16xf32>
    %mul3A_442 = arith.constant 16 : i32
    %mul3A_443 = arith.muli %add3A_6, %mul3A_442 : i32
    %get3A_444 = arith.constant 7 : i32
    %get3A_445 = arith.index_cast %get3A_444 : i32 to index
    %get3A_446 = arith.index_cast %mul3A_443 : i32 to index
    %get3A_447 = tpu.vector_load %arg10[%get3A_445, %get3A_446] {strides = array<i32>} : memref<8x2048xf32, #tpu.memory_space<vmem>>, vector<1x16xf32>,
    %get3A_448 = vector.shape_cast %get3A_447 : vector<1x16xf32> to vector<16xf32>
    %mul3A_449 = arith.constant 16 : i32
    %mul3A_450 = arith.muli %add3A_6, %mul3A_449 : i32
    %get3A_451 = arith.constant 7 : i32
    %get3A_452 = arith.index_cast %get3A_451 : i32 to index
    %get3A_453 = arith.index_cast %mul3A_450 : i32 to index
    %get3A_454 = tpu.vector_load %arg11[%get3A_452, %get3A_453] {strides = array<i32>} : memref<8x2048xf32, #tpu.memory_space<vmem>>, vector<1x16xf32>,
    %get3A_455 = vector.shape_cast %get3A_454 : vector<1x16xf32> to vector<16xf32>
    %mul3A_456 = arith.constant 1.000000e+30 : f32
    %mul3A_457 = vector.broadcast %mul3A_456 : f32 to vector<16xf32>
    %mul3A_458 = arith.mulf %get3A_448, %mul3A_457 : vector<16xf32>
    %min3A_459 = arith.constant 1.000000e+00 : f32
    %min3A_460 = vector.broadcast %min3A_459 : f32 to vector<16xf32>
    %min3A_461 = arith.minimumf %mul3A_458, %min3A_460 : vector<16xf32>
    %convert_element_type3A_462 = arith.fptosi %min3A_461 : vector<16xf32> to vector<16xi32>
    %convert_element_type3A_463 = arith.fptosi %get3A_455 : vector<16xf32> to vector<16xi32>
    %add3A_464 = arith.constant 1 : i32
    %add3A_465 = vector.broadcast %add3A_464 : i32 to vector<16xi32>
    %add3A_466 = arith.addi %add3A_423, %add3A_465 : vector<16xi32>
    %jit3A_467 = arith.constant 0 : i32
    %jit3A_468 = arith.constant 1 : i32
    %max3A_469 = vector.broadcast %jit3A_467 : i32 to vector<16xi32>
    %max3A_470 = arith.maxsi %max3A_469, %add3A_466 : vector<16xi32>
    %min3A_471 = vector.broadcast %jit3A_468 : i32 to vector<16xi32>
    %min3A_472 = arith.minsi %min3A_471, %max3A_470 : vector<16xi32>
    %sub3A_473 = arith.constant 1 : i32
    %sub3A_474 = vector.broadcast %sub3A_473 : i32 to vector<16xi32>
    %sub3A_475 = arith.subi %sub3A_474, %min3A_472 : vector<16xi32>
    %mul3A_476 = arith.muli %convert_element_type3A_462, %sub3A_475 : vector<16xi32>
    %mul3A_477 = arith.muli %convert_element_type3A_462, %min3A_472 : vector<16xi32>
    %convert_element_type3A_478 = arith.sitofp %mul3A_476 : vector<16xi32> to vector<16xf32>
    %convert_element_type3A_479 = arith.sitofp %mul3A_477 : vector<16xi32> to vector<16xf32>
    %mul3A_480 = arith.muli %mul3A_476, %convert_element_type3A_463 : vector<16xi32>
    %sub3A_481 = arith.constant 1 : i32
    %sub3A_482 = vector.broadcast %sub3A_481 : i32 to vector<16xi32>
    %sub3A_483 = arith.subi %sub3A_482, %mul3A_476 : vector<16xi32>
    %mul3A_484 = arith.muli %sub3A_483, %add3A_423 : vector<16xi32>
    %add3A_485 = arith.addi %mul3A_480, %mul3A_484 : vector<16xi32>
    %mul3A_486 = arith.mulf %convert_element_type3A_478, %get3A_448 : vector<16xf32>
    %sub3A_487 = arith.constant 1.000000e+00 : f32
    %sub3A_488 = vector.broadcast %sub3A_487 : f32 to vector<16xf32>
    %sub3A_489 = arith.subf %sub3A_488, %convert_element_type3A_478 : vector<16xf32>
    %mul3A_490 = arith.mulf %sub3A_489, %add3A_429 : vector<16xf32>
    %add3A_491 = arith.addf %mul3A_486, %mul3A_490 : vector<16xf32>
    %mul3A_492 = arith.muli %mul3A_477, %convert_element_type3A_463 : vector<16xi32>
    %sub3A_493 = arith.constant 1 : i32
    %sub3A_494 = vector.broadcast %sub3A_493 : i32 to vector<16xi32>
    %sub3A_495 = arith.subi %sub3A_494, %mul3A_477 : vector<16xi32>
    %mul3A_496 = arith.muli %sub3A_495, %add3A_435 : vector<16xi32>
    %add3A_497 = arith.addi %mul3A_492, %mul3A_496 : vector<16xi32>
    %mul3A_498 = arith.mulf %convert_element_type3A_479, %get3A_448 : vector<16xf32>
    %sub3A_499 = arith.constant 1.000000e+00 : f32
    %sub3A_500 = vector.broadcast %sub3A_499 : f32 to vector<16xf32>
    %sub3A_501 = arith.subf %sub3A_500, %convert_element_type3A_479 : vector<16xf32>
    %mul3A_502 = arith.mulf %sub3A_501, %add3A_441 : vector<16xf32>
    %add3A_503 = arith.addf %mul3A_498, %mul3A_502 : vector<16xf32>
    %swap3A = arith.constant 0 : index
    %swap3A_504 = tpu.vector_load %arg13[%swap3A] {strides = array<i32>} : memref<64xi32, #tpu.memory_space<vmem>>, vector<16xi32>,
    %swap3A_505 = vector.shape_cast %swap3A_504 : vector<16xi32> to vector<16xi32>
    %swap3A_506 = vector.shape_cast %add3A_485 : vector<16xi32> to vector<16xi32>
    tpu.vector_store %arg13[%swap3A], %swap3A_506 {strides = array<i32>} : memref<64xi32, #tpu.memory_space<vmem>>, vector<16xi32>,
    %swap3A_507 = arith.constant 0 : index
    %swap3A_508 = tpu.vector_load %arg14[%swap3A_507] {strides = array<i32>} : memref<64xi32, #tpu.memory_space<vmem>>, vector<16xi32>,
    %swap3A_509 = vector.shape_cast %swap3A_508 : vector<16xi32> to vector<16xi32>
    %swap3A_510 = vector.shape_cast %add3A_497 : vector<16xi32> to vector<16xi32>
    tpu.vector_store %arg14[%swap3A_507], %swap3A_510 {strides = array<i32>} : memref<64xi32, #tpu.memory_space<vmem>>, vector<16xi32>,
    %swap3A_511 = arith.constant 0 : index
    %swap3A_512 = tpu.vector_load %arg15[%swap3A_511] {strides = array<i32>} : memref<64xf32, #tpu.memory_space<vmem>>, vector<16xf32>,
    %swap3A_513 = vector.shape_cast %swap3A_512 : vector<16xf32> to vector<16xf32>
    %swap3A_514 = vector.shape_cast %add3A_491 : vector<16xf32> to vector<16xf32>
    tpu.vector_store %arg15[%swap3A_511], %swap3A_514 {strides = array<i32>} : memref<64xf32, #tpu.memory_space<vmem>>, vector<16xf32>,
    %swap3A_515 = arith.constant 0 : index
    %swap3A_516 = tpu.vector_load %arg16[%swap3A_515] {strides = array<i32>} : memref<64xf32, #tpu.memory_space<vmem>>, vector<16xf32>,
    %swap3A_517 = vector.shape_cast %swap3A_516 : vector<16xf32> to vector<16xf32>
    %swap3A_518 = vector.shape_cast %add3A_503 : vector<16xf32> to vector<16xf32>
    tpu.vector_store %arg16[%swap3A_515], %swap3A_518 {strides = array<i32>} : memref<64xf32, #tpu.memory_space<vmem>>, vector<16xf32>,
    %add3A_519 = arith.constant 1 : i32
    %add3A_520 = arith.addi %mul3A_4, %add3A_519 : i32
    %broadcast_in_dim3A_521 = arith.constant -1 : i32
    %broadcast_in_dim3A_522 = vector.broadcast %broadcast_in_dim3A_521 : i32 to vector<16xi32>
    %broadcast_in_dim3A_523 = arith.constant -1 : i32
    %broadcast_in_dim3A_524 = vector.broadcast %broadcast_in_dim3A_523 : i32 to vector<16xi32>
    %broadcast_in_dim3A_525 = arith.constant 0.000000e+00 : f32
    %broadcast_in_dim3A_526 = vector.broadcast %broadcast_in_dim3A_525 : f32 to vector<16xf32>
    %broadcast_in_dim3A_527 = arith.constant 0.000000e+00 : f32
    %broadcast_in_dim3A_528 = vector.broadcast %broadcast_in_dim3A_527 : f32 to vector<16xf32>
    %mul3A_529 = arith.constant 16 : i32
    %mul3A_530 = arith.muli %add3A_520, %mul3A_529 : i32
    %get3A_531 = arith.constant 0 : i32
    %get3A_532 = arith.index_cast %get3A_531 : i32 to index
    %get3A_533 = arith.index_cast %mul3A_530 : i32 to index
    %get3A_534 = tpu.vector_load %arg10[%get3A_532, %get3A_533] {strides = array<i32>} : memref<8x2048xf32, #tpu.memory_space<vmem>>, vector<1x16xf32>,
    %get3A_535 = vector.shape_cast %get3A_534 : vector<1x16xf32> to vector<16xf32>
    %mul3A_536 = arith.constant 16 : i32
    %mul3A_537 = arith.muli %add3A_520, %mul3A_536 : i32
    %get3A_538 = arith.constant 0 : i32
    %get3A_539 = arith.index_cast %get3A_538 : i32 to index
    %get3A_540 = arith.index_cast %mul3A_537 : i32 to index
    %get3A_541 = tpu.vector_load %arg11[%get3A_539, %get3A_540] {strides = array<i32>} : memref<8x2048xf32, #tpu.memory_space<vmem>>, vector<1x16xf32>,
    %get3A_542 = vector.shape_cast %get3A_541 : vector<1x16xf32> to vector<16xf32>
    %mul3A_543 = arith.constant 1.000000e+30 : f32
    %mul3A_544 = vector.broadcast %mul3A_543 : f32 to vector<16xf32>
    %mul3A_545 = arith.mulf %get3A_535, %mul3A_544 : vector<16xf32>
    %min3A_546 = arith.constant 1.000000e+00 : f32
    %min3A_547 = vector.broadcast %min3A_546 : f32 to vector<16xf32>
    %min3A_548 = arith.minimumf %mul3A_545, %min3A_547 : vector<16xf32>
    %convert_element_type3A_549 = arith.fptosi %min3A_548 : vector<16xf32> to vector<16xi32>
    %convert_element_type3A_550 = arith.fptosi %get3A_542 : vector<16xf32> to vector<16xi32>
    %add3A_551 = arith.constant 1 : i32
    %add3A_552 = vector.broadcast %add3A_551 : i32 to vector<16xi32>
    %add3A_553 = arith.addi %broadcast_in_dim3A_522, %add3A_552 : vector<16xi32>
    %jit3A_554 = arith.constant 0 : i32
    %jit3A_555 = arith.constant 1 : i32
    %max3A_556 = vector.broadcast %jit3A_554 : i32 to vector<16xi32>
    %max3A_557 = arith.maxsi %max3A_556, %add3A_553 : vector<16xi32>
    %min3A_558 = vector.broadcast %jit3A_555 : i32 to vector<16xi32>
    %min3A_559 = arith.minsi %min3A_558, %max3A_557 : vector<16xi32>
    %sub3A_560 = arith.constant 1 : i32
    %sub3A_561 = vector.broadcast %sub3A_560 : i32 to vector<16xi32>
    %sub3A_562 = arith.subi %sub3A_561, %min3A_559 : vector<16xi32>
    %mul3A_563 = arith.muli %convert_element_type3A_549, %sub3A_562 : vector<16xi32>
    %mul3A_564 = arith.muli %convert_element_type3A_549, %min3A_559 : vector<16xi32>
    %convert_element_type3A_565 = arith.sitofp %mul3A_563 : vector<16xi32> to vector<16xf32>
    %convert_element_type3A_566 = arith.sitofp %mul3A_564 : vector<16xi32> to vector<16xf32>
    %mul3A_567 = arith.muli %mul3A_563, %convert_element_type3A_550 : vector<16xi32>
    %sub3A_568 = arith.constant 1 : i32
    %sub3A_569 = vector.broadcast %sub3A_568 : i32 to vector<16xi32>
    %sub3A_570 = arith.subi %sub3A_569, %mul3A_563 : vector<16xi32>
    %mul3A_571 = arith.muli %sub3A_570, %broadcast_in_dim3A_522 : vector<16xi32>
    %add3A_572 = arith.addi %mul3A_567, %mul3A_571 : vector<16xi32>
    %mul3A_573 = arith.mulf %convert_element_type3A_565, %get3A_535 : vector<16xf32>
    %sub3A_574 = arith.constant 1.000000e+00 : f32
    %sub3A_575 = vector.broadcast %sub3A_574 : f32 to vector<16xf32>
    %sub3A_576 = arith.subf %sub3A_575, %convert_element_type3A_565 : vector<16xf32>
    %mul3A_577 = arith.mulf %sub3A_576, %broadcast_in_dim3A_526 : vector<16xf32>
    %add3A_578 = arith.addf %mul3A_573, %mul3A_577 : vector<16xf32>
    %mul3A_579 = arith.muli %mul3A_564, %convert_element_type3A_550 : vector<16xi32>
    %sub3A_580 = arith.constant 1 : i32
    %sub3A_581 = vector.broadcast %sub3A_580 : i32 to vector<16xi32>
    %sub3A_582 = arith.subi %sub3A_581, %mul3A_564 : vector<16xi32>
    %mul3A_583 = arith.muli %sub3A_582, %broadcast_in_dim3A_524 : vector<16xi32>
    %add3A_584 = arith.addi %mul3A_579, %mul3A_583 : vector<16xi32>
    %mul3A_585 = arith.mulf %convert_element_type3A_566, %get3A_535 : vector<16xf32>
    %sub3A_586 = arith.constant 1.000000e+00 : f32
    %sub3A_587 = vector.broadcast %sub3A_586 : f32 to vector<16xf32>
    %sub3A_588 = arith.subf %sub3A_587, %convert_element_type3A_566 : vector<16xf32>
    %mul3A_589 = arith.mulf %sub3A_588, %broadcast_in_dim3A_528 : vector<16xf32>
    %add3A_590 = arith.addf %mul3A_585, %mul3A_589 : vector<16xf32>
    %mul3A_591 = arith.constant 16 : i32
    %mul3A_592 = arith.muli %add3A_520, %mul3A_591 : i32
    %get3A_593 = arith.constant 1 : i32
    %get3A_594 = arith.index_cast %get3A_593 : i32 to index
    %get3A_595 = arith.index_cast %mul3A_592 : i32 to index
    %get3A_596 = tpu.vector_load %arg10[%get3A_594, %get3A_595] {strides = array<i32>} : memref<8x2048xf32, #tpu.memory_space<vmem>>, vector<1x16xf32>,
    %get3A_597 = vector.shape_cast %get3A_596 : vector<1x16xf32> to vector<16xf32>
    %mul3A_598 = arith.constant 16 : i32
    %mul3A_599 = arith.muli %add3A_520, %mul3A_598 : i32
    %get3A_600 = arith.constant 1 : i32
    %get3A_601 = arith.index_cast %get3A_600 : i32 to index
    %get3A_602 = arith.index_cast %mul3A_599 : i32 to index
    %get3A_603 = tpu.vector_load %arg11[%get3A_601, %get3A_602] {strides = array<i32>} : memref<8x2048xf32, #tpu.memory_space<vmem>>, vector<1x16xf32>,
    %get3A_604 = vector.shape_cast %get3A_603 : vector<1x16xf32> to vector<16xf32>
    %mul3A_605 = arith.constant 1.000000e+30 : f32
    %mul3A_606 = vector.broadcast %mul3A_605 : f32 to vector<16xf32>
    %mul3A_607 = arith.mulf %get3A_597, %mul3A_606 : vector<16xf32>
    %min3A_608 = arith.constant 1.000000e+00 : f32
    %min3A_609 = vector.broadcast %min3A_608 : f32 to vector<16xf32>
    %min3A_610 = arith.minimumf %mul3A_607, %min3A_609 : vector<16xf32>
    %convert_element_type3A_611 = arith.fptosi %min3A_610 : vector<16xf32> to vector<16xi32>
    %convert_element_type3A_612 = arith.fptosi %get3A_604 : vector<16xf32> to vector<16xi32>
    %add3A_613 = arith.constant 1 : i32
    %add3A_614 = vector.broadcast %add3A_613 : i32 to vector<16xi32>
    %add3A_615 = arith.addi %add3A_572, %add3A_614 : vector<16xi32>
    %jit3A_616 = arith.constant 0 : i32
    %jit3A_617 = arith.constant 1 : i32
    %max3A_618 = vector.broadcast %jit3A_616 : i32 to vector<16xi32>
    %max3A_619 = arith.maxsi %max3A_618, %add3A_615 : vector<16xi32>
    %min3A_620 = vector.broadcast %jit3A_617 : i32 to vector<16xi32>
    %min3A_621 = arith.minsi %min3A_620, %max3A_619 : vector<16xi32>
    %sub3A_622 = arith.constant 1 : i32
    %sub3A_623 = vector.broadcast %sub3A_622 : i32 to vector<16xi32>
    %sub3A_624 = arith.subi %sub3A_623, %min3A_621 : vector<16xi32>
    %mul3A_625 = arith.muli %convert_element_type3A_611, %sub3A_624 : vector<16xi32>
    %mul3A_626 = arith.muli %convert_element_type3A_611, %min3A_621 : vector<16xi32>
    %convert_element_type3A_627 = arith.sitofp %mul3A_625 : vector<16xi32> to vector<16xf32>
    %convert_element_type3A_628 = arith.sitofp %mul3A_626 : vector<16xi32> to vector<16xf32>
    %mul3A_629 = arith.muli %mul3A_625, %convert_element_type3A_612 : vector<16xi32>
    %sub3A_630 = arith.constant 1 : i32
    %sub3A_631 = vector.broadcast %sub3A_630 : i32 to vector<16xi32>
    %sub3A_632 = arith.subi %sub3A_631, %mul3A_625 : vector<16xi32>
    %mul3A_633 = arith.muli %sub3A_632, %add3A_572 : vector<16xi32>
    %add3A_634 = arith.addi %mul3A_629, %mul3A_633 : vector<16xi32>
    %mul3A_635 = arith.mulf %convert_element_type3A_627, %get3A_597 : vector<16xf32>
    %sub3A_636 = arith.constant 1.000000e+00 : f32
    %sub3A_637 = vector.broadcast %sub3A_636 : f32 to vector<16xf32>
    %sub3A_638 = arith.subf %sub3A_637, %convert_element_type3A_627 : vector<16xf32>
    %mul3A_639 = arith.mulf %sub3A_638, %add3A_578 : vector<16xf32>
    %add3A_640 = arith.addf %mul3A_635, %mul3A_639 : vector<16xf32>
    %mul3A_641 = arith.muli %mul3A_626, %convert_element_type3A_612 : vector<16xi32>
    %sub3A_642 = arith.constant 1 : i32
    %sub3A_643 = vector.broadcast %sub3A_642 : i32 to vector<16xi32>
    %sub3A_644 = arith.subi %sub3A_643, %mul3A_626 : vector<16xi32>
    %mul3A_645 = arith.muli %sub3A_644, %add3A_584 : vector<16xi32>
    %add3A_646 = arith.addi %mul3A_641, %mul3A_645 : vector<16xi32>
    %mul3A_647 = arith.mulf %convert_element_type3A_628, %get3A_597 : vector<16xf32>
    %sub3A_648 = arith.constant 1.000000e+00 : f32
    %sub3A_649 = vector.broadcast %sub3A_648 : f32 to vector<16xf32>
    %sub3A_650 = arith.subf %sub3A_649, %convert_element_type3A_628 : vector<16xf32>
    %mul3A_651 = arith.mulf %sub3A_650, %add3A_590 : vector<16xf32>
    %add3A_652 = arith.addf %mul3A_647, %mul3A_651 : vector<16xf32>
    %mul3A_653 = arith.constant 16 : i32
    %mul3A_654 = arith.muli %add3A_520, %mul3A_653 : i32
    %get3A_655 = arith.constant 2 : i32
    %get3A_656 = arith.index_cast %get3A_655 : i32 to index
    %get3A_657 = arith.index_cast %mul3A_654 : i32 to index
    %get3A_658 = tpu.vector_load %arg10[%get3A_656, %get3A_657] {strides = array<i32>} : memref<8x2048xf32, #tpu.memory_space<vmem>>, vector<1x16xf32>,
    %get3A_659 = vector.shape_cast %get3A_658 : vector<1x16xf32> to vector<16xf32>
    %mul3A_660 = arith.constant 16 : i32
    %mul3A_661 = arith.muli %add3A_520, %mul3A_660 : i32
    %get3A_662 = arith.constant 2 : i32
    %get3A_663 = arith.index_cast %get3A_662 : i32 to index
    %get3A_664 = arith.index_cast %mul3A_661 : i32 to index
    %get3A_665 = tpu.vector_load %arg11[%get3A_663, %get3A_664] {strides = array<i32>} : memref<8x2048xf32, #tpu.memory_space<vmem>>, vector<1x16xf32>,
    %get3A_666 = vector.shape_cast %get3A_665 : vector<1x16xf32> to vector<16xf32>
    %mul3A_667 = arith.constant 1.000000e+30 : f32
    %mul3A_668 = vector.broadcast %mul3A_667 : f32 to vector<16xf32>
    %mul3A_669 = arith.mulf %get3A_659, %mul3A_668 : vector<16xf32>
    %min3A_670 = arith.constant 1.000000e+00 : f32
    %min3A_671 = vector.broadcast %min3A_670 : f32 to vector<16xf32>
    %min3A_672 = arith.minimumf %mul3A_669, %min3A_671 : vector<16xf32>
    %convert_element_type3A_673 = arith.fptosi %min3A_672 : vector<16xf32> to vector<16xi32>
    %convert_element_type3A_674 = arith.fptosi %get3A_666 : vector<16xf32> to vector<16xi32>
    %add3A_675 = arith.constant 1 : i32
    %add3A_676 = vector.broadcast %add3A_675 : i32 to vector<16xi32>
    %add3A_677 = arith.addi %add3A_634, %add3A_676 : vector<16xi32>
    %jit3A_678 = arith.constant 0 : i32
    %jit3A_679 = arith.constant 1 : i32
    %max3A_680 = vector.broadcast %jit3A_678 : i32 to vector<16xi32>
    %max3A_681 = arith.maxsi %max3A_680, %add3A_677 : vector<16xi32>
    %min3A_682 = vector.broadcast %jit3A_679 : i32 to vector<16xi32>
    %min3A_683 = arith.minsi %min3A_682, %max3A_681 : vector<16xi32>
    %sub3A_684 = arith.constant 1 : i32
    %sub3A_685 = vector.broadcast %sub3A_684 : i32 to vector<16xi32>
    %sub3A_686 = arith.subi %sub3A_685, %min3A_683 : vector<16xi32>
    %mul3A_687 = arith.muli %convert_element_type3A_673, %sub3A_686 : vector<16xi32>
    %mul3A_688 = arith.muli %convert_element_type3A_673, %min3A_683 : vector<16xi32>
    %convert_element_type3A_689 = arith.sitofp %mul3A_687 : vector<16xi32> to vector<16xf32>
    %convert_element_type3A_690 = arith.sitofp %mul3A_688 : vector<16xi32> to vector<16xf32>
    %mul3A_691 = arith.muli %mul3A_687, %convert_element_type3A_674 : vector<16xi32>
    %sub3A_692 = arith.constant 1 : i32
    %sub3A_693 = vector.broadcast %sub3A_692 : i32 to vector<16xi32>
    %sub3A_694 = arith.subi %sub3A_693, %mul3A_687 : vector<16xi32>
    %mul3A_695 = arith.muli %sub3A_694, %add3A_634 : vector<16xi32>
    %add3A_696 = arith.addi %mul3A_691, %mul3A_695 : vector<16xi32>
    %mul3A_697 = arith.mulf %convert_element_type3A_689, %get3A_659 : vector<16xf32>
    %sub3A_698 = arith.constant 1.000000e+00 : f32
    %sub3A_699 = vector.broadcast %sub3A_698 : f32 to vector<16xf32>
    %sub3A_700 = arith.subf %sub3A_699, %convert_element_type3A_689 : vector<16xf32>
    %mul3A_701 = arith.mulf %sub3A_700, %add3A_640 : vector<16xf32>
    %add3A_702 = arith.addf %mul3A_697, %mul3A_701 : vector<16xf32>
    %mul3A_703 = arith.muli %mul3A_688, %convert_element_type3A_674 : vector<16xi32>
    %sub3A_704 = arith.constant 1 : i32
    %sub3A_705 = vector.broadcast %sub3A_704 : i32 to vector<16xi32>
    %sub3A_706 = arith.subi %sub3A_705, %mul3A_688 : vector<16xi32>
    %mul3A_707 = arith.muli %sub3A_706, %add3A_646 : vector<16xi32>
    %add3A_708 = arith.addi %mul3A_703, %mul3A_707 : vector<16xi32>
    %mul3A_709 = arith.mulf %convert_element_type3A_690, %get3A_659 : vector<16xf32>
    %sub3A_710 = arith.constant 1.000000e+00 : f32
    %sub3A_711 = vector.broadcast %sub3A_710 : f32 to vector<16xf32>
    %sub3A_712 = arith.subf %sub3A_711, %convert_element_type3A_690 : vector<16xf32>
    %mul3A_713 = arith.mulf %sub3A_712, %add3A_652 : vector<16xf32>
    %add3A_714 = arith.addf %mul3A_709, %mul3A_713 : vector<16xf32>
    %mul3A_715 = arith.constant 16 : i32
    %mul3A_716 = arith.muli %add3A_520, %mul3A_715 : i32
    %get3A_717 = arith.constant 3 : i32
    %get3A_718 = arith.index_cast %get3A_717 : i32 to index
    %get3A_719 = arith.index_cast %mul3A_716 : i32 to index
    %get3A_720 = tpu.vector_load %arg10[%get3A_718, %get3A_719] {strides = array<i32>} : memref<8x2048xf32, #tpu.memory_space<vmem>>, vector<1x16xf32>,
    %get3A_721 = vector.shape_cast %get3A_720 : vector<1x16xf32> to vector<16xf32>
    %mul3A_722 = arith.constant 16 : i32
    %mul3A_723 = arith.muli %add3A_520, %mul3A_722 : i32
    %get3A_724 = arith.constant 3 : i32
    %get3A_725 = arith.index_cast %get3A_724 : i32 to index
    %get3A_726 = arith.index_cast %mul3A_723 : i32 to index
    %get3A_727 = tpu.vector_load %arg11[%get3A_725, %get3A_726] {strides = array<i32>} : memref<8x2048xf32, #tpu.memory_space<vmem>>, vector<1x16xf32>,
    %get3A_728 = vector.shape_cast %get3A_727 : vector<1x16xf32> to vector<16xf32>
    %mul3A_729 = arith.constant 1.000000e+30 : f32
    %mul3A_730 = vector.broadcast %mul3A_729 : f32 to vector<16xf32>
    %mul3A_731 = arith.mulf %get3A_721, %mul3A_730 : vector<16xf32>
    %min3A_732 = arith.constant 1.000000e+00 : f32
    %min3A_733 = vector.broadcast %min3A_732 : f32 to vector<16xf32>
    %min3A_734 = arith.minimumf %mul3A_731, %min3A_733 : vector<16xf32>
    %convert_element_type3A_735 = arith.fptosi %min3A_734 : vector<16xf32> to vector<16xi32>
    %convert_element_type3A_736 = arith.fptosi %get3A_728 : vector<16xf32> to vector<16xi32>
    %add3A_737 = arith.constant 1 : i32
    %add3A_738 = vector.broadcast %add3A_737 : i32 to vector<16xi32>
    %add3A_739 = arith.addi %add3A_696, %add3A_738 : vector<16xi32>
    %jit3A_740 = arith.constant 0 : i32
    %jit3A_741 = arith.constant 1 : i32
    %max3A_742 = vector.broadcast %jit3A_740 : i32 to vector<16xi32>
    %max3A_743 = arith.maxsi %max3A_742, %add3A_739 : vector<16xi32>
    %min3A_744 = vector.broadcast %jit3A_741 : i32 to vector<16xi32>
    %min3A_745 = arith.minsi %min3A_744, %max3A_743 : vector<16xi32>
    %sub3A_746 = arith.constant 1 : i32
    %sub3A_747 = vector.broadcast %sub3A_746 : i32 to vector<16xi32>
    %sub3A_748 = arith.subi %sub3A_747, %min3A_745 : vector<16xi32>
    %mul3A_749 = arith.muli %convert_element_type3A_735, %sub3A_748 : vector<16xi32>
    %mul3A_750 = arith.muli %convert_element_type3A_735, %min3A_745 : vector<16xi32>
    %convert_element_type3A_751 = arith.sitofp %mul3A_749 : vector<16xi32> to vector<16xf32>
    %convert_element_type3A_752 = arith.sitofp %mul3A_750 : vector<16xi32> to vector<16xf32>
    %mul3A_753 = arith.muli %mul3A_749, %convert_element_type3A_736 : vector<16xi32>
    %sub3A_754 = arith.constant 1 : i32
    %sub3A_755 = vector.broadcast %sub3A_754 : i32 to vector<16xi32>
    %sub3A_756 = arith.subi %sub3A_755, %mul3A_749 : vector<16xi32>
    %mul3A_757 = arith.muli %sub3A_756, %add3A_696 : vector<16xi32>
    %add3A_758 = arith.addi %mul3A_753, %mul3A_757 : vector<16xi32>
    %mul3A_759 = arith.mulf %convert_element_type3A_751, %get3A_721 : vector<16xf32>
    %sub3A_760 = arith.constant 1.000000e+00 : f32
    %sub3A_761 = vector.broadcast %sub3A_760 : f32 to vector<16xf32>
    %sub3A_762 = arith.subf %sub3A_761, %convert_element_type3A_751 : vector<16xf32>
    %mul3A_763 = arith.mulf %sub3A_762, %add3A_702 : vector<16xf32>
    %add3A_764 = arith.addf %mul3A_759, %mul3A_763 : vector<16xf32>
    %mul3A_765 = arith.muli %mul3A_750, %convert_element_type3A_736 : vector<16xi32>
    %sub3A_766 = arith.constant 1 : i32
    %sub3A_767 = vector.broadcast %sub3A_766 : i32 to vector<16xi32>
    %sub3A_768 = arith.subi %sub3A_767, %mul3A_750 : vector<16xi32>
    %mul3A_769 = arith.muli %sub3A_768, %add3A_708 : vector<16xi32>
    %add3A_770 = arith.addi %mul3A_765, %mul3A_769 : vector<16xi32>
    %mul3A_771 = arith.mulf %convert_element_type3A_752, %get3A_721 : vector<16xf32>
    %sub3A_772 = arith.constant 1.000000e+00 : f32
    %sub3A_773 = vector.broadcast %sub3A_772 : f32 to vector<16xf32>
    %sub3A_774 = arith.subf %sub3A_773, %convert_element_type3A_752 : vector<16xf32>
    %mul3A_775 = arith.mulf %sub3A_774, %add3A_714 : vector<16xf32>
    %add3A_776 = arith.addf %mul3A_771, %mul3A_775 : vector<16xf32>
    %mul3A_777 = arith.constant 16 : i32
    %mul3A_778 = arith.muli %add3A_520, %mul3A_777 : i32
    %get3A_779 = arith.constant 4 : i32
    %get3A_780 = arith.index_cast %get3A_779 : i32 to index
    %get3A_781 = arith.index_cast %mul3A_778 : i32 to index
    %get3A_782 = tpu.vector_load %arg10[%get3A_780, %get3A_781] {strides = array<i32>} : memref<8x2048xf32, #tpu.memory_space<vmem>>, vector<1x16xf32>,
    %get3A_783 = vector.shape_cast %get3A_782 : vector<1x16xf32> to vector<16xf32>
    %mul3A_784 = arith.constant 16 : i32
    %mul3A_785 = arith.muli %add3A_520, %mul3A_784 : i32
    %get3A_786 = arith.constant 4 : i32
    %get3A_787 = arith.index_cast %get3A_786 : i32 to index
    %get3A_788 = arith.index_cast %mul3A_785 : i32 to index
    %get3A_789 = tpu.vector_load %arg11[%get3A_787, %get3A_788] {strides = array<i32>} : memref<8x2048xf32, #tpu.memory_space<vmem>>, vector<1x16xf32>,
    %get3A_790 = vector.shape_cast %get3A_789 : vector<1x16xf32> to vector<16xf32>
    %mul3A_791 = arith.constant 1.000000e+30 : f32
    %mul3A_792 = vector.broadcast %mul3A_791 : f32 to vector<16xf32>
    %mul3A_793 = arith.mulf %get3A_783, %mul3A_792 : vector<16xf32>
    %min3A_794 = arith.constant 1.000000e+00 : f32
    %min3A_795 = vector.broadcast %min3A_794 : f32 to vector<16xf32>
    %min3A_796 = arith.minimumf %mul3A_793, %min3A_795 : vector<16xf32>
    %convert_element_type3A_797 = arith.fptosi %min3A_796 : vector<16xf32> to vector<16xi32>
    %convert_element_type3A_798 = arith.fptosi %get3A_790 : vector<16xf32> to vector<16xi32>
    %add3A_799 = arith.constant 1 : i32
    %add3A_800 = vector.broadcast %add3A_799 : i32 to vector<16xi32>
    %add3A_801 = arith.addi %add3A_758, %add3A_800 : vector<16xi32>
    %jit3A_802 = arith.constant 0 : i32
    %jit3A_803 = arith.constant 1 : i32
    %max3A_804 = vector.broadcast %jit3A_802 : i32 to vector<16xi32>
    %max3A_805 = arith.maxsi %max3A_804, %add3A_801 : vector<16xi32>
    %min3A_806 = vector.broadcast %jit3A_803 : i32 to vector<16xi32>
    %min3A_807 = arith.minsi %min3A_806, %max3A_805 : vector<16xi32>
    %sub3A_808 = arith.constant 1 : i32
    %sub3A_809 = vector.broadcast %sub3A_808 : i32 to vector<16xi32>
    %sub3A_810 = arith.subi %sub3A_809, %min3A_807 : vector<16xi32>
    %mul3A_811 = arith.muli %convert_element_type3A_797, %sub3A_810 : vector<16xi32>
    %mul3A_812 = arith.muli %convert_element_type3A_797, %min3A_807 : vector<16xi32>
    %convert_element_type3A_813 = arith.sitofp %mul3A_811 : vector<16xi32> to vector<16xf32>
    %convert_element_type3A_814 = arith.sitofp %mul3A_812 : vector<16xi32> to vector<16xf32>
    %mul3A_815 = arith.muli %mul3A_811, %convert_element_type3A_798 : vector<16xi32>
    %sub3A_816 = arith.constant 1 : i32
    %sub3A_817 = vector.broadcast %sub3A_816 : i32 to vector<16xi32>
    %sub3A_818 = arith.subi %sub3A_817, %mul3A_811 : vector<16xi32>
    %mul3A_819 = arith.muli %sub3A_818, %add3A_758 : vector<16xi32>
    %add3A_820 = arith.addi %mul3A_815, %mul3A_819 : vector<16xi32>
    %mul3A_821 = arith.mulf %convert_element_type3A_813, %get3A_783 : vector<16xf32>
    %sub3A_822 = arith.constant 1.000000e+00 : f32
    %sub3A_823 = vector.broadcast %sub3A_822 : f32 to vector<16xf32>
    %sub3A_824 = arith.subf %sub3A_823, %convert_element_type3A_813 : vector<16xf32>
    %mul3A_825 = arith.mulf %sub3A_824, %add3A_764 : vector<16xf32>
    %add3A_826 = arith.addf %mul3A_821, %mul3A_825 : vector<16xf32>
    %mul3A_827 = arith.muli %mul3A_812, %convert_element_type3A_798 : vector<16xi32>
    %sub3A_828 = arith.constant 1 : i32
    %sub3A_829 = vector.broadcast %sub3A_828 : i32 to vector<16xi32>
    %sub3A_830 = arith.subi %sub3A_829, %mul3A_812 : vector<16xi32>
    %mul3A_831 = arith.muli %sub3A_830, %add3A_770 : vector<16xi32>
    %add3A_832 = arith.addi %mul3A_827, %mul3A_831 : vector<16xi32>
    %mul3A_833 = arith.mulf %convert_element_type3A_814, %get3A_783 : vector<16xf32>
    %sub3A_834 = arith.constant 1.000000e+00 : f32
    %sub3A_835 = vector.broadcast %sub3A_834 : f32 to vector<16xf32>
    %sub3A_836 = arith.subf %sub3A_835, %convert_element_type3A_814 : vector<16xf32>
    %mul3A_837 = arith.mulf %sub3A_836, %add3A_776 : vector<16xf32>
    %add3A_838 = arith.addf %mul3A_833, %mul3A_837 : vector<16xf32>
    %mul3A_839 = arith.constant 16 : i32
    %mul3A_840 = arith.muli %add3A_520, %mul3A_839 : i32
    %get3A_841 = arith.constant 5 : i32
    %get3A_842 = arith.index_cast %get3A_841 : i32 to index
    %get3A_843 = arith.index_cast %mul3A_840 : i32 to index
    %get3A_844 = tpu.vector_load %arg10[%get3A_842, %get3A_843] {strides = array<i32>} : memref<8x2048xf32, #tpu.memory_space<vmem>>, vector<1x16xf32>,
    %get3A_845 = vector.shape_cast %get3A_844 : vector<1x16xf32> to vector<16xf32>
    %mul3A_846 = arith.constant 16 : i32
    %mul3A_847 = arith.muli %add3A_520, %mul3A_846 : i32
    %get3A_848 = arith.constant 5 : i32
    %get3A_849 = arith.index_cast %get3A_848 : i32 to index
    %get3A_850 = arith.index_cast %mul3A_847 : i32 to index
    %get3A_851 = tpu.vector_load %arg11[%get3A_849, %get3A_850] {strides = array<i32>} : memref<8x2048xf32, #tpu.memory_space<vmem>>, vector<1x16xf32>,
    %get3A_852 = vector.shape_cast %get3A_851 : vector<1x16xf32> to vector<16xf32>
    %mul3A_853 = arith.constant 1.000000e+30 : f32
    %mul3A_854 = vector.broadcast %mul3A_853 : f32 to vector<16xf32>
    %mul3A_855 = arith.mulf %get3A_845, %mul3A_854 : vector<16xf32>
    %min3A_856 = arith.constant 1.000000e+00 : f32
    %min3A_857 = vector.broadcast %min3A_856 : f32 to vector<16xf32>
    %min3A_858 = arith.minimumf %mul3A_855, %min3A_857 : vector<16xf32>
    %convert_element_type3A_859 = arith.fptosi %min3A_858 : vector<16xf32> to vector<16xi32>
    %convert_element_type3A_860 = arith.fptosi %get3A_852 : vector<16xf32> to vector<16xi32>
    %add3A_861 = arith.constant 1 : i32
    %add3A_862 = vector.broadcast %add3A_861 : i32 to vector<16xi32>
    %add3A_863 = arith.addi %add3A_820, %add3A_862 : vector<16xi32>
    %jit3A_864 = arith.constant 0 : i32
    %jit3A_865 = arith.constant 1 : i32
    %max3A_866 = vector.broadcast %jit3A_864 : i32 to vector<16xi32>
    %max3A_867 = arith.maxsi %max3A_866, %add3A_863 : vector<16xi32>
    %min3A_868 = vector.broadcast %jit3A_865 : i32 to vector<16xi32>
    %min3A_869 = arith.minsi %min3A_868, %max3A_867 : vector<16xi32>
    %sub3A_870 = arith.constant 1 : i32
    %sub3A_871 = vector.broadcast %sub3A_870 : i32 to vector<16xi32>
    %sub3A_872 = arith.subi %sub3A_871, %min3A_869 : vector<16xi32>
    %mul3A_873 = arith.muli %convert_element_type3A_859, %sub3A_872 : vector<16xi32>
    %mul3A_874 = arith.muli %convert_element_type3A_859, %min3A_869 : vector<16xi32>
    %convert_element_type3A_875 = arith.sitofp %mul3A_873 : vector<16xi32> to vector<16xf32>
    %convert_element_type3A_876 = arith.sitofp %mul3A_874 : vector<16xi32> to vector<16xf32>
    %mul3A_877 = arith.muli %mul3A_873, %convert_element_type3A_860 : vector<16xi32>
    %sub3A_878 = arith.constant 1 : i32
    %sub3A_879 = vector.broadcast %sub3A_878 : i32 to vector<16xi32>
    %sub3A_880 = arith.subi %sub3A_879, %mul3A_873 : vector<16xi32>
    %mul3A_881 = arith.muli %sub3A_880, %add3A_820 : vector<16xi32>
    %add3A_882 = arith.addi %mul3A_877, %mul3A_881 : vector<16xi32>
    %mul3A_883 = arith.mulf %convert_element_type3A_875, %get3A_845 : vector<16xf32>
    %sub3A_884 = arith.constant 1.000000e+00 : f32
    %sub3A_885 = vector.broadcast %sub3A_884 : f32 to vector<16xf32>
    %sub3A_886 = arith.subf %sub3A_885, %convert_element_type3A_875 : vector<16xf32>
    %mul3A_887 = arith.mulf %sub3A_886, %add3A_826 : vector<16xf32>
    %add3A_888 = arith.addf %mul3A_883, %mul3A_887 : vector<16xf32>
    %mul3A_889 = arith.muli %mul3A_874, %convert_element_type3A_860 : vector<16xi32>
    %sub3A_890 = arith.constant 1 : i32
    %sub3A_891 = vector.broadcast %sub3A_890 : i32 to vector<16xi32>
    %sub3A_892 = arith.subi %sub3A_891, %mul3A_874 : vector<16xi32>
    %mul3A_893 = arith.muli %sub3A_892, %add3A_832 : vector<16xi32>
    %add3A_894 = arith.addi %mul3A_889, %mul3A_893 : vector<16xi32>
    %mul3A_895 = arith.mulf %convert_element_type3A_876, %get3A_845 : vector<16xf32>
    %sub3A_896 = arith.constant 1.000000e+00 : f32
    %sub3A_897 = vector.broadcast %sub3A_896 : f32 to vector<16xf32>
    %sub3A_898 = arith.subf %sub3A_897, %convert_element_type3A_876 : vector<16xf32>
    %mul3A_899 = arith.mulf %sub3A_898, %add3A_838 : vector<16xf32>
    %add3A_900 = arith.addf %mul3A_895, %mul3A_899 : vector<16xf32>
    %mul3A_901 = arith.constant 16 : i32
    %mul3A_902 = arith.muli %add3A_520, %mul3A_901 : i32
    %get3A_903 = arith.constant 6 : i32
    %get3A_904 = arith.index_cast %get3A_903 : i32 to index
    %get3A_905 = arith.index_cast %mul3A_902 : i32 to index
    %get3A_906 = tpu.vector_load %arg10[%get3A_904, %get3A_905] {strides = array<i32>} : memref<8x2048xf32, #tpu.memory_space<vmem>>, vector<1x16xf32>,
    %get3A_907 = vector.shape_cast %get3A_906 : vector<1x16xf32> to vector<16xf32>
    %mul3A_908 = arith.constant 16 : i32
    %mul3A_909 = arith.muli %add3A_520, %mul3A_908 : i32
    %get3A_910 = arith.constant 6 : i32
    %get3A_911 = arith.index_cast %get3A_910 : i32 to index
    %get3A_912 = arith.index_cast %mul3A_909 : i32 to index
    %get3A_913 = tpu.vector_load %arg11[%get3A_911, %get3A_912] {strides = array<i32>} : memref<8x2048xf32, #tpu.memory_space<vmem>>, vector<1x16xf32>,
    %get3A_914 = vector.shape_cast %get3A_913 : vector<1x16xf32> to vector<16xf32>
    %mul3A_915 = arith.constant 1.000000e+30 : f32
    %mul3A_916 = vector.broadcast %mul3A_915 : f32 to vector<16xf32>
    %mul3A_917 = arith.mulf %get3A_907, %mul3A_916 : vector<16xf32>
    %min3A_918 = arith.constant 1.000000e+00 : f32
    %min3A_919 = vector.broadcast %min3A_918 : f32 to vector<16xf32>
    %min3A_920 = arith.minimumf %mul3A_917, %min3A_919 : vector<16xf32>
    %convert_element_type3A_921 = arith.fptosi %min3A_920 : vector<16xf32> to vector<16xi32>
    %convert_element_type3A_922 = arith.fptosi %get3A_914 : vector<16xf32> to vector<16xi32>
    %add3A_923 = arith.constant 1 : i32
    %add3A_924 = vector.broadcast %add3A_923 : i32 to vector<16xi32>
    %add3A_925 = arith.addi %add3A_882, %add3A_924 : vector<16xi32>
    %jit3A_926 = arith.constant 0 : i32
    %jit3A_927 = arith.constant 1 : i32
    %max3A_928 = vector.broadcast %jit3A_926 : i32 to vector<16xi32>
    %max3A_929 = arith.maxsi %max3A_928, %add3A_925 : vector<16xi32>
    %min3A_930 = vector.broadcast %jit3A_927 : i32 to vector<16xi32>
    %min3A_931 = arith.minsi %min3A_930, %max3A_929 : vector<16xi32>
    %sub3A_932 = arith.constant 1 : i32
    %sub3A_933 = vector.broadcast %sub3A_932 : i32 to vector<16xi32>
    %sub3A_934 = arith.subi %sub3A_933, %min3A_931 : vector<16xi32>
    %mul3A_935 = arith.muli %convert_element_type3A_921, %sub3A_934 : vector<16xi32>
    %mul3A_936 = arith.muli %convert_element_type3A_921, %min3A_931 : vector<16xi32>
    %convert_element_type3A_937 = arith.sitofp %mul3A_935 : vector<16xi32> to vector<16xf32>
    %convert_element_type3A_938 = arith.sitofp %mul3A_936 : vector<16xi32> to vector<16xf32>
    %mul3A_939 = arith.muli %mul3A_935, %convert_element_type3A_922 : vector<16xi32>
    %sub3A_940 = arith.constant 1 : i32
    %sub3A_941 = vector.broadcast %sub3A_940 : i32 to vector<16xi32>
    %sub3A_942 = arith.subi %sub3A_941, %mul3A_935 : vector<16xi32>
    %mul3A_943 = arith.muli %sub3A_942, %add3A_882 : vector<16xi32>
    %add3A_944 = arith.addi %mul3A_939, %mul3A_943 : vector<16xi32>
    %mul3A_945 = arith.mulf %convert_element_type3A_937, %get3A_907 : vector<16xf32>
    %sub3A_946 = arith.constant 1.000000e+00 : f32
    %sub3A_947 = vector.broadcast %sub3A_946 : f32 to vector<16xf32>
    %sub3A_948 = arith.subf %sub3A_947, %convert_element_type3A_937 : vector<16xf32>
    %mul3A_949 = arith.mulf %sub3A_948, %add3A_888 : vector<16xf32>
    %add3A_950 = arith.addf %mul3A_945, %mul3A_949 : vector<16xf32>
    %mul3A_951 = arith.muli %mul3A_936, %convert_element_type3A_922 : vector<16xi32>
    %sub3A_952 = arith.constant 1 : i32
    %sub3A_953 = vector.broadcast %sub3A_952 : i32 to vector<16xi32>
    %sub3A_954 = arith.subi %sub3A_953, %mul3A_936 : vector<16xi32>
    %mul3A_955 = arith.muli %sub3A_954, %add3A_894 : vector<16xi32>
    %add3A_956 = arith.addi %mul3A_951, %mul3A_955 : vector<16xi32>
    %mul3A_957 = arith.mulf %convert_element_type3A_938, %get3A_907 : vector<16xf32>
    %sub3A_958 = arith.constant 1.000000e+00 : f32
    %sub3A_959 = vector.broadcast %sub3A_958 : f32 to vector<16xf32>
    %sub3A_960 = arith.subf %sub3A_959, %convert_element_type3A_938 : vector<16xf32>
    %mul3A_961 = arith.mulf %sub3A_960, %add3A_900 : vector<16xf32>
    %add3A_962 = arith.addf %mul3A_957, %mul3A_961 : vector<16xf32>
    %mul3A_963 = arith.constant 16 : i32
    %mul3A_964 = arith.muli %add3A_520, %mul3A_963 : i32
    %get3A_965 = arith.constant 7 : i32
    %get3A_966 = arith.index_cast %get3A_965 : i32 to index
    %get3A_967 = arith.index_cast %mul3A_964 : i32 to index
    %get3A_968 = tpu.vector_load %arg10[%get3A_966, %get3A_967] {strides = array<i32>} : memref<8x2048xf32, #tpu.memory_space<vmem>>, vector<1x16xf32>,
    %get3A_969 = vector.shape_cast %get3A_968 : vector<1x16xf32> to vector<16xf32>
    %mul3A_970 = arith.constant 16 : i32
    %mul3A_971 = arith.muli %add3A_520, %mul3A_970 : i32
    %get3A_972 = arith.constant 7 : i32
    %get3A_973 = arith.index_cast %get3A_972 : i32 to index
    %get3A_974 = arith.index_cast %mul3A_971 : i32 to index
    %get3A_975 = tpu.vector_load %arg11[%get3A_973, %get3A_974] {strides = array<i32>} : memref<8x2048xf32, #tpu.memory_space<vmem>>, vector<1x16xf32>,
    %get3A_976 = vector.shape_cast %get3A_975 : vector<1x16xf32> to vector<16xf32>
    %mul3A_977 = arith.constant 1.000000e+30 : f32
    %mul3A_978 = vector.broadcast %mul3A_977 : f32 to vector<16xf32>
    %mul3A_979 = arith.mulf %get3A_969, %mul3A_978 : vector<16xf32>
    %min3A_980 = arith.constant 1.000000e+00 : f32
    %min3A_981 = vector.broadcast %min3A_980 : f32 to vector<16xf32>
    %min3A_982 = arith.minimumf %mul3A_979, %min3A_981 : vector<16xf32>
    %convert_element_type3A_983 = arith.fptosi %min3A_982 : vector<16xf32> to vector<16xi32>
    %convert_element_type3A_984 = arith.fptosi %get3A_976 : vector<16xf32> to vector<16xi32>
    %add3A_985 = arith.constant 1 : i32
    %add3A_986 = vector.broadcast %add3A_985 : i32 to vector<16xi32>
    %add3A_987 = arith.addi %add3A_944, %add3A_986 : vector<16xi32>
    %jit3A_988 = arith.constant 0 : i32
    %jit3A_989 = arith.constant 1 : i32
    %max3A_990 = vector.broadcast %jit3A_988 : i32 to vector<16xi32>
    %max3A_991 = arith.maxsi %max3A_990, %add3A_987 : vector<16xi32>
    %min3A_992 = vector.broadcast %jit3A_989 : i32 to vector<16xi32>
    %min3A_993 = arith.minsi %min3A_992, %max3A_991 : vector<16xi32>
    %sub3A_994 = arith.constant 1 : i32
    %sub3A_995 = vector.broadcast %sub3A_994 : i32 to vector<16xi32>
    %sub3A_996 = arith.subi %sub3A_995, %min3A_993 : vector<16xi32>
    %mul3A_997 = arith.muli %convert_element_type3A_983, %sub3A_996 : vector<16xi32>
    %mul3A_998 = arith.muli %convert_element_type3A_983, %min3A_993 : vector<16xi32>
    %convert_element_type3A_999 = arith.sitofp %mul3A_997 : vector<16xi32> to vector<16xf32>
    %convert_element_type3A_1000 = arith.sitofp %mul3A_998 : vector<16xi32> to vector<16xf32>
    %mul3A_1001 = arith.muli %mul3A_997, %convert_element_type3A_984 : vector<16xi32>
    %sub3A_1002 = arith.constant 1 : i32
    %sub3A_1003 = vector.broadcast %sub3A_1002 : i32 to vector<16xi32>
    %sub3A_1004 = arith.subi %sub3A_1003, %mul3A_997 : vector<16xi32>
    %mul3A_1005 = arith.muli %sub3A_1004, %add3A_944 : vector<16xi32>
    %add3A_1006 = arith.addi %mul3A_1001, %mul3A_1005 : vector<16xi32>
    %mul3A_1007 = arith.mulf %convert_element_type3A_999, %get3A_969 : vector<16xf32>
    %sub3A_1008 = arith.constant 1.000000e+00 : f32
    %sub3A_1009 = vector.broadcast %sub3A_1008 : f32 to vector<16xf32>
    %sub3A_1010 = arith.subf %sub3A_1009, %convert_element_type3A_999 : vector<16xf32>
    %mul3A_1011 = arith.mulf %sub3A_1010, %add3A_950 : vector<16xf32>
    %add3A_1012 = arith.addf %mul3A_1007, %mul3A_1011 : vector<16xf32>
    %mul3A_1013 = arith.muli %mul3A_998, %convert_element_type3A_984 : vector<16xi32>
    %sub3A_1014 = arith.constant 1 : i32
    %sub3A_1015 = vector.broadcast %sub3A_1014 : i32 to vector<16xi32>
    %sub3A_1016 = arith.subi %sub3A_1015, %mul3A_998 : vector<16xi32>
    %mul3A_1017 = arith.muli %sub3A_1016, %add3A_956 : vector<16xi32>
    %add3A_1018 = arith.addi %mul3A_1013, %mul3A_1017 : vector<16xi32>
    %mul3A_1019 = arith.mulf %convert_element_type3A_1000, %get3A_969 : vector<16xf32>
    %sub3A_1020 = arith.constant 1.000000e+00 : f32
    %sub3A_1021 = vector.broadcast %sub3A_1020 : f32 to vector<16xf32>
    %sub3A_1022 = arith.subf %sub3A_1021, %convert_element_type3A_1000 : vector<16xf32>
    %mul3A_1023 = arith.mulf %sub3A_1022, %add3A_962 : vector<16xf32>
    %add3A_1024 = arith.addf %mul3A_1019, %mul3A_1023 : vector<16xf32>
    %swap3A_1025 = arith.constant 16 : index
    %swap3A_1026 = tpu.vector_load %arg13[%swap3A_1025] {strides = array<i32>} : memref<64xi32, #tpu.memory_space<vmem>>, vector<16xi32>,
    %swap3A_1027 = vector.shape_cast %swap3A_1026 : vector<16xi32> to vector<16xi32>
    %swap3A_1028 = vector.shape_cast %add3A_1006 : vector<16xi32> to vector<16xi32>
    tpu.vector_store %arg13[%swap3A_1025], %swap3A_1028 {strides = array<i32>} : memref<64xi32, #tpu.memory_space<vmem>>, vector<16xi32>,
    %swap3A_1029 = arith.constant 16 : index
    %swap3A_1030 = tpu.vector_load %arg14[%swap3A_1029] {strides = array<i32>} : memref<64xi32, #tpu.memory_space<vmem>>, vector<16xi32>,
    %swap3A_1031 = vector.shape_cast %swap3A_1030 : vector<16xi32> to vector<16xi32>
    %swap3A_1032 = vector.shape_cast %add3A_1018 : vector<16xi32> to vector<16xi32>
    tpu.vector_store %arg14[%swap3A_1029], %swap3A_1032 {strides = array<i32>} : memref<64xi32, #tpu.memory_space<vmem>>, vector<16xi32>,
    %swap3A_1033 = arith.constant 16 : index
    %swap3A_1034 = tpu.vector_load %arg15[%swap3A_1033] {strides = array<i32>} : memref<64xf32, #tpu.memory_space<vmem>>, vector<16xf32>,
    %swap3A_1035 = vector.shape_cast %swap3A_1034 : vector<16xf32> to vector<16xf32>
    %swap3A_1036 = vector.shape_cast %add3A_1012 : vector<16xf32> to vector<16xf32>
    tpu.vector_store %arg15[%swap3A_1033], %swap3A_1036 {strides = array<i32>} : memref<64xf32, #tpu.memory_space<vmem>>, vector<16xf32>,
    %swap3A_1037 = arith.constant 16 : index
    %swap3A_1038 = tpu.vector_load %arg16[%swap3A_1037] {strides = array<i32>} : memref<64xf32, #tpu.memory_space<vmem>>, vector<16xf32>,
    %swap3A_1039 = vector.shape_cast %swap3A_1038 : vector<16xf32> to vector<16xf32>
    %swap3A_1040 = vector.shape_cast %add3A_1024 : vector<16xf32> to vector<16xf32>
    tpu.vector_store %arg16[%swap3A_1037], %swap3A_1040 {strides = array<i32>} : memref<64xf32, #tpu.memory_space<vmem>>, vector<16xf32>,
    %add3A_1041 = arith.constant 2 : i32
    %add3A_1042 = arith.addi %mul3A_4, %add3A_1041 : i32
    %broadcast_in_dim3A_1043 = arith.constant -1 : i32
    %broadcast_in_dim3A_1044 = vector.broadcast %broadcast_in_dim3A_1043 : i32 to vector<16xi32>
    %broadcast_in_dim3A_1045 = arith.constant -1 : i32
    %broadcast_in_dim3A_1046 = vector.broadcast %broadcast_in_dim3A_1045 : i32 to vector<16xi32>
    %broadcast_in_dim3A_1047 = arith.constant 0.000000e+00 : f32
    %broadcast_in_dim3A_1048 = vector.broadcast %broadcast_in_dim3A_1047 : f32 to vector<16xf32>
    %broadcast_in_dim3A_1049 = arith.constant 0.000000e+00 : f32
    %broadcast_in_dim3A_1050 = vector.broadcast %broadcast_in_dim3A_1049 : f32 to vector<16xf32>
    %mul3A_1051 = arith.constant 16 : i32
    %mul3A_1052 = arith.muli %add3A_1042, %mul3A_1051 : i32
    %get3A_1053 = arith.constant 0 : i32
    %get3A_1054 = arith.index_cast %get3A_1053 : i32 to index
    %get3A_1055 = arith.index_cast %mul3A_1052 : i32 to index
    %get3A_1056 = tpu.vector_load %arg10[%get3A_1054, %get3A_1055] {strides = array<i32>} : memref<8x2048xf32, #tpu.memory_space<vmem>>, vector<1x16xf32>,
    %get3A_1057 = vector.shape_cast %get3A_1056 : vector<1x16xf32> to vector<16xf32>
    %mul3A_1058 = arith.constant 16 : i32
    %mul3A_1059 = arith.muli %add3A_1042, %mul3A_1058 : i32
    %get3A_1060 = arith.constant 0 : i32
    %get3A_1061 = arith.index_cast %get3A_1060 : i32 to index
    %get3A_1062 = arith.index_cast %mul3A_1059 : i32 to index
    %get3A_1063 = tpu.vector_load %arg11[%get3A_1061, %get3A_1062] {strides = array<i32>} : memref<8x2048xf32, #tpu.memory_space<vmem>>, vector<1x16xf32>,
    %get3A_1064 = vector.shape_cast %get3A_1063 : vector<1x16xf32> to vector<16xf32>
    %mul3A_1065 = arith.constant 1.000000e+30 : f32
    %mul3A_1066 = vector.broadcast %mul3A_1065 : f32 to vector<16xf32>
    %mul3A_1067 = arith.mulf %get3A_1057, %mul3A_1066 : vector<16xf32>
    %min3A_1068 = arith.constant 1.000000e+00 : f32
    %min3A_1069 = vector.broadcast %min3A_1068 : f32 to vector<16xf32>
    %min3A_1070 = arith.minimumf %mul3A_1067, %min3A_1069 : vector<16xf32>
    %convert_element_type3A_1071 = arith.fptosi %min3A_1070 : vector<16xf32> to vector<16xi32>
    %convert_element_type3A_1072 = arith.fptosi %get3A_1064 : vector<16xf32> to vector<16xi32>
    %add3A_1073 = arith.constant 1 : i32
    %add3A_1074 = vector.broadcast %add3A_1073 : i32 to vector<16xi32>
    %add3A_1075 = arith.addi %broadcast_in_dim3A_1044, %add3A_1074 : vector<16xi32>
    %jit3A_1076 = arith.constant 0 : i32
    %jit3A_1077 = arith.constant 1 : i32
    %max3A_1078 = vector.broadcast %jit3A_1076 : i32 to vector<16xi32>
    %max3A_1079 = arith.maxsi %max3A_1078, %add3A_1075 : vector<16xi32>
    %min3A_1080 = vector.broadcast %jit3A_1077 : i32 to vector<16xi32>
    %min3A_1081 = arith.minsi %min3A_1080, %max3A_1079 : vector<16xi32>
    %sub3A_1082 = arith.constant 1 : i32
    %sub3A_1083 = vector.broadcast %sub3A_1082 : i32 to vector<16xi32>
    %sub3A_1084 = arith.subi %sub3A_1083, %min3A_1081 : vector<16xi32>
    %mul3A_1085 = arith.muli %convert_element_type3A_1071, %sub3A_1084 : vector<16xi32>
    %mul3A_1086 = arith.muli %convert_element_type3A_1071, %min3A_1081 : vector<16xi32>
    %convert_element_type3A_1087 = arith.sitofp %mul3A_1085 : vector<16xi32> to vector<16xf32>
    %convert_element_type3A_1088 = arith.sitofp %mul3A_1086 : vector<16xi32> to vector<16xf32>
    %mul3A_1089 = arith.muli %mul3A_1085, %convert_element_type3A_1072 : vector<16xi32>
    %sub3A_1090 = arith.constant 1 : i32
    %sub3A_1091 = vector.broadcast %sub3A_1090 : i32 to vector<16xi32>
    %sub3A_1092 = arith.subi %sub3A_1091, %mul3A_1085 : vector<16xi32>
    %mul3A_1093 = arith.muli %sub3A_1092, %broadcast_in_dim3A_1044 : vector<16xi32>
    %add3A_1094 = arith.addi %mul3A_1089, %mul3A_1093 : vector<16xi32>
    %mul3A_1095 = arith.mulf %convert_element_type3A_1087, %get3A_1057 : vector<16xf32>
    %sub3A_1096 = arith.constant 1.000000e+00 : f32
    %sub3A_1097 = vector.broadcast %sub3A_1096 : f32 to vector<16xf32>
    %sub3A_1098 = arith.subf %sub3A_1097, %convert_element_type3A_1087 : vector<16xf32>
    %mul3A_1099 = arith.mulf %sub3A_1098, %broadcast_in_dim3A_1048 : vector<16xf32>
    %add3A_1100 = arith.addf %mul3A_1095, %mul3A_1099 : vector<16xf32>
    %mul3A_1101 = arith.muli %mul3A_1086, %convert_element_type3A_1072 : vector<16xi32>
    %sub3A_1102 = arith.constant 1 : i32
    %sub3A_1103 = vector.broadcast %sub3A_1102 : i32 to vector<16xi32>
    %sub3A_1104 = arith.subi %sub3A_1103, %mul3A_1086 : vector<16xi32>
    %mul3A_1105 = arith.muli %sub3A_1104, %broadcast_in_dim3A_1046 : vector<16xi32>
    %add3A_1106 = arith.addi %mul3A_1101, %mul3A_1105 : vector<16xi32>
    %mul3A_1107 = arith.mulf %convert_element_type3A_1088, %get3A_1057 : vector<16xf32>
    %sub3A_1108 = arith.constant 1.000000e+00 : f32
    %sub3A_1109 = vector.broadcast %sub3A_1108 : f32 to vector<16xf32>
    %sub3A_1110 = arith.subf %sub3A_1109, %convert_element_type3A_1088 : vector<16xf32>
    %mul3A_1111 = arith.mulf %sub3A_1110, %broadcast_in_dim3A_1050 : vector<16xf32>
    %add3A_1112 = arith.addf %mul3A_1107, %mul3A_1111 : vector<16xf32>
    %mul3A_1113 = arith.constant 16 : i32
    %mul3A_1114 = arith.muli %add3A_1042, %mul3A_1113 : i32
    %get3A_1115 = arith.constant 1 : i32
    %get3A_1116 = arith.index_cast %get3A_1115 : i32 to index
    %get3A_1117 = arith.index_cast %mul3A_1114 : i32 to index
    %get3A_1118 = tpu.vector_load %arg10[%get3A_1116, %get3A_1117] {strides = array<i32>} : memref<8x2048xf32, #tpu.memory_space<vmem>>, vector<1x16xf32>,
    %get3A_1119 = vector.shape_cast %get3A_1118 : vector<1x16xf32> to vector<16xf32>
    %mul3A_1120 = arith.constant 16 : i32
    %mul3A_1121 = arith.muli %add3A_1042, %mul3A_1120 : i32
    %get3A_1122 = arith.constant 1 : i32
    %get3A_1123 = arith.index_cast %get3A_1122 : i32 to index
    %get3A_1124 = arith.index_cast %mul3A_1121 : i32 to index
    %get3A_1125 = tpu.vector_load %arg11[%get3A_1123, %get3A_1124] {strides = array<i32>} : memref<8x2048xf32, #tpu.memory_space<vmem>>, vector<1x16xf32>,
    %get3A_1126 = vector.shape_cast %get3A_1125 : vector<1x16xf32> to vector<16xf32>
    %mul3A_1127 = arith.constant 1.000000e+30 : f32
    %mul3A_1128 = vector.broadcast %mul3A_1127 : f32 to vector<16xf32>
    %mul3A_1129 = arith.mulf %get3A_1119, %mul3A_1128 : vector<16xf32>
    %min3A_1130 = arith.constant 1.000000e+00 : f32
    %min3A_1131 = vector.broadcast %min3A_1130 : f32 to vector<16xf32>
    %min3A_1132 = arith.minimumf %mul3A_1129, %min3A_1131 : vector<16xf32>
    %convert_element_type3A_1133 = arith.fptosi %min3A_1132 : vector<16xf32> to vector<16xi32>
    %convert_element_type3A_1134 = arith.fptosi %get3A_1126 : vector<16xf32> to vector<16xi32>
    %add3A_1135 = arith.constant 1 : i32
    %add3A_1136 = vector.broadcast %add3A_1135 : i32 to vector<16xi32>
    %add3A_1137 = arith.addi %add3A_1094, %add3A_1136 : vector<16xi32>
    %jit3A_1138 = arith.constant 0 : i32
    %jit3A_1139 = arith.constant 1 : i32
    %max3A_1140 = vector.broadcast %jit3A_1138 : i32 to vector<16xi32>
    %max3A_1141 = arith.maxsi %max3A_1140, %add3A_1137 : vector<16xi32>
    %min3A_1142 = vector.broadcast %jit3A_1139 : i32 to vector<16xi32>
    %min3A_1143 = arith.minsi %min3A_1142, %max3A_1141 : vector<16xi32>
    %sub3A_1144 = arith.constant 1 : i32
    %sub3A_1145 = vector.broadcast %sub3A_1144 : i32 to vector<16xi32>
    %sub3A_1146 = arith.subi %sub3A_1145, %min3A_1143 : vector<16xi32>
    %mul3A_1147 = arith.muli %convert_element_type3A_1133, %sub3A_1146 : vector<16xi32>
    %mul3A_1148 = arith.muli %convert_element_type3A_1133, %min3A_1143 : vector<16xi32>
    %convert_element_type3A_1149 = arith.sitofp %mul3A_1147 : vector<16xi32> to vector<16xf32>
    %convert_element_type3A_1150 = arith.sitofp %mul3A_1148 : vector<16xi32> to vector<16xf32>
    %mul3A_1151 = arith.muli %mul3A_1147, %convert_element_type3A_1134 : vector<16xi32>
    %sub3A_1152 = arith.constant 1 : i32
    %sub3A_1153 = vector.broadcast %sub3A_1152 : i32 to vector<16xi32>
    %sub3A_1154 = arith.subi %sub3A_1153, %mul3A_1147 : vector<16xi32>
    %mul3A_1155 = arith.muli %sub3A_1154, %add3A_1094 : vector<16xi32>
    %add3A_1156 = arith.addi %mul3A_1151, %mul3A_1155 : vector<16xi32>
    %mul3A_1157 = arith.mulf %convert_element_type3A_1149, %get3A_1119 : vector<16xf32>
    %sub3A_1158 = arith.constant 1.000000e+00 : f32
    %sub3A_1159 = vector.broadcast %sub3A_1158 : f32 to vector<16xf32>
    %sub3A_1160 = arith.subf %sub3A_1159, %convert_element_type3A_1149 : vector<16xf32>
    %mul3A_1161 = arith.mulf %sub3A_1160, %add3A_1100 : vector<16xf32>
    %add3A_1162 = arith.addf %mul3A_1157, %mul3A_1161 : vector<16xf32>
    %mul3A_1163 = arith.muli %mul3A_1148, %convert_element_type3A_1134 : vector<16xi32>
    %sub3A_1164 = arith.constant 1 : i32
    %sub3A_1165 = vector.broadcast %sub3A_1164 : i32 to vector<16xi32>
    %sub3A_1166 = arith.subi %sub3A_1165, %mul3A_1148 : vector<16xi32>
    %mul3A_1167 = arith.muli %sub3A_1166, %add3A_1106 : vector<16xi32>
    %add3A_1168 = arith.addi %mul3A_1163, %mul3A_1167 : vector<16xi32>
    %mul3A_1169 = arith.mulf %convert_element_type3A_1150, %get3A_1119 : vector<16xf32>
    %sub3A_1170 = arith.constant 1.000000e+00 : f32
    %sub3A_1171 = vector.broadcast %sub3A_1170 : f32 to vector<16xf32>
    %sub3A_1172 = arith.subf %sub3A_1171, %convert_element_type3A_1150 : vector<16xf32>
    %mul3A_1173 = arith.mulf %sub3A_1172, %add3A_1112 : vector<16xf32>
    %add3A_1174 = arith.addf %mul3A_1169, %mul3A_1173 : vector<16xf32>
    %mul3A_1175 = arith.constant 16 : i32
    %mul3A_1176 = arith.muli %add3A_1042, %mul3A_1175 : i32
    %get3A_1177 = arith.constant 2 : i32
    %get3A_1178 = arith.index_cast %get3A_1177 : i32 to index
    %get3A_1179 = arith.index_cast %mul3A_1176 : i32 to index
    %get3A_1180 = tpu.vector_load %arg10[%get3A_1178, %get3A_1179] {strides = array<i32>} : memref<8x2048xf32, #tpu.memory_space<vmem>>, vector<1x16xf32>,
    %get3A_1181 = vector.shape_cast %get3A_1180 : vector<1x16xf32> to vector<16xf32>
    %mul3A_1182 = arith.constant 16 : i32
    %mul3A_1183 = arith.muli %add3A_1042, %mul3A_1182 : i32
    %get3A_1184 = arith.constant 2 : i32
    %get3A_1185 = arith.index_cast %get3A_1184 : i32 to index
    %get3A_1186 = arith.index_cast %mul3A_1183 : i32 to index
    %get3A_1187 = tpu.vector_load %arg11[%get3A_1185, %get3A_1186] {strides = array<i32>} : memref<8x2048xf32, #tpu.memory_space<vmem>>, vector<1x16xf32>,
    %get3A_1188 = vector.shape_cast %get3A_1187 : vector<1x16xf32> to vector<16xf32>
    %mul3A_1189 = arith.constant 1.000000e+30 : f32
    %mul3A_1190 = vector.broadcast %mul3A_1189 : f32 to vector<16xf32>
    %mul3A_1191 = arith.mulf %get3A_1181, %mul3A_1190 : vector<16xf32>
    %min3A_1192 = arith.constant 1.000000e+00 : f32
    %min3A_1193 = vector.broadcast %min3A_1192 : f32 to vector<16xf32>
    %min3A_1194 = arith.minimumf %mul3A_1191, %min3A_1193 : vector<16xf32>
    %convert_element_type3A_1195 = arith.fptosi %min3A_1194 : vector<16xf32> to vector<16xi32>
    %convert_element_type3A_1196 = arith.fptosi %get3A_1188 : vector<16xf32> to vector<16xi32>
    %add3A_1197 = arith.constant 1 : i32
    %add3A_1198 = vector.broadcast %add3A_1197 : i32 to vector<16xi32>
    %add3A_1199 = arith.addi %add3A_1156, %add3A_1198 : vector<16xi32>
    %jit3A_1200 = arith.constant 0 : i32
    %jit3A_1201 = arith.constant 1 : i32
    %max3A_1202 = vector.broadcast %jit3A_1200 : i32 to vector<16xi32>
    %max3A_1203 = arith.maxsi %max3A_1202, %add3A_1199 : vector<16xi32>
    %min3A_1204 = vector.broadcast %jit3A_1201 : i32 to vector<16xi32>
    %min3A_1205 = arith.minsi %min3A_1204, %max3A_1203 : vector<16xi32>
    %sub3A_1206 = arith.constant 1 : i32
    %sub3A_1207 = vector.broadcast %sub3A_1206 : i32 to vector<16xi32>
    %sub3A_1208 = arith.subi %sub3A_1207, %min3A_1205 : vector<16xi32>
    %mul3A_1209 = arith.muli %convert_element_type3A_1195, %sub3A_1208 : vector<16xi32>
    %mul3A_1210 = arith.muli %convert_element_type3A_1195, %min3A_1205 : vector<16xi32>
    %convert_element_type3A_1211 = arith.sitofp %mul3A_1209 : vector<16xi32> to vector<16xf32>
    %convert_element_type3A_1212 = arith.sitofp %mul3A_1210 : vector<16xi32> to vector<16xf32>
    %mul3A_1213 = arith.muli %mul3A_1209, %convert_element_type3A_1196 : vector<16xi32>
    %sub3A_1214 = arith.constant 1 : i32
    %sub3A_1215 = vector.broadcast %sub3A_1214 : i32 to vector<16xi32>
    %sub3A_1216 = arith.subi %sub3A_1215, %mul3A_1209 : vector<16xi32>
    %mul3A_1217 = arith.muli %sub3A_1216, %add3A_1156 : vector<16xi32>
    %add3A_1218 = arith.addi %mul3A_1213, %mul3A_1217 : vector<16xi32>
    %mul3A_1219 = arith.mulf %convert_element_type3A_1211, %get3A_1181 : vector<16xf32>
    %sub3A_1220 = arith.constant 1.000000e+00 : f32
    %sub3A_1221 = vector.broadcast %sub3A_1220 : f32 to vector<16xf32>
    %sub3A_1222 = arith.subf %sub3A_1221, %convert_element_type3A_1211 : vector<16xf32>
    %mul3A_1223 = arith.mulf %sub3A_1222, %add3A_1162 : vector<16xf32>
    %add3A_1224 = arith.addf %mul3A_1219, %mul3A_1223 : vector<16xf32>
    %mul3A_1225 = arith.muli %mul3A_1210, %convert_element_type3A_1196 : vector<16xi32>
    %sub3A_1226 = arith.constant 1 : i32
    %sub3A_1227 = vector.broadcast %sub3A_1226 : i32 to vector<16xi32>
    %sub3A_1228 = arith.subi %sub3A_1227, %mul3A_1210 : vector<16xi32>
    %mul3A_1229 = arith.muli %sub3A_1228, %add3A_1168 : vector<16xi32>
    %add3A_1230 = arith.addi %mul3A_1225, %mul3A_1229 : vector<16xi32>
    %mul3A_1231 = arith.mulf %convert_element_type3A_1212, %get3A_1181 : vector<16xf32>
    %sub3A_1232 = arith.constant 1.000000e+00 : f32
    %sub3A_1233 = vector.broadcast %sub3A_1232 : f32 to vector<16xf32>
    %sub3A_1234 = arith.subf %sub3A_1233, %convert_element_type3A_1212 : vector<16xf32>
    %mul3A_1235 = arith.mulf %sub3A_1234, %add3A_1174 : vector<16xf32>
    %add3A_1236 = arith.addf %mul3A_1231, %mul3A_1235 : vector<16xf32>
    %mul3A_1237 = arith.constant 16 : i32
    %mul3A_1238 = arith.muli %add3A_1042, %mul3A_1237 : i32
    %get3A_1239 = arith.constant 3 : i32
    %get3A_1240 = arith.index_cast %get3A_1239 : i32 to index
    %get3A_1241 = arith.index_cast %mul3A_1238 : i32 to index
    %get3A_1242 = tpu.vector_load %arg10[%get3A_1240, %get3A_1241] {strides = array<i32>} : memref<8x2048xf32, #tpu.memory_space<vmem>>, vector<1x16xf32>,
    %get3A_1243 = vector.shape_cast %get3A_1242 : vector<1x16xf32> to vector<16xf32>
    %mul3A_1244 = arith.constant 16 : i32
    %mul3A_1245 = arith.muli %add3A_1042, %mul3A_1244 : i32
    %get3A_1246 = arith.constant 3 : i32
    %get3A_1247 = arith.index_cast %get3A_1246 : i32 to index
    %get3A_1248 = arith.index_cast %mul3A_1245 : i32 to index
    %get3A_1249 = tpu.vector_load %arg11[%get3A_1247, %get3A_1248] {strides = array<i32>} : memref<8x2048xf32, #tpu.memory_space<vmem>>, vector<1x16xf32>,
    %get3A_1250 = vector.shape_cast %get3A_1249 : vector<1x16xf32> to vector<16xf32>
    %mul3A_1251 = arith.constant 1.000000e+30 : f32
    %mul3A_1252 = vector.broadcast %mul3A_1251 : f32 to vector<16xf32>
    %mul3A_1253 = arith.mulf %get3A_1243, %mul3A_1252 : vector<16xf32>
    %min3A_1254 = arith.constant 1.000000e+00 : f32
    %min3A_1255 = vector.broadcast %min3A_1254 : f32 to vector<16xf32>
    %min3A_1256 = arith.minimumf %mul3A_1253, %min3A_1255 : vector<16xf32>
    %convert_element_type3A_1257 = arith.fptosi %min3A_1256 : vector<16xf32> to vector<16xi32>
    %convert_element_type3A_1258 = arith.fptosi %get3A_1250 : vector<16xf32> to vector<16xi32>
    %add3A_1259 = arith.constant 1 : i32
    %add3A_1260 = vector.broadcast %add3A_1259 : i32 to vector<16xi32>
    %add3A_1261 = arith.addi %add3A_1218, %add3A_1260 : vector<16xi32>
    %jit3A_1262 = arith.constant 0 : i32
    %jit3A_1263 = arith.constant 1 : i32
    %max3A_1264 = vector.broadcast %jit3A_1262 : i32 to vector<16xi32>
    %max3A_1265 = arith.maxsi %max3A_1264, %add3A_1261 : vector<16xi32>
    %min3A_1266 = vector.broadcast %jit3A_1263 : i32 to vector<16xi32>
    %min3A_1267 = arith.minsi %min3A_1266, %max3A_1265 : vector<16xi32>
    %sub3A_1268 = arith.constant 1 : i32
    %sub3A_1269 = vector.broadcast %sub3A_1268 : i32 to vector<16xi32>
    %sub3A_1270 = arith.subi %sub3A_1269, %min3A_1267 : vector<16xi32>
    %mul3A_1271 = arith.muli %convert_element_type3A_1257, %sub3A_1270 : vector<16xi32>
    %mul3A_1272 = arith.muli %convert_element_type3A_1257, %min3A_1267 : vector<16xi32>
    %convert_element_type3A_1273 = arith.sitofp %mul3A_1271 : vector<16xi32> to vector<16xf32>
    %convert_element_type3A_1274 = arith.sitofp %mul3A_1272 : vector<16xi32> to vector<16xf32>
    %mul3A_1275 = arith.muli %mul3A_1271, %convert_element_type3A_1258 : vector<16xi32>
    %sub3A_1276 = arith.constant 1 : i32
    %sub3A_1277 = vector.broadcast %sub3A_1276 : i32 to vector<16xi32>
    %sub3A_1278 = arith.subi %sub3A_1277, %mul3A_1271 : vector<16xi32>
    %mul3A_1279 = arith.muli %sub3A_1278, %add3A_1218 : vector<16xi32>
    %add3A_1280 = arith.addi %mul3A_1275, %mul3A_1279 : vector<16xi32>
    %mul3A_1281 = arith.mulf %convert_element_type3A_1273, %get3A_1243 : vector<16xf32>
    %sub3A_1282 = arith.constant 1.000000e+00 : f32
    %sub3A_1283 = vector.broadcast %sub3A_1282 : f32 to vector<16xf32>
    %sub3A_1284 = arith.subf %sub3A_1283, %convert_element_type3A_1273 : vector<16xf32>
    %mul3A_1285 = arith.mulf %sub3A_1284, %add3A_1224 : vector<16xf32>
    %add3A_1286 = arith.addf %mul3A_1281, %mul3A_1285 : vector<16xf32>
    %mul3A_1287 = arith.muli %mul3A_1272, %convert_element_type3A_1258 : vector<16xi32>
    %sub3A_1288 = arith.constant 1 : i32
    %sub3A_1289 = vector.broadcast %sub3A_1288 : i32 to vector<16xi32>
    %sub3A_1290 = arith.subi %sub3A_1289, %mul3A_1272 : vector<16xi32>
    %mul3A_1291 = arith.muli %sub3A_1290, %add3A_1230 : vector<16xi32>
    %add3A_1292 = arith.addi %mul3A_1287, %mul3A_1291 : vector<16xi32>
    %mul3A_1293 = arith.mulf %convert_element_type3A_1274, %get3A_1243 : vector<16xf32>
    %sub3A_1294 = arith.constant 1.000000e+00 : f32
    %sub3A_1295 = vector.broadcast %sub3A_1294 : f32 to vector<16xf32>
    %sub3A_1296 = arith.subf %sub3A_1295, %convert_element_type3A_1274 : vector<16xf32>
    %mul3A_1297 = arith.mulf %sub3A_1296, %add3A_1236 : vector<16xf32>
    %add3A_1298 = arith.addf %mul3A_1293, %mul3A_1297 : vector<16xf32>
    %mul3A_1299 = arith.constant 16 : i32
    %mul3A_1300 = arith.muli %add3A_1042, %mul3A_1299 : i32
    %get3A_1301 = arith.constant 4 : i32
    %get3A_1302 = arith.index_cast %get3A_1301 : i32 to index
    %get3A_1303 = arith.index_cast %mul3A_1300 : i32 to index
    %get3A_1304 = tpu.vector_load %arg10[%get3A_1302, %get3A_1303] {strides = array<i32>} : memref<8x2048xf32, #tpu.memory_space<vmem>>, vector<1x16xf32>,
    %get3A_1305 = vector.shape_cast %get3A_1304 : vector<1x16xf32> to vector<16xf32>
    %mul3A_1306 = arith.constant 16 : i32
    %mul3A_1307 = arith.muli %add3A_1042, %mul3A_1306 : i32
    %get3A_1308 = arith.constant 4 : i32
    %get3A_1309 = arith.index_cast %get3A_1308 : i32 to index
    %get3A_1310 = arith.index_cast %mul3A_1307 : i32 to index
    %get3A_1311 = tpu.vector_load %arg11[%get3A_1309, %get3A_1310] {strides = array<i32>} : memref<8x2048xf32, #tpu.memory_space<vmem>>, vector<1x16xf32>,
    %get3A_1312 = vector.shape_cast %get3A_1311 : vector<1x16xf32> to vector<16xf32>
    %mul3A_1313 = arith.constant 1.000000e+30 : f32
    %mul3A_1314 = vector.broadcast %mul3A_1313 : f32 to vector<16xf32>
    %mul3A_1315 = arith.mulf %get3A_1305, %mul3A_1314 : vector<16xf32>
    %min3A_1316 = arith.constant 1.000000e+00 : f32
    %min3A_1317 = vector.broadcast %min3A_1316 : f32 to vector<16xf32>
    %min3A_1318 = arith.minimumf %mul3A_1315, %min3A_1317 : vector<16xf32>
    %convert_element_type3A_1319 = arith.fptosi %min3A_1318 : vector<16xf32> to vector<16xi32>
    %convert_element_type3A_1320 = arith.fptosi %get3A_1312 : vector<16xf32> to vector<16xi32>
    %add3A_1321 = arith.constant 1 : i32
    %add3A_1322 = vector.broadcast %add3A_1321 : i32 to vector<16xi32>
    %add3A_1323 = arith.addi %add3A_1280, %add3A_1322 : vector<16xi32>
    %jit3A_1324 = arith.constant 0 : i32
    %jit3A_1325 = arith.constant 1 : i32
    %max3A_1326 = vector.broadcast %jit3A_1324 : i32 to vector<16xi32>
    %max3A_1327 = arith.maxsi %max3A_1326, %add3A_1323 : vector<16xi32>
    %min3A_1328 = vector.broadcast %jit3A_1325 : i32 to vector<16xi32>
    %min3A_1329 = arith.minsi %min3A_1328, %max3A_1327 : vector<16xi32>
    %sub3A_1330 = arith.constant 1 : i32
    %sub3A_1331 = vector.broadcast %sub3A_1330 : i32 to vector<16xi32>
    %sub3A_1332 = arith.subi %sub3A_1331, %min3A_1329 : vector<16xi32>
    %mul3A_1333 = arith.muli %convert_element_type3A_1319, %sub3A_1332 : vector<16xi32>
    %mul3A_1334 = arith.muli %convert_element_type3A_1319, %min3A_1329 : vector<16xi32>
    %convert_element_type3A_1335 = arith.sitofp %mul3A_1333 : vector<16xi32> to vector<16xf32>
    %convert_element_type3A_1336 = arith.sitofp %mul3A_1334 : vector<16xi32> to vector<16xf32>
    %mul3A_1337 = arith.muli %mul3A_1333, %convert_element_type3A_1320 : vector<16xi32>
    %sub3A_1338 = arith.constant 1 : i32
    %sub3A_1339 = vector.broadcast %sub3A_1338 : i32 to vector<16xi32>
    %sub3A_1340 = arith.subi %sub3A_1339, %mul3A_1333 : vector<16xi32>
    %mul3A_1341 = arith.muli %sub3A_1340, %add3A_1280 : vector<16xi32>
    %add3A_1342 = arith.addi %mul3A_1337, %mul3A_1341 : vector<16xi32>
    %mul3A_1343 = arith.mulf %convert_element_type3A_1335, %get3A_1305 : vector<16xf32>
    %sub3A_1344 = arith.constant 1.000000e+00 : f32
    %sub3A_1345 = vector.broadcast %sub3A_1344 : f32 to vector<16xf32>
    %sub3A_1346 = arith.subf %sub3A_1345, %convert_element_type3A_1335 : vector<16xf32>
    %mul3A_1347 = arith.mulf %sub3A_1346, %add3A_1286 : vector<16xf32>
    %add3A_1348 = arith.addf %mul3A_1343, %mul3A_1347 : vector<16xf32>
    %mul3A_1349 = arith.muli %mul3A_1334, %convert_element_type3A_1320 : vector<16xi32>
    %sub3A_1350 = arith.constant 1 : i32
    %sub3A_1351 = vector.broadcast %sub3A_1350 : i32 to vector<16xi32>
    %sub3A_1352 = arith.subi %sub3A_1351, %mul3A_1334 : vector<16xi32>
    %mul3A_1353 = arith.muli %sub3A_1352, %add3A_1292 : vector<16xi32>
    %add3A_1354 = arith.addi %mul3A_1349, %mul3A_1353 : vector<16xi32>
    %mul3A_1355 = arith.mulf %convert_element_type3A_1336, %get3A_1305 : vector<16xf32>
    %sub3A_1356 = arith.constant 1.000000e+00 : f32
    %sub3A_1357 = vector.broadcast %sub3A_1356 : f32 to vector<16xf32>
    %sub3A_1358 = arith.subf %sub3A_1357, %convert_element_type3A_1336 : vector<16xf32>
    %mul3A_1359 = arith.mulf %sub3A_1358, %add3A_1298 : vector<16xf32>
    %add3A_1360 = arith.addf %mul3A_1355, %mul3A_1359 : vector<16xf32>
    %mul3A_1361 = arith.constant 16 : i32
    %mul3A_1362 = arith.muli %add3A_1042, %mul3A_1361 : i32
    %get3A_1363 = arith.constant 5 : i32
    %get3A_1364 = arith.index_cast %get3A_1363 : i32 to index
    %get3A_1365 = arith.index_cast %mul3A_1362 : i32 to index
    %get3A_1366 = tpu.vector_load %arg10[%get3A_1364, %get3A_1365] {strides = array<i32>} : memref<8x2048xf32, #tpu.memory_space<vmem>>, vector<1x16xf32>,
    %get3A_1367 = vector.shape_cast %get3A_1366 : vector<1x16xf32> to vector<16xf32>
    %mul3A_1368 = arith.constant 16 : i32
    %mul3A_1369 = arith.muli %add3A_1042, %mul3A_1368 : i32
    %get3A_1370 = arith.constant 5 : i32
    %get3A_1371 = arith.index_cast %get3A_1370 : i32 to index
    %get3A_1372 = arith.index_cast %mul3A_1369 : i32 to index
    %get3A_1373 = tpu.vector_load %arg11[%get3A_1371, %get3A_1372] {strides = array<i32>} : memref<8x2048xf32, #tpu.memory_space<vmem>>, vector<1x16xf32>,
    %get3A_1374 = vector.shape_cast %get3A_1373 : vector<1x16xf32> to vector<16xf32>
    %mul3A_1375 = arith.constant 1.000000e+30 : f32
    %mul3A_1376 = vector.broadcast %mul3A_1375 : f32 to vector<16xf32>
    %mul3A_1377 = arith.mulf %get3A_1367, %mul3A_1376 : vector<16xf32>
    %min3A_1378 = arith.constant 1.000000e+00 : f32
    %min3A_1379 = vector.broadcast %min3A_1378 : f32 to vector<16xf32>
    %min3A_1380 = arith.minimumf %mul3A_1377, %min3A_1379 : vector<16xf32>
    %convert_element_type3A_1381 = arith.fptosi %min3A_1380 : vector<16xf32> to vector<16xi32>
    %convert_element_type3A_1382 = arith.fptosi %get3A_1374 : vector<16xf32> to vector<16xi32>
    %add3A_1383 = arith.constant 1 : i32
    %add3A_1384 = vector.broadcast %add3A_1383 : i32 to vector<16xi32>
    %add3A_1385 = arith.addi %add3A_1342, %add3A_1384 : vector<16xi32>
    %jit3A_1386 = arith.constant 0 : i32
    %jit3A_1387 = arith.constant 1 : i32
    %max3A_1388 = vector.broadcast %jit3A_1386 : i32 to vector<16xi32>
    %max3A_1389 = arith.maxsi %max3A_1388, %add3A_1385 : vector<16xi32>
    %min3A_1390 = vector.broadcast %jit3A_1387 : i32 to vector<16xi32>
    %min3A_1391 = arith.minsi %min3A_1390, %max3A_1389 : vector<16xi32>
    %sub3A_1392 = arith.constant 1 : i32
    %sub3A_1393 = vector.broadcast %sub3A_1392 : i32 to vector<16xi32>
    %sub3A_1394 = arith.subi %sub3A_1393, %min3A_1391 : vector<16xi32>
    %mul3A_1395 = arith.muli %convert_element_type3A_1381, %sub3A_1394 : vector<16xi32>
    %mul3A_1396 = arith.muli %convert_element_type3A_1381, %min3A_1391 : vector<16xi32>
    %convert_element_type3A_1397 = arith.sitofp %mul3A_1395 : vector<16xi32> to vector<16xf32>
    %convert_element_type3A_1398 = arith.sitofp %mul3A_1396 : vector<16xi32> to vector<16xf32>
    %mul3A_1399 = arith.muli %mul3A_1395, %convert_element_type3A_1382 : vector<16xi32>
    %sub3A_1400 = arith.constant 1 : i32
    %sub3A_1401 = vector.broadcast %sub3A_1400 : i32 to vector<16xi32>
    %sub3A_1402 = arith.subi %sub3A_1401, %mul3A_1395 : vector<16xi32>
    %mul3A_1403 = arith.muli %sub3A_1402, %add3A_1342 : vector<16xi32>
    %add3A_1404 = arith.addi %mul3A_1399, %mul3A_1403 : vector<16xi32>
    %mul3A_1405 = arith.mulf %convert_element_type3A_1397, %get3A_1367 : vector<16xf32>
    %sub3A_1406 = arith.constant 1.000000e+00 : f32
    %sub3A_1407 = vector.broadcast %sub3A_1406 : f32 to vector<16xf32>
    %sub3A_1408 = arith.subf %sub3A_1407, %convert_element_type3A_1397 : vector<16xf32>
    %mul3A_1409 = arith.mulf %sub3A_1408, %add3A_1348 : vector<16xf32>
    %add3A_1410 = arith.addf %mul3A_1405, %mul3A_1409 : vector<16xf32>
    %mul3A_1411 = arith.muli %mul3A_1396, %convert_element_type3A_1382 : vector<16xi32>
    %sub3A_1412 = arith.constant 1 : i32
    %sub3A_1413 = vector.broadcast %sub3A_1412 : i32 to vector<16xi32>
    %sub3A_1414 = arith.subi %sub3A_1413, %mul3A_1396 : vector<16xi32>
    %mul3A_1415 = arith.muli %sub3A_1414, %add3A_1354 : vector<16xi32>
    %add3A_1416 = arith.addi %mul3A_1411, %mul3A_1415 : vector<16xi32>
    %mul3A_1417 = arith.mulf %convert_element_type3A_1398, %get3A_1367 : vector<16xf32>
    %sub3A_1418 = arith.constant 1.000000e+00 : f32
    %sub3A_1419 = vector.broadcast %sub3A_1418 : f32 to vector<16xf32>
    %sub3A_1420 = arith.subf %sub3A_1419, %convert_element_type3A_1398 : vector<16xf32>
    %mul3A_1421 = arith.mulf %sub3A_1420, %add3A_1360 : vector<16xf32>
    %add3A_1422 = arith.addf %mul3A_1417, %mul3A_1421 : vector<16xf32>
    %mul3A_1423 = arith.constant 16 : i32
    %mul3A_1424 = arith.muli %add3A_1042, %mul3A_1423 : i32
    %get3A_1425 = arith.constant 6 : i32
    %get3A_1426 = arith.index_cast %get3A_1425 : i32 to index
    %get3A_1427 = arith.index_cast %mul3A_1424 : i32 to index
    %get3A_1428 = tpu.vector_load %arg10[%get3A_1426, %get3A_1427] {strides = array<i32>} : memref<8x2048xf32, #tpu.memory_space<vmem>>, vector<1x16xf32>,
    %get3A_1429 = vector.shape_cast %get3A_1428 : vector<1x16xf32> to vector<16xf32>
    %mul3A_1430 = arith.constant 16 : i32
    %mul3A_1431 = arith.muli %add3A_1042, %mul3A_1430 : i32
    %get3A_1432 = arith.constant 6 : i32
    %get3A_1433 = arith.index_cast %get3A_1432 : i32 to index
    %get3A_1434 = arith.index_cast %mul3A_1431 : i32 to index
    %get3A_1435 = tpu.vector_load %arg11[%get3A_1433, %get3A_1434] {strides = array<i32>} : memref<8x2048xf32, #tpu.memory_space<vmem>>, vector<1x16xf32>,
    %get3A_1436 = vector.shape_cast %get3A_1435 : vector<1x16xf32> to vector<16xf32>
    %mul3A_1437 = arith.constant 1.000000e+30 : f32
    %mul3A_1438 = vector.broadcast %mul3A_1437 : f32 to vector<16xf32>
    %mul3A_1439 = arith.mulf %get3A_1429, %mul3A_1438 : vector<16xf32>
    %min3A_1440 = arith.constant 1.000000e+00 : f32
    %min3A_1441 = vector.broadcast %min3A_1440 : f32 to vector<16xf32>
    %min3A_1442 = arith.minimumf %mul3A_1439, %min3A_1441 : vector<16xf32>
    %convert_element_type3A_1443 = arith.fptosi %min3A_1442 : vector<16xf32> to vector<16xi32>
    %convert_element_type3A_1444 = arith.fptosi %get3A_1436 : vector<16xf32> to vector<16xi32>
    %add3A_1445 = arith.constant 1 : i32
    %add3A_1446 = vector.broadcast %add3A_1445 : i32 to vector<16xi32>
    %add3A_1447 = arith.addi %add3A_1404, %add3A_1446 : vector<16xi32>
    %jit3A_1448 = arith.constant 0 : i32
    %jit3A_1449 = arith.constant 1 : i32
    %max3A_1450 = vector.broadcast %jit3A_1448 : i32 to vector<16xi32>
    %max3A_1451 = arith.maxsi %max3A_1450, %add3A_1447 : vector<16xi32>
    %min3A_1452 = vector.broadcast %jit3A_1449 : i32 to vector<16xi32>
    %min3A_1453 = arith.minsi %min3A_1452, %max3A_1451 : vector<16xi32>
    %sub3A_1454 = arith.constant 1 : i32
    %sub3A_1455 = vector.broadcast %sub3A_1454 : i32 to vector<16xi32>
    %sub3A_1456 = arith.subi %sub3A_1455, %min3A_1453 : vector<16xi32>
    %mul3A_1457 = arith.muli %convert_element_type3A_1443, %sub3A_1456 : vector<16xi32>
    %mul3A_1458 = arith.muli %convert_element_type3A_1443, %min3A_1453 : vector<16xi32>
    %convert_element_type3A_1459 = arith.sitofp %mul3A_1457 : vector<16xi32> to vector<16xf32>
    %convert_element_type3A_1460 = arith.sitofp %mul3A_1458 : vector<16xi32> to vector<16xf32>
    %mul3A_1461 = arith.muli %mul3A_1457, %convert_element_type3A_1444 : vector<16xi32>
    %sub3A_1462 = arith.constant 1 : i32
    %sub3A_1463 = vector.broadcast %sub3A_1462 : i32 to vector<16xi32>
    %sub3A_1464 = arith.subi %sub3A_1463, %mul3A_1457 : vector<16xi32>
    %mul3A_1465 = arith.muli %sub3A_1464, %add3A_1404 : vector<16xi32>
    %add3A_1466 = arith.addi %mul3A_1461, %mul3A_1465 : vector<16xi32>
    %mul3A_1467 = arith.mulf %convert_element_type3A_1459, %get3A_1429 : vector<16xf32>
    %sub3A_1468 = arith.constant 1.000000e+00 : f32
    %sub3A_1469 = vector.broadcast %sub3A_1468 : f32 to vector<16xf32>
    %sub3A_1470 = arith.subf %sub3A_1469, %convert_element_type3A_1459 : vector<16xf32>
    %mul3A_1471 = arith.mulf %sub3A_1470, %add3A_1410 : vector<16xf32>
    %add3A_1472 = arith.addf %mul3A_1467, %mul3A_1471 : vector<16xf32>
    %mul3A_1473 = arith.muli %mul3A_1458, %convert_element_type3A_1444 : vector<16xi32>
    %sub3A_1474 = arith.constant 1 : i32
    %sub3A_1475 = vector.broadcast %sub3A_1474 : i32 to vector<16xi32>
    %sub3A_1476 = arith.subi %sub3A_1475, %mul3A_1458 : vector<16xi32>
    %mul3A_1477 = arith.muli %sub3A_1476, %add3A_1416 : vector<16xi32>
    %add3A_1478 = arith.addi %mul3A_1473, %mul3A_1477 : vector<16xi32>
    %mul3A_1479 = arith.mulf %convert_element_type3A_1460, %get3A_1429 : vector<16xf32>
    %sub3A_1480 = arith.constant 1.000000e+00 : f32
    %sub3A_1481 = vector.broadcast %sub3A_1480 : f32 to vector<16xf32>
    %sub3A_1482 = arith.subf %sub3A_1481, %convert_element_type3A_1460 : vector<16xf32>
    %mul3A_1483 = arith.mulf %sub3A_1482, %add3A_1422 : vector<16xf32>
    %add3A_1484 = arith.addf %mul3A_1479, %mul3A_1483 : vector<16xf32>
    %mul3A_1485 = arith.constant 16 : i32
    %mul3A_1486 = arith.muli %add3A_1042, %mul3A_1485 : i32
    %get3A_1487 = arith.constant 7 : i32
    %get3A_1488 = arith.index_cast %get3A_1487 : i32 to index
    %get3A_1489 = arith.index_cast %mul3A_1486 : i32 to index
    %get3A_1490 = tpu.vector_load %arg10[%get3A_1488, %get3A_1489] {strides = array<i32>} : memref<8x2048xf32, #tpu.memory_space<vmem>>, vector<1x16xf32>,
    %get3A_1491 = vector.shape_cast %get3A_1490 : vector<1x16xf32> to vector<16xf32>
    %mul3A_1492 = arith.constant 16 : i32
    %mul3A_1493 = arith.muli %add3A_1042, %mul3A_1492 : i32
    %get3A_1494 = arith.constant 7 : i32
    %get3A_1495 = arith.index_cast %get3A_1494 : i32 to index
    %get3A_1496 = arith.index_cast %mul3A_1493 : i32 to index
    %get3A_1497 = tpu.vector_load %arg11[%get3A_1495, %get3A_1496] {strides = array<i32>} : memref<8x2048xf32, #tpu.memory_space<vmem>>, vector<1x16xf32>,
    %get3A_1498 = vector.shape_cast %get3A_1497 : vector<1x16xf32> to vector<16xf32>
    %mul3A_1499 = arith.constant 1.000000e+30 : f32
    %mul3A_1500 = vector.broadcast %mul3A_1499 : f32 to vector<16xf32>
    %mul3A_1501 = arith.mulf %get3A_1491, %mul3A_1500 : vector<16xf32>
    %min3A_1502 = arith.constant 1.000000e+00 : f32
    %min3A_1503 = vector.broadcast %min3A_1502 : f32 to vector<16xf32>
    %min3A_1504 = arith.minimumf %mul3A_1501, %min3A_1503 : vector<16xf32>
    %convert_element_type3A_1505 = arith.fptosi %min3A_1504 : vector<16xf32> to vector<16xi32>
    %convert_element_type3A_1506 = arith.fptosi %get3A_1498 : vector<16xf32> to vector<16xi32>
    %add3A_1507 = arith.constant 1 : i32
    %add3A_1508 = vector.broadcast %add3A_1507 : i32 to vector<16xi32>
    %add3A_1509 = arith.addi %add3A_1466, %add3A_1508 : vector<16xi32>
    %jit3A_1510 = arith.constant 0 : i32
    %jit3A_1511 = arith.constant 1 : i32
    %max3A_1512 = vector.broadcast %jit3A_1510 : i32 to vector<16xi32>
    %max3A_1513 = arith.maxsi %max3A_1512, %add3A_1509 : vector<16xi32>
    %min3A_1514 = vector.broadcast %jit3A_1511 : i32 to vector<16xi32>
    %min3A_1515 = arith.minsi %min3A_1514, %max3A_1513 : vector<16xi32>
    %sub3A_1516 = arith.constant 1 : i32
    %sub3A_1517 = vector.broadcast %sub3A_1516 : i32 to vector<16xi32>
    %sub3A_1518 = arith.subi %sub3A_1517, %min3A_1515 : vector<16xi32>
    %mul3A_1519 = arith.muli %convert_element_type3A_1505, %sub3A_1518 : vector<16xi32>
    %mul3A_1520 = arith.muli %convert_element_type3A_1505, %min3A_1515 : vector<16xi32>
    %convert_element_type3A_1521 = arith.sitofp %mul3A_1519 : vector<16xi32> to vector<16xf32>
    %convert_element_type3A_1522 = arith.sitofp %mul3A_1520 : vector<16xi32> to vector<16xf32>
    %mul3A_1523 = arith.muli %mul3A_1519, %convert_element_type3A_1506 : vector<16xi32>
    %sub3A_1524 = arith.constant 1 : i32
    %sub3A_1525 = vector.broadcast %sub3A_1524 : i32 to vector<16xi32>
    %sub3A_1526 = arith.subi %sub3A_1525, %mul3A_1519 : vector<16xi32>
    %mul3A_1527 = arith.muli %sub3A_1526, %add3A_1466 : vector<16xi32>
    %add3A_1528 = arith.addi %mul3A_1523, %mul3A_1527 : vector<16xi32>
    %mul3A_1529 = arith.mulf %convert_element_type3A_1521, %get3A_1491 : vector<16xf32>
    %sub3A_1530 = arith.constant 1.000000e+00 : f32
    %sub3A_1531 = vector.broadcast %sub3A_1530 : f32 to vector<16xf32>
    %sub3A_1532 = arith.subf %sub3A_1531, %convert_element_type3A_1521 : vector<16xf32>
    %mul3A_1533 = arith.mulf %sub3A_1532, %add3A_1472 : vector<16xf32>
    %add3A_1534 = arith.addf %mul3A_1529, %mul3A_1533 : vector<16xf32>
    %mul3A_1535 = arith.muli %mul3A_1520, %convert_element_type3A_1506 : vector<16xi32>
    %sub3A_1536 = arith.constant 1 : i32
    %sub3A_1537 = vector.broadcast %sub3A_1536 : i32 to vector<16xi32>
    %sub3A_1538 = arith.subi %sub3A_1537, %mul3A_1520 : vector<16xi32>
    %mul3A_1539 = arith.muli %sub3A_1538, %add3A_1478 : vector<16xi32>
    %add3A_1540 = arith.addi %mul3A_1535, %mul3A_1539 : vector<16xi32>
    %mul3A_1541 = arith.mulf %convert_element_type3A_1522, %get3A_1491 : vector<16xf32>
    %sub3A_1542 = arith.constant 1.000000e+00 : f32
    %sub3A_1543 = vector.broadcast %sub3A_1542 : f32 to vector<16xf32>
    %sub3A_1544 = arith.subf %sub3A_1543, %convert_element_type3A_1522 : vector<16xf32>
    %mul3A_1545 = arith.mulf %sub3A_1544, %add3A_1484 : vector<16xf32>
    %add3A_1546 = arith.addf %mul3A_1541, %mul3A_1545 : vector<16xf32>
    %swap3A_1547 = arith.constant 32 : index
    %swap3A_1548 = tpu.vector_load %arg13[%swap3A_1547] {strides = array<i32>} : memref<64xi32, #tpu.memory_space<vmem>>, vector<16xi32>,
    %swap3A_1549 = vector.shape_cast %swap3A_1548 : vector<16xi32> to vector<16xi32>
    %swap3A_1550 = vector.shape_cast %add3A_1528 : vector<16xi32> to vector<16xi32>
    tpu.vector_store %arg13[%swap3A_1547], %swap3A_1550 {strides = array<i32>} : memref<64xi32, #tpu.memory_space<vmem>>, vector<16xi32>,
    %swap3A_1551 = arith.constant 32 : index
    %swap3A_1552 = tpu.vector_load %arg14[%swap3A_1551] {strides = array<i32>} : memref<64xi32, #tpu.memory_space<vmem>>, vector<16xi32>,
    %swap3A_1553 = vector.shape_cast %swap3A_1552 : vector<16xi32> to vector<16xi32>
    %swap3A_1554 = vector.shape_cast %add3A_1540 : vector<16xi32> to vector<16xi32>
    tpu.vector_store %arg14[%swap3A_1551], %swap3A_1554 {strides = array<i32>} : memref<64xi32, #tpu.memory_space<vmem>>, vector<16xi32>,
    %swap3A_1555 = arith.constant 32 : index
    %swap3A_1556 = tpu.vector_load %arg15[%swap3A_1555] {strides = array<i32>} : memref<64xf32, #tpu.memory_space<vmem>>, vector<16xf32>,
    %swap3A_1557 = vector.shape_cast %swap3A_1556 : vector<16xf32> to vector<16xf32>
    %swap3A_1558 = vector.shape_cast %add3A_1534 : vector<16xf32> to vector<16xf32>
    tpu.vector_store %arg15[%swap3A_1555], %swap3A_1558 {strides = array<i32>} : memref<64xf32, #tpu.memory_space<vmem>>, vector<16xf32>,
    %swap3A_1559 = arith.constant 32 : index
    %swap3A_1560 = tpu.vector_load %arg16[%swap3A_1559] {strides = array<i32>} : memref<64xf32, #tpu.memory_space<vmem>>, vector<16xf32>,
    %swap3A_1561 = vector.shape_cast %swap3A_1560 : vector<16xf32> to vector<16xf32>
    %swap3A_1562 = vector.shape_cast %add3A_1546 : vector<16xf32> to vector<16xf32>
    tpu.vector_store %arg16[%swap3A_1559], %swap3A_1562 {strides = array<i32>} : memref<64xf32, #tpu.memory_space<vmem>>, vector<16xf32>,
    %add3A_1563 = arith.constant 3 : i32
    %add3A_1564 = arith.addi %mul3A_4, %add3A_1563 : i32
    %broadcast_in_dim3A_1565 = arith.constant -1 : i32
    %broadcast_in_dim3A_1566 = vector.broadcast %broadcast_in_dim3A_1565 : i32 to vector<16xi32>
    %broadcast_in_dim3A_1567 = arith.constant -1 : i32
    %broadcast_in_dim3A_1568 = vector.broadcast %broadcast_in_dim3A_1567 : i32 to vector<16xi32>
    %broadcast_in_dim3A_1569 = arith.constant 0.000000e+00 : f32
    %broadcast_in_dim3A_1570 = vector.broadcast %broadcast_in_dim3A_1569 : f32 to vector<16xf32>
    %broadcast_in_dim3A_1571 = arith.constant 0.000000e+00 : f32
    %broadcast_in_dim3A_1572 = vector.broadcast %broadcast_in_dim3A_1571 : f32 to vector<16xf32>
    %mul3A_1573 = arith.constant 16 : i32
    %mul3A_1574 = arith.muli %add3A_1564, %mul3A_1573 : i32
    %get3A_1575 = arith.constant 0 : i32
    %get3A_1576 = arith.index_cast %get3A_1575 : i32 to index
    %get3A_1577 = arith.index_cast %mul3A_1574 : i32 to index
    %get3A_1578 = tpu.vector_load %arg10[%get3A_1576, %get3A_1577] {strides = array<i32>} : memref<8x2048xf32, #tpu.memory_space<vmem>>, vector<1x16xf32>,
    %get3A_1579 = vector.shape_cast %get3A_1578 : vector<1x16xf32> to vector<16xf32>
    %mul3A_1580 = arith.constant 16 : i32
    %mul3A_1581 = arith.muli %add3A_1564, %mul3A_1580 : i32
    %get3A_1582 = arith.constant 0 : i32
    %get3A_1583 = arith.index_cast %get3A_1582 : i32 to index
    %get3A_1584 = arith.index_cast %mul3A_1581 : i32 to index
    %get3A_1585 = tpu.vector_load %arg11[%get3A_1583, %get3A_1584] {strides = array<i32>} : memref<8x2048xf32, #tpu.memory_space<vmem>>, vector<1x16xf32>,
    %get3A_1586 = vector.shape_cast %get3A_1585 : vector<1x16xf32> to vector<16xf32>
    %mul3A_1587 = arith.constant 1.000000e+30 : f32
    %mul3A_1588 = vector.broadcast %mul3A_1587 : f32 to vector<16xf32>
    %mul3A_1589 = arith.mulf %get3A_1579, %mul3A_1588 : vector<16xf32>
    %min3A_1590 = arith.constant 1.000000e+00 : f32
    %min3A_1591 = vector.broadcast %min3A_1590 : f32 to vector<16xf32>
    %min3A_1592 = arith.minimumf %mul3A_1589, %min3A_1591 : vector<16xf32>
    %convert_element_type3A_1593 = arith.fptosi %min3A_1592 : vector<16xf32> to vector<16xi32>
    %convert_element_type3A_1594 = arith.fptosi %get3A_1586 : vector<16xf32> to vector<16xi32>
    %add3A_1595 = arith.constant 1 : i32
    %add3A_1596 = vector.broadcast %add3A_1595 : i32 to vector<16xi32>
    %add3A_1597 = arith.addi %broadcast_in_dim3A_1566, %add3A_1596 : vector<16xi32>
    %jit3A_1598 = arith.constant 0 : i32
    %jit3A_1599 = arith.constant 1 : i32
    %max3A_1600 = vector.broadcast %jit3A_1598 : i32 to vector<16xi32>
    %max3A_1601 = arith.maxsi %max3A_1600, %add3A_1597 : vector<16xi32>
    %min3A_1602 = vector.broadcast %jit3A_1599 : i32 to vector<16xi32>
    %min3A_1603 = arith.minsi %min3A_1602, %max3A_1601 : vector<16xi32>
    %sub3A_1604 = arith.constant 1 : i32
    %sub3A_1605 = vector.broadcast %sub3A_1604 : i32 to vector<16xi32>
    %sub3A_1606 = arith.subi %sub3A_1605, %min3A_1603 : vector<16xi32>
    %mul3A_1607 = arith.muli %convert_element_type3A_1593, %sub3A_1606 : vector<16xi32>
    %mul3A_1608 = arith.muli %convert_element_type3A_1593, %min3A_1603 : vector<16xi32>
    %convert_element_type3A_1609 = arith.sitofp %mul3A_1607 : vector<16xi32> to vector<16xf32>
    %convert_element_type3A_1610 = arith.sitofp %mul3A_1608 : vector<16xi32> to vector<16xf32>
    %mul3A_1611 = arith.muli %mul3A_1607, %convert_element_type3A_1594 : vector<16xi32>
    %sub3A_1612 = arith.constant 1 : i32
    %sub3A_1613 = vector.broadcast %sub3A_1612 : i32 to vector<16xi32>
    %sub3A_1614 = arith.subi %sub3A_1613, %mul3A_1607 : vector<16xi32>
    %mul3A_1615 = arith.muli %sub3A_1614, %broadcast_in_dim3A_1566 : vector<16xi32>
    %add3A_1616 = arith.addi %mul3A_1611, %mul3A_1615 : vector<16xi32>
    %mul3A_1617 = arith.mulf %convert_element_type3A_1609, %get3A_1579 : vector<16xf32>
    %sub3A_1618 = arith.constant 1.000000e+00 : f32
    %sub3A_1619 = vector.broadcast %sub3A_1618 : f32 to vector<16xf32>
    %sub3A_1620 = arith.subf %sub3A_1619, %convert_element_type3A_1609 : vector<16xf32>
    %mul3A_1621 = arith.mulf %sub3A_1620, %broadcast_in_dim3A_1570 : vector<16xf32>
    %add3A_1622 = arith.addf %mul3A_1617, %mul3A_1621 : vector<16xf32>
    %mul3A_1623 = arith.muli %mul3A_1608, %convert_element_type3A_1594 : vector<16xi32>
    %sub3A_1624 = arith.constant 1 : i32
    %sub3A_1625 = vector.broadcast %sub3A_1624 : i32 to vector<16xi32>
    %sub3A_1626 = arith.subi %sub3A_1625, %mul3A_1608 : vector<16xi32>
    %mul3A_1627 = arith.muli %sub3A_1626, %broadcast_in_dim3A_1568 : vector<16xi32>
    %add3A_1628 = arith.addi %mul3A_1623, %mul3A_1627 : vector<16xi32>
    %mul3A_1629 = arith.mulf %convert_element_type3A_1610, %get3A_1579 : vector<16xf32>
    %sub3A_1630 = arith.constant 1.000000e+00 : f32
    %sub3A_1631 = vector.broadcast %sub3A_1630 : f32 to vector<16xf32>
    %sub3A_1632 = arith.subf %sub3A_1631, %convert_element_type3A_1610 : vector<16xf32>
    %mul3A_1633 = arith.mulf %sub3A_1632, %broadcast_in_dim3A_1572 : vector<16xf32>
    %add3A_1634 = arith.addf %mul3A_1629, %mul3A_1633 : vector<16xf32>
    %mul3A_1635 = arith.constant 16 : i32
    %mul3A_1636 = arith.muli %add3A_1564, %mul3A_1635 : i32
    %get3A_1637 = arith.constant 1 : i32
    %get3A_1638 = arith.index_cast %get3A_1637 : i32 to index
    %get3A_1639 = arith.index_cast %mul3A_1636 : i32 to index
    %get3A_1640 = tpu.vector_load %arg10[%get3A_1638, %get3A_1639] {strides = array<i32>} : memref<8x2048xf32, #tpu.memory_space<vmem>>, vector<1x16xf32>,
    %get3A_1641 = vector.shape_cast %get3A_1640 : vector<1x16xf32> to vector<16xf32>
    %mul3A_1642 = arith.constant 16 : i32
    %mul3A_1643 = arith.muli %add3A_1564, %mul3A_1642 : i32
    %get3A_1644 = arith.constant 1 : i32
    %get3A_1645 = arith.index_cast %get3A_1644 : i32 to index
    %get3A_1646 = arith.index_cast %mul3A_1643 : i32 to index
    %get3A_1647 = tpu.vector_load %arg11[%get3A_1645, %get3A_1646] {strides = array<i32>} : memref<8x2048xf32, #tpu.memory_space<vmem>>, vector<1x16xf32>,
    %get3A_1648 = vector.shape_cast %get3A_1647 : vector<1x16xf32> to vector<16xf32>
    %mul3A_1649 = arith.constant 1.000000e+30 : f32
    %mul3A_1650 = vector.broadcast %mul3A_1649 : f32 to vector<16xf32>
    %mul3A_1651 = arith.mulf %get3A_1641, %mul3A_1650 : vector<16xf32>
    %min3A_1652 = arith.constant 1.000000e+00 : f32
    %min3A_1653 = vector.broadcast %min3A_1652 : f32 to vector<16xf32>
    %min3A_1654 = arith.minimumf %mul3A_1651, %min3A_1653 : vector<16xf32>
    %convert_element_type3A_1655 = arith.fptosi %min3A_1654 : vector<16xf32> to vector<16xi32>
    %convert_element_type3A_1656 = arith.fptosi %get3A_1648 : vector<16xf32> to vector<16xi32>
    %add3A_1657 = arith.constant 1 : i32
    %add3A_1658 = vector.broadcast %add3A_1657 : i32 to vector<16xi32>
    %add3A_1659 = arith.addi %add3A_1616, %add3A_1658 : vector<16xi32>
    %jit3A_1660 = arith.constant 0 : i32
    %jit3A_1661 = arith.constant 1 : i32
    %max3A_1662 = vector.broadcast %jit3A_1660 : i32 to vector<16xi32>
    %max3A_1663 = arith.maxsi %max3A_1662, %add3A_1659 : vector<16xi32>
    %min3A_1664 = vector.broadcast %jit3A_1661 : i32 to vector<16xi32>
    %min3A_1665 = arith.minsi %min3A_1664, %max3A_1663 : vector<16xi32>
    %sub3A_1666 = arith.constant 1 : i32
    %sub3A_1667 = vector.broadcast %sub3A_1666 : i32 to vector<16xi32>
    %sub3A_1668 = arith.subi %sub3A_1667, %min3A_1665 : vector<16xi32>
    %mul3A_1669 = arith.muli %convert_element_type3A_1655, %sub3A_1668 : vector<16xi32>
    %mul3A_1670 = arith.muli %convert_element_type3A_1655, %min3A_1665 : vector<16xi32>
    %convert_element_type3A_1671 = arith.sitofp %mul3A_1669 : vector<16xi32> to vector<16xf32>
    %convert_element_type3A_1672 = arith.sitofp %mul3A_1670 : vector<16xi32> to vector<16xf32>
    %mul3A_1673 = arith.muli %mul3A_1669, %convert_element_type3A_1656 : vector<16xi32>
    %sub3A_1674 = arith.constant 1 : i32
    %sub3A_1675 = vector.broadcast %sub3A_1674 : i32 to vector<16xi32>
    %sub3A_1676 = arith.subi %sub3A_1675, %mul3A_1669 : vector<16xi32>
    %mul3A_1677 = arith.muli %sub3A_1676, %add3A_1616 : vector<16xi32>
    %add3A_1678 = arith.addi %mul3A_1673, %mul3A_1677 : vector<16xi32>
    %mul3A_1679 = arith.mulf %convert_element_type3A_1671, %get3A_1641 : vector<16xf32>
    %sub3A_1680 = arith.constant 1.000000e+00 : f32
    %sub3A_1681 = vector.broadcast %sub3A_1680 : f32 to vector<16xf32>
    %sub3A_1682 = arith.subf %sub3A_1681, %convert_element_type3A_1671 : vector<16xf32>
    %mul3A_1683 = arith.mulf %sub3A_1682, %add3A_1622 : vector<16xf32>
    %add3A_1684 = arith.addf %mul3A_1679, %mul3A_1683 : vector<16xf32>
    %mul3A_1685 = arith.muli %mul3A_1670, %convert_element_type3A_1656 : vector<16xi32>
    %sub3A_1686 = arith.constant 1 : i32
    %sub3A_1687 = vector.broadcast %sub3A_1686 : i32 to vector<16xi32>
    %sub3A_1688 = arith.subi %sub3A_1687, %mul3A_1670 : vector<16xi32>
    %mul3A_1689 = arith.muli %sub3A_1688, %add3A_1628 : vector<16xi32>
    %add3A_1690 = arith.addi %mul3A_1685, %mul3A_1689 : vector<16xi32>
    %mul3A_1691 = arith.mulf %convert_element_type3A_1672, %get3A_1641 : vector<16xf32>
    %sub3A_1692 = arith.constant 1.000000e+00 : f32
    %sub3A_1693 = vector.broadcast %sub3A_1692 : f32 to vector<16xf32>
    %sub3A_1694 = arith.subf %sub3A_1693, %convert_element_type3A_1672 : vector<16xf32>
    %mul3A_1695 = arith.mulf %sub3A_1694, %add3A_1634 : vector<16xf32>
    %add3A_1696 = arith.addf %mul3A_1691, %mul3A_1695 : vector<16xf32>
    %mul3A_1697 = arith.constant 16 : i32
    %mul3A_1698 = arith.muli %add3A_1564, %mul3A_1697 : i32
    %get3A_1699 = arith.constant 2 : i32
    %get3A_1700 = arith.index_cast %get3A_1699 : i32 to index
    %get3A_1701 = arith.index_cast %mul3A_1698 : i32 to index
    %get3A_1702 = tpu.vector_load %arg10[%get3A_1700, %get3A_1701] {strides = array<i32>} : memref<8x2048xf32, #tpu.memory_space<vmem>>, vector<1x16xf32>,
    %get3A_1703 = vector.shape_cast %get3A_1702 : vector<1x16xf32> to vector<16xf32>
    %mul3A_1704 = arith.constant 16 : i32
    %mul3A_1705 = arith.muli %add3A_1564, %mul3A_1704 : i32
    %get3A_1706 = arith.constant 2 : i32
    %get3A_1707 = arith.index_cast %get3A_1706 : i32 to index
    %get3A_1708 = arith.index_cast %mul3A_1705 : i32 to index
    %get3A_1709 = tpu.vector_load %arg11[%get3A_1707, %get3A_1708] {strides = array<i32>} : memref<8x2048xf32, #tpu.memory_space<vmem>>, vector<1x16xf32>,
    %get3A_1710 = vector.shape_cast %get3A_1709 : vector<1x16xf32> to vector<16xf32>
    %mul3A_1711 = arith.constant 1.000000e+30 : f32
    %mul3A_1712 = vector.broadcast %mul3A_1711 : f32 to vector<16xf32>
    %mul3A_1713 = arith.mulf %get3A_1703, %mul3A_1712 : vector<16xf32>
    %min3A_1714 = arith.constant 1.000000e+00 : f32
    %min3A_1715 = vector.broadcast %min3A_1714 : f32 to vector<16xf32>
    %min3A_1716 = arith.minimumf %mul3A_1713, %min3A_1715 : vector<16xf32>
    %convert_element_type3A_1717 = arith.fptosi %min3A_1716 : vector<16xf32> to vector<16xi32>
    %convert_element_type3A_1718 = arith.fptosi %get3A_1710 : vector<16xf32> to vector<16xi32>
    %add3A_1719 = arith.constant 1 : i32
    %add3A_1720 = vector.broadcast %add3A_1719 : i32 to vector<16xi32>
    %add3A_1721 = arith.addi %add3A_1678, %add3A_1720 : vector<16xi32>
    %jit3A_1722 = arith.constant 0 : i32
    %jit3A_1723 = arith.constant 1 : i32
    %max3A_1724 = vector.broadcast %jit3A_1722 : i32 to vector<16xi32>
    %max3A_1725 = arith.maxsi %max3A_1724, %add3A_1721 : vector<16xi32>
    %min3A_1726 = vector.broadcast %jit3A_1723 : i32 to vector<16xi32>
    %min3A_1727 = arith.minsi %min3A_1726, %max3A_1725 : vector<16xi32>
    %sub3A_1728 = arith.constant 1 : i32
    %sub3A_1729 = vector.broadcast %sub3A_1728 : i32 to vector<16xi32>
    %sub3A_1730 = arith.subi %sub3A_1729, %min3A_1727 : vector<16xi32>
    %mul3A_1731 = arith.muli %convert_element_type3A_1717, %sub3A_1730 : vector<16xi32>
    %mul3A_1732 = arith.muli %convert_element_type3A_1717, %min3A_1727 : vector<16xi32>
    %convert_element_type3A_1733 = arith.sitofp %mul3A_1731 : vector<16xi32> to vector<16xf32>
    %convert_element_type3A_1734 = arith.sitofp %mul3A_1732 : vector<16xi32> to vector<16xf32>
    %mul3A_1735 = arith.muli %mul3A_1731, %convert_element_type3A_1718 : vector<16xi32>
    %sub3A_1736 = arith.constant 1 : i32
    %sub3A_1737 = vector.broadcast %sub3A_1736 : i32 to vector<16xi32>
    %sub3A_1738 = arith.subi %sub3A_1737, %mul3A_1731 : vector<16xi32>
    %mul3A_1739 = arith.muli %sub3A_1738, %add3A_1678 : vector<16xi32>
    %add3A_1740 = arith.addi %mul3A_1735, %mul3A_1739 : vector<16xi32>
    %mul3A_1741 = arith.mulf %convert_element_type3A_1733, %get3A_1703 : vector<16xf32>
    %sub3A_1742 = arith.constant 1.000000e+00 : f32
    %sub3A_1743 = vector.broadcast %sub3A_1742 : f32 to vector<16xf32>
    %sub3A_1744 = arith.subf %sub3A_1743, %convert_element_type3A_1733 : vector<16xf32>
    %mul3A_1745 = arith.mulf %sub3A_1744, %add3A_1684 : vector<16xf32>
    %add3A_1746 = arith.addf %mul3A_1741, %mul3A_1745 : vector<16xf32>
    %mul3A_1747 = arith.muli %mul3A_1732, %convert_element_type3A_1718 : vector<16xi32>
    %sub3A_1748 = arith.constant 1 : i32
    %sub3A_1749 = vector.broadcast %sub3A_1748 : i32 to vector<16xi32>
    %sub3A_1750 = arith.subi %sub3A_1749, %mul3A_1732 : vector<16xi32>
    %mul3A_1751 = arith.muli %sub3A_1750, %add3A_1690 : vector<16xi32>
    %add3A_1752 = arith.addi %mul3A_1747, %mul3A_1751 : vector<16xi32>
    %mul3A_1753 = arith.mulf %convert_element_type3A_1734, %get3A_1703 : vector<16xf32>
    %sub3A_1754 = arith.constant 1.000000e+00 : f32
    %sub3A_1755 = vector.broadcast %sub3A_1754 : f32 to vector<16xf32>
    %sub3A_1756 = arith.subf %sub3A_1755, %convert_element_type3A_1734 : vector<16xf32>
    %mul3A_1757 = arith.mulf %sub3A_1756, %add3A_1696 : vector<16xf32>
    %add3A_1758 = arith.addf %mul3A_1753, %mul3A_1757 : vector<16xf32>
    %mul3A_1759 = arith.constant 16 : i32
    %mul3A_1760 = arith.muli %add3A_1564, %mul3A_1759 : i32
    %get3A_1761 = arith.constant 3 : i32
    %get3A_1762 = arith.index_cast %get3A_1761 : i32 to index
    %get3A_1763 = arith.index_cast %mul3A_1760 : i32 to index
    %get3A_1764 = tpu.vector_load %arg10[%get3A_1762, %get3A_1763] {strides = array<i32>} : memref<8x2048xf32, #tpu.memory_space<vmem>>, vector<1x16xf32>,
    %get3A_1765 = vector.shape_cast %get3A_1764 : vector<1x16xf32> to vector<16xf32>
    %mul3A_1766 = arith.constant 16 : i32
    %mul3A_1767 = arith.muli %add3A_1564, %mul3A_1766 : i32
    %get3A_1768 = arith.constant 3 : i32
    %get3A_1769 = arith.index_cast %get3A_1768 : i32 to index
    %get3A_1770 = arith.index_cast %mul3A_1767 : i32 to index
    %get3A_1771 = tpu.vector_load %arg11[%get3A_1769, %get3A_1770] {strides = array<i32>} : memref<8x2048xf32, #tpu.memory_space<vmem>>, vector<1x16xf32>,
    %get3A_1772 = vector.shape_cast %get3A_1771 : vector<1x16xf32> to vector<16xf32>
    %mul3A_1773 = arith.constant 1.000000e+30 : f32
    %mul3A_1774 = vector.broadcast %mul3A_1773 : f32 to vector<16xf32>
    %mul3A_1775 = arith.mulf %get3A_1765, %mul3A_1774 : vector<16xf32>
    %min3A_1776 = arith.constant 1.000000e+00 : f32
    %min3A_1777 = vector.broadcast %min3A_1776 : f32 to vector<16xf32>
    %min3A_1778 = arith.minimumf %mul3A_1775, %min3A_1777 : vector<16xf32>
    %convert_element_type3A_1779 = arith.fptosi %min3A_1778 : vector<16xf32> to vector<16xi32>
    %convert_element_type3A_1780 = arith.fptosi %get3A_1772 : vector<16xf32> to vector<16xi32>
    %add3A_1781 = arith.constant 1 : i32
    %add3A_1782 = vector.broadcast %add3A_1781 : i32 to vector<16xi32>
    %add3A_1783 = arith.addi %add3A_1740, %add3A_1782 : vector<16xi32>
    %jit3A_1784 = arith.constant 0 : i32
    %jit3A_1785 = arith.constant 1 : i32
    %max3A_1786 = vector.broadcast %jit3A_1784 : i32 to vector<16xi32>
    %max3A_1787 = arith.maxsi %max3A_1786, %add3A_1783 : vector<16xi32>
    %min3A_1788 = vector.broadcast %jit3A_1785 : i32 to vector<16xi32>
    %min3A_1789 = arith.minsi %min3A_1788, %max3A_1787 : vector<16xi32>
    %sub3A_1790 = arith.constant 1 : i32
    %sub3A_1791 = vector.broadcast %sub3A_1790 : i32 to vector<16xi32>
    %sub3A_1792 = arith.subi %sub3A_1791, %min3A_1789 : vector<16xi32>
    %mul3A_1793 = arith.muli %convert_element_type3A_1779, %sub3A_1792 : vector<16xi32>
    %mul3A_1794 = arith.muli %convert_element_type3A_1779, %min3A_1789 : vector<16xi32>
    %convert_element_type3A_1795 = arith.sitofp %mul3A_1793 : vector<16xi32> to vector<16xf32>
    %convert_element_type3A_1796 = arith.sitofp %mul3A_1794 : vector<16xi32> to vector<16xf32>
    %mul3A_1797 = arith.muli %mul3A_1793, %convert_element_type3A_1780 : vector<16xi32>
    %sub3A_1798 = arith.constant 1 : i32
    %sub3A_1799 = vector.broadcast %sub3A_1798 : i32 to vector<16xi32>
    %sub3A_1800 = arith.subi %sub3A_1799, %mul3A_1793 : vector<16xi32>
    %mul3A_1801 = arith.muli %sub3A_1800, %add3A_1740 : vector<16xi32>
    %add3A_1802 = arith.addi %mul3A_1797, %mul3A_1801 : vector<16xi32>
    %mul3A_1803 = arith.mulf %convert_element_type3A_1795, %get3A_1765 : vector<16xf32>
    %sub3A_1804 = arith.constant 1.000000e+00 : f32
    %sub3A_1805 = vector.broadcast %sub3A_1804 : f32 to vector<16xf32>
    %sub3A_1806 = arith.subf %sub3A_1805, %convert_element_type3A_1795 : vector<16xf32>
    %mul3A_1807 = arith.mulf %sub3A_1806, %add3A_1746 : vector<16xf32>
    %add3A_1808 = arith.addf %mul3A_1803, %mul3A_1807 : vector<16xf32>
    %mul3A_1809 = arith.muli %mul3A_1794, %convert_element_type3A_1780 : vector<16xi32>
    %sub3A_1810 = arith.constant 1 : i32
    %sub3A_1811 = vector.broadcast %sub3A_1810 : i32 to vector<16xi32>
    %sub3A_1812 = arith.subi %sub3A_1811, %mul3A_1794 : vector<16xi32>
    %mul3A_1813 = arith.muli %sub3A_1812, %add3A_1752 : vector<16xi32>
    %add3A_1814 = arith.addi %mul3A_1809, %mul3A_1813 : vector<16xi32>
    %mul3A_1815 = arith.mulf %convert_element_type3A_1796, %get3A_1765 : vector<16xf32>
    %sub3A_1816 = arith.constant 1.000000e+00 : f32
    %sub3A_1817 = vector.broadcast %sub3A_1816 : f32 to vector<16xf32>
    %sub3A_1818 = arith.subf %sub3A_1817, %convert_element_type3A_1796 : vector<16xf32>
    %mul3A_1819 = arith.mulf %sub3A_1818, %add3A_1758 : vector<16xf32>
    %add3A_1820 = arith.addf %mul3A_1815, %mul3A_1819 : vector<16xf32>
    %mul3A_1821 = arith.constant 16 : i32
    %mul3A_1822 = arith.muli %add3A_1564, %mul3A_1821 : i32
    %get3A_1823 = arith.constant 4 : i32
    %get3A_1824 = arith.index_cast %get3A_1823 : i32 to index
    %get3A_1825 = arith.index_cast %mul3A_1822 : i32 to index
    %get3A_1826 = tpu.vector_load %arg10[%get3A_1824, %get3A_1825] {strides = array<i32>} : memref<8x2048xf32, #tpu.memory_space<vmem>>, vector<1x16xf32>,
    %get3A_1827 = vector.shape_cast %get3A_1826 : vector<1x16xf32> to vector<16xf32>
    %mul3A_1828 = arith.constant 16 : i32
    %mul3A_1829 = arith.muli %add3A_1564, %mul3A_1828 : i32
    %get3A_1830 = arith.constant 4 : i32
    %get3A_1831 = arith.index_cast %get3A_1830 : i32 to index
    %get3A_1832 = arith.index_cast %mul3A_1829 : i32 to index
    %get3A_1833 = tpu.vector_load %arg11[%get3A_1831, %get3A_1832] {strides = array<i32>} : memref<8x2048xf32, #tpu.memory_space<vmem>>, vector<1x16xf32>,
    %get3A_1834 = vector.shape_cast %get3A_1833 : vector<1x16xf32> to vector<16xf32>
    %mul3A_1835 = arith.constant 1.000000e+30 : f32
    %mul3A_1836 = vector.broadcast %mul3A_1835 : f32 to vector<16xf32>
    %mul3A_1837 = arith.mulf %get3A_1827, %mul3A_1836 : vector<16xf32>
    %min3A_1838 = arith.constant 1.000000e+00 : f32
    %min3A_1839 = vector.broadcast %min3A_1838 : f32 to vector<16xf32>
    %min3A_1840 = arith.minimumf %mul3A_1837, %min3A_1839 : vector<16xf32>
    %convert_element_type3A_1841 = arith.fptosi %min3A_1840 : vector<16xf32> to vector<16xi32>
    %convert_element_type3A_1842 = arith.fptosi %get3A_1834 : vector<16xf32> to vector<16xi32>
    %add3A_1843 = arith.constant 1 : i32
    %add3A_1844 = vector.broadcast %add3A_1843 : i32 to vector<16xi32>
    %add3A_1845 = arith.addi %add3A_1802, %add3A_1844 : vector<16xi32>
    %jit3A_1846 = arith.constant 0 : i32
    %jit3A_1847 = arith.constant 1 : i32
    %max3A_1848 = vector.broadcast %jit3A_1846 : i32 to vector<16xi32>
    %max3A_1849 = arith.maxsi %max3A_1848, %add3A_1845 : vector<16xi32>
    %min3A_1850 = vector.broadcast %jit3A_1847 : i32 to vector<16xi32>
    %min3A_1851 = arith.minsi %min3A_1850, %max3A_1849 : vector<16xi32>
    %sub3A_1852 = arith.constant 1 : i32
    %sub3A_1853 = vector.broadcast %sub3A_1852 : i32 to vector<16xi32>
    %sub3A_1854 = arith.subi %sub3A_1853, %min3A_1851 : vector<16xi32>
    %mul3A_1855 = arith.muli %convert_element_type3A_1841, %sub3A_1854 : vector<16xi32>
    %mul3A_1856 = arith.muli %convert_element_type3A_1841, %min3A_1851 : vector<16xi32>
    %convert_element_type3A_1857 = arith.sitofp %mul3A_1855 : vector<16xi32> to vector<16xf32>
    %convert_element_type3A_1858 = arith.sitofp %mul3A_1856 : vector<16xi32> to vector<16xf32>
    %mul3A_1859 = arith.muli %mul3A_1855, %convert_element_type3A_1842 : vector<16xi32>
    %sub3A_1860 = arith.constant 1 : i32
    %sub3A_1861 = vector.broadcast %sub3A_1860 : i32 to vector<16xi32>
    %sub3A_1862 = arith.subi %sub3A_1861, %mul3A_1855 : vector<16xi32>
    %mul3A_1863 = arith.muli %sub3A_1862, %add3A_1802 : vector<16xi32>
    %add3A_1864 = arith.addi %mul3A_1859, %mul3A_1863 : vector<16xi32>
    %mul3A_1865 = arith.mulf %convert_element_type3A_1857, %get3A_1827 : vector<16xf32>
    %sub3A_1866 = arith.constant 1.000000e+00 : f32
    %sub3A_1867 = vector.broadcast %sub3A_1866 : f32 to vector<16xf32>
    %sub3A_1868 = arith.subf %sub3A_1867, %convert_element_type3A_1857 : vector<16xf32>
    %mul3A_1869 = arith.mulf %sub3A_1868, %add3A_1808 : vector<16xf32>
    %add3A_1870 = arith.addf %mul3A_1865, %mul3A_1869 : vector<16xf32>
    %mul3A_1871 = arith.muli %mul3A_1856, %convert_element_type3A_1842 : vector<16xi32>
    %sub3A_1872 = arith.constant 1 : i32
    %sub3A_1873 = vector.broadcast %sub3A_1872 : i32 to vector<16xi32>
    %sub3A_1874 = arith.subi %sub3A_1873, %mul3A_1856 : vector<16xi32>
    %mul3A_1875 = arith.muli %sub3A_1874, %add3A_1814 : vector<16xi32>
    %add3A_1876 = arith.addi %mul3A_1871, %mul3A_1875 : vector<16xi32>
    %mul3A_1877 = arith.mulf %convert_element_type3A_1858, %get3A_1827 : vector<16xf32>
    %sub3A_1878 = arith.constant 1.000000e+00 : f32
    %sub3A_1879 = vector.broadcast %sub3A_1878 : f32 to vector<16xf32>
    %sub3A_1880 = arith.subf %sub3A_1879, %convert_element_type3A_1858 : vector<16xf32>
    %mul3A_1881 = arith.mulf %sub3A_1880, %add3A_1820 : vector<16xf32>
    %add3A_1882 = arith.addf %mul3A_1877, %mul3A_1881 : vector<16xf32>
    %mul3A_1883 = arith.constant 16 : i32
    %mul3A_1884 = arith.muli %add3A_1564, %mul3A_1883 : i32
    %get3A_1885 = arith.constant 5 : i32
    %get3A_1886 = arith.index_cast %get3A_1885 : i32 to index
    %get3A_1887 = arith.index_cast %mul3A_1884 : i32 to index
    %get3A_1888 = tpu.vector_load %arg10[%get3A_1886, %get3A_1887] {strides = array<i32>} : memref<8x2048xf32, #tpu.memory_space<vmem>>, vector<1x16xf32>,
    %get3A_1889 = vector.shape_cast %get3A_1888 : vector<1x16xf32> to vector<16xf32>
    %mul3A_1890 = arith.constant 16 : i32
    %mul3A_1891 = arith.muli %add3A_1564, %mul3A_1890 : i32
    %get3A_1892 = arith.constant 5 : i32
    %get3A_1893 = arith.index_cast %get3A_1892 : i32 to index
    %get3A_1894 = arith.index_cast %mul3A_1891 : i32 to index
    %get3A_1895 = tpu.vector_load %arg11[%get3A_1893, %get3A_1894] {strides = array<i32>} : memref<8x2048xf32, #tpu.memory_space<vmem>>, vector<1x16xf32>,
    %get3A_1896 = vector.shape_cast %get3A_1895 : vector<1x16xf32> to vector<16xf32>
    %mul3A_1897 = arith.constant 1.000000e+30 : f32
    %mul3A_1898 = vector.broadcast %mul3A_1897 : f32 to vector<16xf32>
    %mul3A_1899 = arith.mulf %get3A_1889, %mul3A_1898 : vector<16xf32>
    %min3A_1900 = arith.constant 1.000000e+00 : f32
    %min3A_1901 = vector.broadcast %min3A_1900 : f32 to vector<16xf32>
    %min3A_1902 = arith.minimumf %mul3A_1899, %min3A_1901 : vector<16xf32>
    %convert_element_type3A_1903 = arith.fptosi %min3A_1902 : vector<16xf32> to vector<16xi32>
    %convert_element_type3A_1904 = arith.fptosi %get3A_1896 : vector<16xf32> to vector<16xi32>
    %add3A_1905 = arith.constant 1 : i32
    %add3A_1906 = vector.broadcast %add3A_1905 : i32 to vector<16xi32>
    %add3A_1907 = arith.addi %add3A_1864, %add3A_1906 : vector<16xi32>
    %jit3A_1908 = arith.constant 0 : i32
    %jit3A_1909 = arith.constant 1 : i32
    %max3A_1910 = vector.broadcast %jit3A_1908 : i32 to vector<16xi32>
    %max3A_1911 = arith.maxsi %max3A_1910, %add3A_1907 : vector<16xi32>
    %min3A_1912 = vector.broadcast %jit3A_1909 : i32 to vector<16xi32>
    %min3A_1913 = arith.minsi %min3A_1912, %max3A_1911 : vector<16xi32>
    %sub3A_1914 = arith.constant 1 : i32
    %sub3A_1915 = vector.broadcast %sub3A_1914 : i32 to vector<16xi32>
    %sub3A_1916 = arith.subi %sub3A_1915, %min3A_1913 : vector<16xi32>
    %mul3A_1917 = arith.muli %convert_element_type3A_1903, %sub3A_1916 : vector<16xi32>
    %mul3A_1918 = arith.muli %convert_element_type3A_1903, %min3A_1913 : vector<16xi32>
    %convert_element_type3A_1919 = arith.sitofp %mul3A_1917 : vector<16xi32> to vector<16xf32>
    %convert_element_type3A_1920 = arith.sitofp %mul3A_1918 : vector<16xi32> to vector<16xf32>
    %mul3A_1921 = arith.muli %mul3A_1917, %convert_element_type3A_1904 : vector<16xi32>
    %sub3A_1922 = arith.constant 1 : i32
    %sub3A_1923 = vector.broadcast %sub3A_1922 : i32 to vector<16xi32>
    %sub3A_1924 = arith.subi %sub3A_1923, %mul3A_1917 : vector<16xi32>
    %mul3A_1925 = arith.muli %sub3A_1924, %add3A_1864 : vector<16xi32>
    %add3A_1926 = arith.addi %mul3A_1921, %mul3A_1925 : vector<16xi32>
    %mul3A_1927 = arith.mulf %convert_element_type3A_1919, %get3A_1889 : vector<16xf32>
    %sub3A_1928 = arith.constant 1.000000e+00 : f32
    %sub3A_1929 = vector.broadcast %sub3A_1928 : f32 to vector<16xf32>
    %sub3A_1930 = arith.subf %sub3A_1929, %convert_element_type3A_1919 : vector<16xf32>
    %mul3A_1931 = arith.mulf %sub3A_1930, %add3A_1870 : vector<16xf32>
    %add3A_1932 = arith.addf %mul3A_1927, %mul3A_1931 : vector<16xf32>
    %mul3A_1933 = arith.muli %mul3A_1918, %convert_element_type3A_1904 : vector<16xi32>
    %sub3A_1934 = arith.constant 1 : i32
    %sub3A_1935 = vector.broadcast %sub3A_1934 : i32 to vector<16xi32>
    %sub3A_1936 = arith.subi %sub3A_1935, %mul3A_1918 : vector<16xi32>
    %mul3A_1937 = arith.muli %sub3A_1936, %add3A_1876 : vector<16xi32>
    %add3A_1938 = arith.addi %mul3A_1933, %mul3A_1937 : vector<16xi32>
    %mul3A_1939 = arith.mulf %convert_element_type3A_1920, %get3A_1889 : vector<16xf32>
    %sub3A_1940 = arith.constant 1.000000e+00 : f32
    %sub3A_1941 = vector.broadcast %sub3A_1940 : f32 to vector<16xf32>
    %sub3A_1942 = arith.subf %sub3A_1941, %convert_element_type3A_1920 : vector<16xf32>
    %mul3A_1943 = arith.mulf %sub3A_1942, %add3A_1882 : vector<16xf32>
    %add3A_1944 = arith.addf %mul3A_1939, %mul3A_1943 : vector<16xf32>
    %mul3A_1945 = arith.constant 16 : i32
    %mul3A_1946 = arith.muli %add3A_1564, %mul3A_1945 : i32
    %get3A_1947 = arith.constant 6 : i32
    %get3A_1948 = arith.index_cast %get3A_1947 : i32 to index
    %get3A_1949 = arith.index_cast %mul3A_1946 : i32 to index
    %get3A_1950 = tpu.vector_load %arg10[%get3A_1948, %get3A_1949] {strides = array<i32>} : memref<8x2048xf32, #tpu.memory_space<vmem>>, vector<1x16xf32>,
    %get3A_1951 = vector.shape_cast %get3A_1950 : vector<1x16xf32> to vector<16xf32>
    %mul3A_1952 = arith.constant 16 : i32
    %mul3A_1953 = arith.muli %add3A_1564, %mul3A_1952 : i32
    %get3A_1954 = arith.constant 6 : i32
    %get3A_1955 = arith.index_cast %get3A_1954 : i32 to index
    %get3A_1956 = arith.index_cast %mul3A_1953 : i32 to index
    %get3A_1957 = tpu.vector_load %arg11[%get3A_1955, %get3A_1956] {strides = array<i32>} : memref<8x2048xf32, #tpu.memory_space<vmem>>, vector<1x16xf32>,
    %get3A_1958 = vector.shape_cast %get3A_1957 : vector<1x16xf32> to vector<16xf32>
    %mul3A_1959 = arith.constant 1.000000e+30 : f32
    %mul3A_1960 = vector.broadcast %mul3A_1959 : f32 to vector<16xf32>
    %mul3A_1961 = arith.mulf %get3A_1951, %mul3A_1960 : vector<16xf32>
    %min3A_1962 = arith.constant 1.000000e+00 : f32
    %min3A_1963 = vector.broadcast %min3A_1962 : f32 to vector<16xf32>
    %min3A_1964 = arith.minimumf %mul3A_1961, %min3A_1963 : vector<16xf32>
    %convert_element_type3A_1965 = arith.fptosi %min3A_1964 : vector<16xf32> to vector<16xi32>
    %convert_element_type3A_1966 = arith.fptosi %get3A_1958 : vector<16xf32> to vector<16xi32>
    %add3A_1967 = arith.constant 1 : i32
    %add3A_1968 = vector.broadcast %add3A_1967 : i32 to vector<16xi32>
    %add3A_1969 = arith.addi %add3A_1926, %add3A_1968 : vector<16xi32>
    %jit3A_1970 = arith.constant 0 : i32
    %jit3A_1971 = arith.constant 1 : i32
    %max3A_1972 = vector.broadcast %jit3A_1970 : i32 to vector<16xi32>
    %max3A_1973 = arith.maxsi %max3A_1972, %add3A_1969 : vector<16xi32>
    %min3A_1974 = vector.broadcast %jit3A_1971 : i32 to vector<16xi32>
    %min3A_1975 = arith.minsi %min3A_1974, %max3A_1973 : vector<16xi32>
    %sub3A_1976 = arith.constant 1 : i32
    %sub3A_1977 = vector.broadcast %sub3A_1976 : i32 to vector<16xi32>
    %sub3A_1978 = arith.subi %sub3A_1977, %min3A_1975 : vector<16xi32>
    %mul3A_1979 = arith.muli %convert_element_type3A_1965, %sub3A_1978 : vector<16xi32>
    %mul3A_1980 = arith.muli %convert_element_type3A_1965, %min3A_1975 : vector<16xi32>
    %convert_element_type3A_1981 = arith.sitofp %mul3A_1979 : vector<16xi32> to vector<16xf32>
    %convert_element_type3A_1982 = arith.sitofp %mul3A_1980 : vector<16xi32> to vector<16xf32>
    %mul3A_1983 = arith.muli %mul3A_1979, %convert_element_type3A_1966 : vector<16xi32>
    %sub3A_1984 = arith.constant 1 : i32
    %sub3A_1985 = vector.broadcast %sub3A_1984 : i32 to vector<16xi32>
    %sub3A_1986 = arith.subi %sub3A_1985, %mul3A_1979 : vector<16xi32>
    %mul3A_1987 = arith.muli %sub3A_1986, %add3A_1926 : vector<16xi32>
    %add3A_1988 = arith.addi %mul3A_1983, %mul3A_1987 : vector<16xi32>
    %mul3A_1989 = arith.mulf %convert_element_type3A_1981, %get3A_1951 : vector<16xf32>
    %sub3A_1990 = arith.constant 1.000000e+00 : f32
    %sub3A_1991 = vector.broadcast %sub3A_1990 : f32 to vector<16xf32>
    %sub3A_1992 = arith.subf %sub3A_1991, %convert_element_type3A_1981 : vector<16xf32>
    %mul3A_1993 = arith.mulf %sub3A_1992, %add3A_1932 : vector<16xf32>
    %add3A_1994 = arith.addf %mul3A_1989, %mul3A_1993 : vector<16xf32>
    %mul3A_1995 = arith.muli %mul3A_1980, %convert_element_type3A_1966 : vector<16xi32>
    %sub3A_1996 = arith.constant 1 : i32
    %sub3A_1997 = vector.broadcast %sub3A_1996 : i32 to vector<16xi32>
    %sub3A_1998 = arith.subi %sub3A_1997, %mul3A_1980 : vector<16xi32>
    %mul3A_1999 = arith.muli %sub3A_1998, %add3A_1938 : vector<16xi32>
    %add3A_2000 = arith.addi %mul3A_1995, %mul3A_1999 : vector<16xi32>
    %mul3A_2001 = arith.mulf %convert_element_type3A_1982, %get3A_1951 : vector<16xf32>
    %sub3A_2002 = arith.constant 1.000000e+00 : f32
    %sub3A_2003 = vector.broadcast %sub3A_2002 : f32 to vector<16xf32>
    %sub3A_2004 = arith.subf %sub3A_2003, %convert_element_type3A_1982 : vector<16xf32>
    %mul3A_2005 = arith.mulf %sub3A_2004, %add3A_1944 : vector<16xf32>
    %add3A_2006 = arith.addf %mul3A_2001, %mul3A_2005 : vector<16xf32>
    %mul3A_2007 = arith.constant 16 : i32
    %mul3A_2008 = arith.muli %add3A_1564, %mul3A_2007 : i32
    %get3A_2009 = arith.constant 7 : i32
    %get3A_2010 = arith.index_cast %get3A_2009 : i32 to index
    %get3A_2011 = arith.index_cast %mul3A_2008 : i32 to index
    %get3A_2012 = tpu.vector_load %arg10[%get3A_2010, %get3A_2011] {strides = array<i32>} : memref<8x2048xf32, #tpu.memory_space<vmem>>, vector<1x16xf32>,
    %get3A_2013 = vector.shape_cast %get3A_2012 : vector<1x16xf32> to vector<16xf32>
    %mul3A_2014 = arith.constant 16 : i32
    %mul3A_2015 = arith.muli %add3A_1564, %mul3A_2014 : i32
    %get3A_2016 = arith.constant 7 : i32
    %get3A_2017 = arith.index_cast %get3A_2016 : i32 to index
    %get3A_2018 = arith.index_cast %mul3A_2015 : i32 to index
    %get3A_2019 = tpu.vector_load %arg11[%get3A_2017, %get3A_2018] {strides = array<i32>} : memref<8x2048xf32, #tpu.memory_space<vmem>>, vector<1x16xf32>,
    %get3A_2020 = vector.shape_cast %get3A_2019 : vector<1x16xf32> to vector<16xf32>
    %mul3A_2021 = arith.constant 1.000000e+30 : f32
    %mul3A_2022 = vector.broadcast %mul3A_2021 : f32 to vector<16xf32>
    %mul3A_2023 = arith.mulf %get3A_2013, %mul3A_2022 : vector<16xf32>
    %min3A_2024 = arith.constant 1.000000e+00 : f32
    %min3A_2025 = vector.broadcast %min3A_2024 : f32 to vector<16xf32>
    %min3A_2026 = arith.minimumf %mul3A_2023, %min3A_2025 : vector<16xf32>
    %convert_element_type3A_2027 = arith.fptosi %min3A_2026 : vector<16xf32> to vector<16xi32>
    %convert_element_type3A_2028 = arith.fptosi %get3A_2020 : vector<16xf32> to vector<16xi32>
    %add3A_2029 = arith.constant 1 : i32
    %add3A_2030 = vector.broadcast %add3A_2029 : i32 to vector<16xi32>
    %add3A_2031 = arith.addi %add3A_1988, %add3A_2030 : vector<16xi32>
    %jit3A_2032 = arith.constant 0 : i32
    %jit3A_2033 = arith.constant 1 : i32
    %max3A_2034 = vector.broadcast %jit3A_2032 : i32 to vector<16xi32>
    %max3A_2035 = arith.maxsi %max3A_2034, %add3A_2031 : vector<16xi32>
    %min3A_2036 = vector.broadcast %jit3A_2033 : i32 to vector<16xi32>
    %min3A_2037 = arith.minsi %min3A_2036, %max3A_2035 : vector<16xi32>
    %sub3A_2038 = arith.constant 1 : i32
    %sub3A_2039 = vector.broadcast %sub3A_2038 : i32 to vector<16xi32>
    %sub3A_2040 = arith.subi %sub3A_2039, %min3A_2037 : vector<16xi32>
    %mul3A_2041 = arith.muli %convert_element_type3A_2027, %sub3A_2040 : vector<16xi32>
    %mul3A_2042 = arith.muli %convert_element_type3A_2027, %min3A_2037 : vector<16xi32>
    %convert_element_type3A_2043 = arith.sitofp %mul3A_2041 : vector<16xi32> to vector<16xf32>
    %convert_element_type3A_2044 = arith.sitofp %mul3A_2042 : vector<16xi32> to vector<16xf32>
    %mul3A_2045 = arith.muli %mul3A_2041, %convert_element_type3A_2028 : vector<16xi32>
    %sub3A_2046 = arith.constant 1 : i32
    %sub3A_2047 = vector.broadcast %sub3A_2046 : i32 to vector<16xi32>
    %sub3A_2048 = arith.subi %sub3A_2047, %mul3A_2041 : vector<16xi32>
    %mul3A_2049 = arith.muli %sub3A_2048, %add3A_1988 : vector<16xi32>
    %add3A_2050 = arith.addi %mul3A_2045, %mul3A_2049 : vector<16xi32>
    %mul3A_2051 = arith.mulf %convert_element_type3A_2043, %get3A_2013 : vector<16xf32>
    %sub3A_2052 = arith.constant 1.000000e+00 : f32
    %sub3A_2053 = vector.broadcast %sub3A_2052 : f32 to vector<16xf32>
    %sub3A_2054 = arith.subf %sub3A_2053, %convert_element_type3A_2043 : vector<16xf32>
    %mul3A_2055 = arith.mulf %sub3A_2054, %add3A_1994 : vector<16xf32>
    %add3A_2056 = arith.addf %mul3A_2051, %mul3A_2055 : vector<16xf32>
    %mul3A_2057 = arith.muli %mul3A_2042, %convert_element_type3A_2028 : vector<16xi32>
    %sub3A_2058 = arith.constant 1 : i32
    %sub3A_2059 = vector.broadcast %sub3A_2058 : i32 to vector<16xi32>
    %sub3A_2060 = arith.subi %sub3A_2059, %mul3A_2042 : vector<16xi32>
    %mul3A_2061 = arith.muli %sub3A_2060, %add3A_2000 : vector<16xi32>
    %add3A_2062 = arith.addi %mul3A_2057, %mul3A_2061 : vector<16xi32>
    %mul3A_2063 = arith.mulf %convert_element_type3A_2044, %get3A_2013 : vector<16xf32>
    %sub3A_2064 = arith.constant 1.000000e+00 : f32
    %sub3A_2065 = vector.broadcast %sub3A_2064 : f32 to vector<16xf32>
    %sub3A_2066 = arith.subf %sub3A_2065, %convert_element_type3A_2044 : vector<16xf32>
    %mul3A_2067 = arith.mulf %sub3A_2066, %add3A_2006 : vector<16xf32>
    %add3A_2068 = arith.addf %mul3A_2063, %mul3A_2067 : vector<16xf32>
    %swap3A_2069 = arith.constant 48 : index
    %swap3A_2070 = tpu.vector_load %arg13[%swap3A_2069] {strides = array<i32>} : memref<64xi32, #tpu.memory_space<vmem>>, vector<16xi32>,
    %swap3A_2071 = vector.shape_cast %swap3A_2070 : vector<16xi32> to vector<16xi32>
    %swap3A_2072 = vector.shape_cast %add3A_2050 : vector<16xi32> to vector<16xi32>
    tpu.vector_store %arg13[%swap3A_2069], %swap3A_2072 {strides = array<i32>} : memref<64xi32, #tpu.memory_space<vmem>>, vector<16xi32>,
    %swap3A_2073 = arith.constant 48 : index
    %swap3A_2074 = tpu.vector_load %arg14[%swap3A_2073] {strides = array<i32>} : memref<64xi32, #tpu.memory_space<vmem>>, vector<16xi32>,
    %swap3A_2075 = vector.shape_cast %swap3A_2074 : vector<16xi32> to vector<16xi32>
    %swap3A_2076 = vector.shape_cast %add3A_2062 : vector<16xi32> to vector<16xi32>
    tpu.vector_store %arg14[%swap3A_2073], %swap3A_2076 {strides = array<i32>} : memref<64xi32, #tpu.memory_space<vmem>>, vector<16xi32>,
    %swap3A_2077 = arith.constant 48 : index
    %swap3A_2078 = tpu.vector_load %arg15[%swap3A_2077] {strides = array<i32>} : memref<64xf32, #tpu.memory_space<vmem>>, vector<16xf32>,
    %swap3A_2079 = vector.shape_cast %swap3A_2078 : vector<16xf32> to vector<16xf32>
    %swap3A_2080 = vector.shape_cast %add3A_2056 : vector<16xf32> to vector<16xf32>
    tpu.vector_store %arg15[%swap3A_2077], %swap3A_2080 {strides = array<i32>} : memref<64xf32, #tpu.memory_space<vmem>>, vector<16xf32>,
    %swap3A_2081 = arith.constant 48 : index
    %swap3A_2082 = tpu.vector_load %arg16[%swap3A_2081] {strides = array<i32>} : memref<64xf32, #tpu.memory_space<vmem>>, vector<16xf32>,
    %swap3A_2083 = vector.shape_cast %swap3A_2082 : vector<16xf32> to vector<16xf32>
    %swap3A_2084 = vector.shape_cast %add3A_2068 : vector<16xf32> to vector<16xf32>
    tpu.vector_store %arg16[%swap3A_2081], %swap3A_2084 {strides = array<i32>} : memref<64xf32, #tpu.memory_space<vmem>>, vector<16xf32>,
    "tpu.region"() ({
      %run_scoped3A = tpu.sem_alloc : memref<!tpu.dma_semaphore, #tpu.memory_space<semaphore_mem>>
      %dma_start3A_2095 = tpu.memref_slice %arg6[%mul3A_2] : memref<2048xi32, #tpu.memory_space<hbm>> -> memref<64xi32, #tpu.memory_space<hbm>>
      %dma_start3A_2096 = tpu.memref_slice %arg6[%mul3A_2] : memref<2048xi32, #tpu.memory_space<hbm>> -> memref<64xi32, #tpu.memory_space<hbm>>
      tpu.enqueue_dma source(%arg13 : memref<64xi32, #tpu.memory_space<vmem>>) target(%dma_start3A_2096 : memref<64xi32, #tpu.memory_space<hbm>>) target_semaphore(%run_scoped3A : memref<!tpu.dma_semaphore, #tpu.memory_space<semaphore_mem>>)
      %dma_wait3A_2097 = tpu.memref_slice %arg6[%mul3A_2] : memref<2048xi32, #tpu.memory_space<hbm>> -> memref<64xi32, #tpu.memory_space<hbm>>
      %dma_wait3A_2098 = tpu.memref_slice %arg6[%mul3A_2] : memref<2048xi32, #tpu.memory_space<hbm>> -> memref<64xi32, #tpu.memory_space<hbm>>
      tpu.wait_dma2 semaphore(%run_scoped3A : memref<!tpu.dma_semaphore, #tpu.memory_space<semaphore_mem>>) src(%arg13 : memref<64xi32, #tpu.memory_space<vmem>>) dst(%dma_wait3A_2098 : memref<64xi32, #tpu.memory_space<hbm>>)
      tpu.yield
    }) : () -> ()
    "tpu.region"() ({
      %run_scoped3A = tpu.sem_alloc : memref<!tpu.dma_semaphore, #tpu.memory_space<semaphore_mem>>
      %dma_start3A_2095 = tpu.memref_slice %arg7[%mul3A_2] : memref<2048xi32, #tpu.memory_space<hbm>> -> memref<64xi32, #tpu.memory_space<hbm>>
      %dma_start3A_2096 = tpu.memref_slice %arg7[%mul3A_2] : memref<2048xi32, #tpu.memory_space<hbm>> -> memref<64xi32, #tpu.memory_space<hbm>>
      tpu.enqueue_dma source(%arg14 : memref<64xi32, #tpu.memory_space<vmem>>) target(%dma_start3A_2096 : memref<64xi32, #tpu.memory_space<hbm>>) target_semaphore(%run_scoped3A : memref<!tpu.dma_semaphore, #tpu.memory_space<semaphore_mem>>)
      %dma_wait3A_2097 = tpu.memref_slice %arg7[%mul3A_2] : memref<2048xi32, #tpu.memory_space<hbm>> -> memref<64xi32, #tpu.memory_space<hbm>>
      %dma_wait3A_2098 = tpu.memref_slice %arg7[%mul3A_2] : memref<2048xi32, #tpu.memory_space<hbm>> -> memref<64xi32, #tpu.memory_space<hbm>>
      tpu.wait_dma2 semaphore(%run_scoped3A : memref<!tpu.dma_semaphore, #tpu.memory_space<semaphore_mem>>) src(%arg14 : memref<64xi32, #tpu.memory_space<vmem>>) dst(%dma_wait3A_2098 : memref<64xi32, #tpu.memory_space<hbm>>)
      tpu.yield
    }) : () -> ()
    "tpu.region"() ({
      %run_scoped3A = tpu.sem_alloc : memref<!tpu.dma_semaphore, #tpu.memory_space<semaphore_mem>>
      %dma_start3A_2095 = tpu.memref_slice %arg8[%mul3A_2] : memref<2048xf32, #tpu.memory_space<hbm>> -> memref<64xf32, #tpu.memory_space<hbm>>
      %dma_start3A_2096 = tpu.memref_slice %arg8[%mul3A_2] : memref<2048xf32, #tpu.memory_space<hbm>> -> memref<64xf32, #tpu.memory_space<hbm>>
      tpu.enqueue_dma source(%arg15 : memref<64xf32, #tpu.memory_space<vmem>>) target(%dma_start3A_2096 : memref<64xf32, #tpu.memory_space<hbm>>) target_semaphore(%run_scoped3A : memref<!tpu.dma_semaphore, #tpu.memory_space<semaphore_mem>>)
      %dma_wait3A_2097 = tpu.memref_slice %arg8[%mul3A_2] : memref<2048xf32, #tpu.memory_space<hbm>> -> memref<64xf32, #tpu.memory_space<hbm>>
      %dma_wait3A_2098 = tpu.memref_slice %arg8[%mul3A_2] : memref<2048xf32, #tpu.memory_space<hbm>> -> memref<64xf32, #tpu.memory_space<hbm>>
      tpu.wait_dma2 semaphore(%run_scoped3A : memref<!tpu.dma_semaphore, #tpu.memory_space<semaphore_mem>>) src(%arg15 : memref<64xf32, #tpu.memory_space<vmem>>) dst(%dma_wait3A_2098 : memref<64xf32, #tpu.memory_space<hbm>>)
      tpu.yield
    }) : () -> ()
    "tpu.region"() ({
      %run_scoped3A = tpu.sem_alloc : memref<!tpu.dma_semaphore, #tpu.memory_space<semaphore_mem>>
      %dma_start3A_2095 = tpu.memref_slice %arg9[%mul3A_2] : memref<2048xf32, #tpu.memory_space<hbm>> -> memref<64xf32, #tpu.memory_space<hbm>>
      %dma_start3A_2096 = tpu.memref_slice %arg9[%mul3A_2] : memref<2048xf32, #tpu.memory_space<hbm>> -> memref<64xf32, #tpu.memory_space<hbm>>
      tpu.enqueue_dma source(%arg16 : memref<64xf32, #tpu.memory_space<vmem>>) target(%dma_start3A_2096 : memref<64xf32, #tpu.memory_space<hbm>>) target_semaphore(%run_scoped3A : memref<!tpu.dma_semaphore, #tpu.memory_space<semaphore_mem>>)
      %dma_wait3A_2097 = tpu.memref_slice %arg9[%mul3A_2] : memref<2048xf32, #tpu.memory_space<hbm>> -> memref<64xf32, #tpu.memory_space<hbm>>
      %dma_wait3A_2098 = tpu.memref_slice %arg9[%mul3A_2] : memref<2048xf32, #tpu.memory_space<hbm>> -> memref<64xf32, #tpu.memory_space<hbm>>
      tpu.wait_dma2 semaphore(%run_scoped3A : memref<!tpu.dma_semaphore, #tpu.memory_space<semaphore_mem>>) src(%arg16 : memref<64xf32, #tpu.memory_space<vmem>>) dst(%dma_wait3A_2098 : memref<64xf32, #tpu.memory_space<hbm>>)
      tpu.yield
    }) : () -> ()
    "tpu.region"() ({
      %run_scoped3A = tpu.sem_alloc : memref<!tpu.dma_semaphore, #tpu.memory_space<semaphore_mem>>
      %dma_start3A_2095 = arith.constant 0 : i32
      %dma_start3A_2096 = tpu.memref_slice %arg4[%mul3A_2, %dma_start3A_2095] : memref<2048x1024xf32, #tpu.memory_space<hbm>> -> memref<64x1024xf32, #tpu.memory_space<hbm>>
      %dma_start3A_2097 = arith.constant 0 : i32
      %dma_start3A_2098 = tpu.memref_slice %arg4[%mul3A_2, %dma_start3A_2097] : memref<2048x1024xf32, #tpu.memory_space<hbm>> -> memref<64x1024xf32, #tpu.memory_space<hbm>>
      tpu.enqueue_dma source(%dma_start3A_2098 : memref<64x1024xf32, #tpu.memory_space<hbm>>) target(%arg12 : memref<64x1024xf32, #tpu.memory_space<vmem>>) target_semaphore(%run_scoped3A : memref<!tpu.dma_semaphore, #tpu.memory_space<semaphore_mem>>)
      %dma_wait3A_2099 = arith.constant 0 : i32
      %dma_wait3A_2100 = tpu.memref_slice %arg4[%mul3A_2, %dma_wait3A_2099] : memref<2048x1024xf32, #tpu.memory_space<hbm>> -> memref<64x1024xf32, #tpu.memory_space<hbm>>
      %dma_wait3A_2101 = arith.constant 0 : i32
      %dma_wait3A_2102 = tpu.memref_slice %arg4[%mul3A_2, %dma_wait3A_2101] : memref<2048x1024xf32, #tpu.memory_space<hbm>> -> memref<64x1024xf32, #tpu.memory_space<hbm>>
      tpu.wait_dma2 semaphore(%run_scoped3A : memref<!tpu.dma_semaphore, #tpu.memory_space<semaphore_mem>>) src(%dma_wait3A_2102 : memref<64x1024xf32, #tpu.memory_space<hbm>>) dst(%arg12 : memref<64x1024xf32, #tpu.memory_space<vmem>>)
      tpu.yield
    }) : () -> ()
    %dma_start3A = arith.constant 0 : i32
    %dma_start3A_2085 = arith.constant 0 : i32
    %dma_start3A_2086 = tpu.memref_slice %arg5[%dma_start3A, %dma_start3A_2085] : memref<6144x1024xf32, #tpu.memory_space<hbm>> -> memref<6144x1024xf32, #tpu.memory_space<hbm>>
    tpu.enqueue_indirect_dma source(%arg12 : memref<64x1024xf32, #tpu.memory_space<vmem>>) target(%dma_start3A_2086 : memref<6144x1024xf32, #tpu.memory_space<hbm>>) offsets(%arg13 : memref<64xi32, #tpu.memory_space<vmem>>) semaphore(%arg17 : memref<!tpu.dma_semaphore, #tpu.memory_space<semaphore_mem>>)
    %dma_wait3A = arith.constant 0 : i32
    %dma_wait3A_2087 = arith.constant 0 : i32
    %dma_wait3A_2088 = tpu.memref_slice %arg5[%dma_wait3A, %dma_wait3A_2087] : memref<6144x1024xf32, #tpu.memory_space<hbm>> -> memref<6144x1024xf32, #tpu.memory_space<hbm>>
    tpu.wait_indirect_dma semaphore(%arg17 : memref<!tpu.dma_semaphore, #tpu.memory_space<semaphore_mem>>) src(%arg12 : memref<64x1024xf32, #tpu.memory_space<vmem>>) dst(%dma_wait3A_2088 : memref<6144x1024xf32, #tpu.memory_space<hbm>>)
    %dma_start3A_2089 = arith.constant 0 : i32
    %dma_start3A_2090 = arith.constant 0 : i32
    %dma_start3A_2091 = tpu.memref_slice %arg5[%dma_start3A_2089, %dma_start3A_2090] : memref<6144x1024xf32, #tpu.memory_space<hbm>> -> memref<6144x1024xf32, #tpu.memory_space<hbm>>
    tpu.enqueue_indirect_dma source(%arg12 : memref<64x1024xf32, #tpu.memory_space<vmem>>) target(%dma_start3A_2091 : memref<6144x1024xf32, #tpu.memory_space<hbm>>) offsets(%arg14 : memref<64xi32, #tpu.memory_space<vmem>>) semaphore(%arg17 : memref<!tpu.dma_semaphore, #tpu.memory_space<semaphore_mem>>)
    %dma_wait3A_2092 = arith.constant 0 : i32
    %dma_wait3A_2093 = arith.constant 0 : i32
    %dma_wait3A_2094 = tpu.memref_slice %arg5[%dma_wait3A_2092, %dma_wait3A_2093] : memref<6144x1024xf32, #tpu.memory_space<hbm>> -> memref<6144x1024xf32, #tpu.memory_space<hbm>>
    tpu.wait_indirect_dma semaphore(%arg17 : memref<!tpu.dma_semaphore, #tpu.memory_space<semaphore_mem>>) src(%arg12 : memref<64x1024xf32, #tpu.memory_space<vmem>>) dst(%dma_wait3A_2094 : memref<6144x1024xf32, #tpu.memory_space<hbm>>)
    return
  }
}

module attributes {stable_mosaic.version = 14 : i64} {
  func.func @_router_body(%arg0: i32, %arg1: memref<512x1024xf32, #tpu.memory_space<vmem>>, %arg2: memref<8x1024xf32, #tpu.memory_space<vmem>>, %arg3: memref<8x512xf32, #tpu.memory_space<vmem>>) attributes {dimension_semantics = [#tpu.dimension_semantics<arbitrary>], iteration_bounds = array<i64: 4>, scalar_prefetch = 0 : i64, scratch_operands = 0 : i64, tpu.core_type = #tpu.core_type<tc>, window_params = [{transform_indices = @transform_0, window_bounds = array<i64: 512, 1024>}, {pipeline_mode = #tpu.pipeline_mode<synchronous>, transform_indices = @transform_1, window_bounds = array<i64: 8, 1024>}, {transform_indices = @transform_2, window_bounds = array<i64: 8, 512>}]} {
    %get3A = arith.constant 0 : index
    %get3A_0 = arith.constant 0 : index
    %get3A_1 = vector.load %arg2[%get3A, %get3A_0] : memref<8x1024xf32, #tpu.memory_space<vmem>>, vector<8x1024xf32>
    %get3A_2 = arith.constant 0 : index
    %get3A_3 = arith.constant 0 : index
    %get3A_4 = vector.load %arg1[%get3A_2, %get3A_3] : memref<512x1024xf32, #tpu.memory_space<vmem>>, vector<512x1024xf32>
    %dot_general3A = arith.constant dense<0.000000e+00> : vector<8x512xf32>
    %dot_general3A_5 = tpu.matmul %get3A_1, %get3A_4, %dot_general3A {dimension_numbers = #tpu.dot_dimension_numbers<[1], [1], [0], [0], [0, 0, 1, 0], [], []>, transpose_lhs_hint = false} : vector<8x1024xf32>, vector<512x1024xf32>, vector<8x512xf32> -> vector<8x512xf32>
    %reduce_max3A = arith.constant dense<0xFF800000> : vector<512xf32>
    %reduce_max3A_6 = vector.multi_reduction <maximumf>, %dot_general3A_5, %reduce_max3A [0] : vector<8x512xf32> to vector<512xf32>
    %broadcast_in_dim3A = vector.shape_cast %reduce_max3A_6 : vector<512xf32> to vector<1x512xf32>
    %sub3A = vector.broadcast %broadcast_in_dim3A : vector<1x512xf32> to vector<8x512xf32>
    %sub3A_7 = arith.subf %dot_general3A_5, %sub3A : vector<8x512xf32>
    %exp3A = math.exp %sub3A_7 : vector<8x512xf32>
    %reduce_sum3A = arith.constant dense<0.000000e+00> : vector<512xf32>
    %reduce_sum3A_8 = vector.multi_reduction <add>, %exp3A, %reduce_sum3A [0] : vector<8x512xf32> to vector<512xf32>
    %broadcast_in_dim3A_9 = vector.shape_cast %reduce_sum3A_8 : vector<512xf32> to vector<1x512xf32>
    %div3A = vector.broadcast %broadcast_in_dim3A_9 : vector<1x512xf32> to vector<8x512xf32>
    %div3A_10 = arith.divf %exp3A, %div3A : vector<8x512xf32>
    %slice3A = vector.extract_strided_slice %div3A_10 {offsets = [0, 0], sizes = [1, 512], strides = [1, 1]} : vector<8x512xf32> to vector<1x512xf32>
    %slice3A_11 = vector.extract_strided_slice %div3A_10 {offsets = [1, 0], sizes = [1, 512], strides = [1, 1]} : vector<8x512xf32> to vector<1x512xf32>
    %slice3A_12 = vector.extract_strided_slice %div3A_10 {offsets = [2, 0], sizes = [1, 512], strides = [1, 1]} : vector<8x512xf32> to vector<1x512xf32>
    %slice3A_13 = vector.extract_strided_slice %div3A_10 {offsets = [3, 0], sizes = [1, 512], strides = [1, 1]} : vector<8x512xf32> to vector<1x512xf32>
    %slice3A_14 = vector.extract_strided_slice %div3A_10 {offsets = [4, 0], sizes = [1, 512], strides = [1, 1]} : vector<8x512xf32> to vector<1x512xf32>
    %slice3A_15 = vector.extract_strided_slice %div3A_10 {offsets = [5, 0], sizes = [1, 512], strides = [1, 1]} : vector<8x512xf32> to vector<1x512xf32>
    %slice3A_16 = vector.extract_strided_slice %div3A_10 {offsets = [6, 0], sizes = [1, 512], strides = [1, 1]} : vector<8x512xf32> to vector<1x512xf32>
    %slice3A_17 = vector.extract_strided_slice %div3A_10 {offsets = [7, 0], sizes = [1, 512], strides = [1, 1]} : vector<8x512xf32> to vector<1x512xf32>
    %max3A = arith.maximumf %slice3A, %slice3A_11 : vector<1x512xf32>
    %max3A_18 = arith.maximumf %slice3A_12, %slice3A_13 : vector<1x512xf32>
    %max3A_19 = arith.maximumf %slice3A_14, %slice3A_15 : vector<1x512xf32>
    %max3A_20 = arith.maximumf %slice3A_16, %slice3A_17 : vector<1x512xf32>
    %gt3A = arith.cmpf ogt, %max3A_18, %max3A : vector<1x512xf32>
    %convert_element_type3A = arith.extui %gt3A : vector<1x512xi1> to vector<1x512xi32>
    %convert_element_type3A_21 = arith.sitofp %convert_element_type3A : vector<1x512xi32> to vector<1x512xf32>
    %gt3A_22 = arith.cmpf ogt, %max3A_19, %max3A : vector<1x512xf32>
    %convert_element_type3A_23 = arith.extui %gt3A_22 : vector<1x512xi1> to vector<1x512xi32>
    %convert_element_type3A_24 = arith.sitofp %convert_element_type3A_23 : vector<1x512xi32> to vector<1x512xf32>
    %add3A = arith.addf %convert_element_type3A_21, %convert_element_type3A_24 : vector<1x512xf32>
    %gt3A_25 = arith.cmpf ogt, %max3A_20, %max3A : vector<1x512xf32>
    %convert_element_type3A_26 = arith.extui %gt3A_25 : vector<1x512xi1> to vector<1x512xi32>
    %convert_element_type3A_27 = arith.sitofp %convert_element_type3A_26 : vector<1x512xi32> to vector<1x512xf32>
    %add3A_28 = arith.addf %add3A, %convert_element_type3A_27 : vector<1x512xf32>
    %lt3A = arith.constant 2.000000e+00 : f32
    %lt3A_29 = vector.broadcast %lt3A : f32 to vector<1x512xf32>
    %lt3A_30 = arith.cmpf olt, %add3A_28, %lt3A_29 : vector<1x512xf32>
    %ge3A = arith.cmpf oge, %max3A, %max3A_18 : vector<1x512xf32>
    %convert_element_type3A_31 = arith.extui %ge3A : vector<1x512xi1> to vector<1x512xi32>
    %convert_element_type3A_32 = arith.sitofp %convert_element_type3A_31 : vector<1x512xi32> to vector<1x512xf32>
    %gt3A_33 = arith.cmpf ogt, %max3A_19, %max3A_18 : vector<1x512xf32>
    %convert_element_type3A_34 = arith.extui %gt3A_33 : vector<1x512xi1> to vector<1x512xi32>
    %convert_element_type3A_35 = arith.sitofp %convert_element_type3A_34 : vector<1x512xi32> to vector<1x512xf32>
    %add3A_36 = arith.addf %convert_element_type3A_32, %convert_element_type3A_35 : vector<1x512xf32>
    %gt3A_37 = arith.cmpf ogt, %max3A_20, %max3A_18 : vector<1x512xf32>
    %convert_element_type3A_38 = arith.extui %gt3A_37 : vector<1x512xi1> to vector<1x512xi32>
    %convert_element_type3A_39 = arith.sitofp %convert_element_type3A_38 : vector<1x512xi32> to vector<1x512xf32>
    %add3A_40 = arith.addf %add3A_36, %convert_element_type3A_39 : vector<1x512xf32>
    %lt3A_41 = arith.constant 2.000000e+00 : f32
    %lt3A_42 = vector.broadcast %lt3A_41 : f32 to vector<1x512xf32>
    %lt3A_43 = arith.cmpf olt, %add3A_40, %lt3A_42 : vector<1x512xf32>
    %ge3A_44 = arith.cmpf oge, %max3A, %max3A_19 : vector<1x512xf32>
    %convert_element_type3A_45 = arith.extui %ge3A_44 : vector<1x512xi1> to vector<1x512xi32>
    %convert_element_type3A_46 = arith.sitofp %convert_element_type3A_45 : vector<1x512xi32> to vector<1x512xf32>
    %ge3A_47 = arith.cmpf oge, %max3A_18, %max3A_19 : vector<1x512xf32>
    %convert_element_type3A_48 = arith.extui %ge3A_47 : vector<1x512xi1> to vector<1x512xi32>
    %convert_element_type3A_49 = arith.sitofp %convert_element_type3A_48 : vector<1x512xi32> to vector<1x512xf32>
    %add3A_50 = arith.addf %convert_element_type3A_46, %convert_element_type3A_49 : vector<1x512xf32>
    %gt3A_51 = arith.cmpf ogt, %max3A_20, %max3A_19 : vector<1x512xf32>
    %convert_element_type3A_52 = arith.extui %gt3A_51 : vector<1x512xi1> to vector<1x512xi32>
    %convert_element_type3A_53 = arith.sitofp %convert_element_type3A_52 : vector<1x512xi32> to vector<1x512xf32>
    %add3A_54 = arith.addf %add3A_50, %convert_element_type3A_53 : vector<1x512xf32>
    %lt3A_55 = arith.constant 2.000000e+00 : f32
    %lt3A_56 = vector.broadcast %lt3A_55 : f32 to vector<1x512xf32>
    %lt3A_57 = arith.cmpf olt, %add3A_54, %lt3A_56 : vector<1x512xf32>
    %ge3A_58 = arith.cmpf oge, %max3A, %max3A_20 : vector<1x512xf32>
    %convert_element_type3A_59 = arith.extui %ge3A_58 : vector<1x512xi1> to vector<1x512xi32>
    %convert_element_type3A_60 = arith.sitofp %convert_element_type3A_59 : vector<1x512xi32> to vector<1x512xf32>
    %ge3A_61 = arith.cmpf oge, %max3A_18, %max3A_20 : vector<1x512xf32>
    %convert_element_type3A_62 = arith.extui %ge3A_61 : vector<1x512xi1> to vector<1x512xi32>
    %convert_element_type3A_63 = arith.sitofp %convert_element_type3A_62 : vector<1x512xi32> to vector<1x512xf32>
    %add3A_64 = arith.addf %convert_element_type3A_60, %convert_element_type3A_63 : vector<1x512xf32>
    %ge3A_65 = arith.cmpf oge, %max3A_19, %max3A_20 : vector<1x512xf32>
    %convert_element_type3A_66 = arith.extui %ge3A_65 : vector<1x512xi1> to vector<1x512xi32>
    %convert_element_type3A_67 = arith.sitofp %convert_element_type3A_66 : vector<1x512xi32> to vector<1x512xf32>
    %add3A_68 = arith.addf %add3A_64, %convert_element_type3A_67 : vector<1x512xf32>
    %lt3A_69 = arith.constant 2.000000e+00 : f32
    %lt3A_70 = vector.broadcast %lt3A_69 : f32 to vector<1x512xf32>
    %lt3A_71 = arith.cmpf olt, %add3A_68, %lt3A_70 : vector<1x512xf32>
    %jit3A = arith.constant 0.000000e+00 : f32
    %broadcast_in_dim3A_72 = vector.broadcast %jit3A : f32 to vector<1x512xf32>
    %select_n3A = arith.select %lt3A_30, %slice3A, %broadcast_in_dim3A_72 : vector<1x512xi1>, vector<1x512xf32>
    %jit3A_73 = arith.constant 0.000000e+00 : f32
    %broadcast_in_dim3A_74 = vector.broadcast %jit3A_73 : f32 to vector<1x512xf32>
    %select_n3A_75 = arith.select %lt3A_30, %slice3A_11, %broadcast_in_dim3A_74 : vector<1x512xi1>, vector<1x512xf32>
    %jit3A_76 = arith.constant 0.000000e+00 : f32
    %broadcast_in_dim3A_77 = vector.broadcast %jit3A_76 : f32 to vector<1x512xf32>
    %select_n3A_78 = arith.select %lt3A_43, %slice3A_12, %broadcast_in_dim3A_77 : vector<1x512xi1>, vector<1x512xf32>
    %jit3A_79 = arith.constant 0.000000e+00 : f32
    %broadcast_in_dim3A_80 = vector.broadcast %jit3A_79 : f32 to vector<1x512xf32>
    %select_n3A_81 = arith.select %lt3A_43, %slice3A_13, %broadcast_in_dim3A_80 : vector<1x512xi1>, vector<1x512xf32>
    %jit3A_82 = arith.constant 0.000000e+00 : f32
    %broadcast_in_dim3A_83 = vector.broadcast %jit3A_82 : f32 to vector<1x512xf32>
    %select_n3A_84 = arith.select %lt3A_57, %slice3A_14, %broadcast_in_dim3A_83 : vector<1x512xi1>, vector<1x512xf32>
    %jit3A_85 = arith.constant 0.000000e+00 : f32
    %broadcast_in_dim3A_86 = vector.broadcast %jit3A_85 : f32 to vector<1x512xf32>
    %select_n3A_87 = arith.select %lt3A_57, %slice3A_15, %broadcast_in_dim3A_86 : vector<1x512xi1>, vector<1x512xf32>
    %jit3A_88 = arith.constant 0.000000e+00 : f32
    %broadcast_in_dim3A_89 = vector.broadcast %jit3A_88 : f32 to vector<1x512xf32>
    %select_n3A_90 = arith.select %lt3A_71, %slice3A_16, %broadcast_in_dim3A_89 : vector<1x512xi1>, vector<1x512xf32>
    %jit3A_91 = arith.constant 0.000000e+00 : f32
    %broadcast_in_dim3A_92 = vector.broadcast %jit3A_91 : f32 to vector<1x512xf32>
    %select_n3A_93 = arith.select %lt3A_71, %slice3A_17, %broadcast_in_dim3A_92 : vector<1x512xi1>, vector<1x512xf32>
    %gt3A_94 = arith.cmpf ogt, %select_n3A_75, %select_n3A : vector<1x512xf32>
    %convert_element_type3A_95 = arith.extui %gt3A_94 : vector<1x512xi1> to vector<1x512xi32>
    %convert_element_type3A_96 = arith.sitofp %convert_element_type3A_95 : vector<1x512xi32> to vector<1x512xf32>
    %gt3A_97 = arith.cmpf ogt, %select_n3A_78, %select_n3A : vector<1x512xf32>
    %convert_element_type3A_98 = arith.extui %gt3A_97 : vector<1x512xi1> to vector<1x512xi32>
    %convert_element_type3A_99 = arith.sitofp %convert_element_type3A_98 : vector<1x512xi32> to vector<1x512xf32>
    %add3A_100 = arith.addf %convert_element_type3A_96, %convert_element_type3A_99 : vector<1x512xf32>
    %gt3A_101 = arith.cmpf ogt, %select_n3A_81, %select_n3A : vector<1x512xf32>
    %convert_element_type3A_102 = arith.extui %gt3A_101 : vector<1x512xi1> to vector<1x512xi32>
    %convert_element_type3A_103 = arith.sitofp %convert_element_type3A_102 : vector<1x512xi32> to vector<1x512xf32>
    %add3A_104 = arith.addf %add3A_100, %convert_element_type3A_103 : vector<1x512xf32>
    %gt3A_105 = arith.cmpf ogt, %select_n3A_84, %select_n3A : vector<1x512xf32>
    %convert_element_type3A_106 = arith.extui %gt3A_105 : vector<1x512xi1> to vector<1x512xi32>
    %convert_element_type3A_107 = arith.sitofp %convert_element_type3A_106 : vector<1x512xi32> to vector<1x512xf32>
    %add3A_108 = arith.addf %add3A_104, %convert_element_type3A_107 : vector<1x512xf32>
    %gt3A_109 = arith.cmpf ogt, %select_n3A_87, %select_n3A : vector<1x512xf32>
    %convert_element_type3A_110 = arith.extui %gt3A_109 : vector<1x512xi1> to vector<1x512xi32>
    %convert_element_type3A_111 = arith.sitofp %convert_element_type3A_110 : vector<1x512xi32> to vector<1x512xf32>
    %add3A_112 = arith.addf %add3A_108, %convert_element_type3A_111 : vector<1x512xf32>
    %gt3A_113 = arith.cmpf ogt, %select_n3A_90, %select_n3A : vector<1x512xf32>
    %convert_element_type3A_114 = arith.extui %gt3A_113 : vector<1x512xi1> to vector<1x512xi32>
    %convert_element_type3A_115 = arith.sitofp %convert_element_type3A_114 : vector<1x512xi32> to vector<1x512xf32>
    %add3A_116 = arith.addf %add3A_112, %convert_element_type3A_115 : vector<1x512xf32>
    %gt3A_117 = arith.cmpf ogt, %select_n3A_93, %select_n3A : vector<1x512xf32>
    %convert_element_type3A_118 = arith.extui %gt3A_117 : vector<1x512xi1> to vector<1x512xi32>
    %convert_element_type3A_119 = arith.sitofp %convert_element_type3A_118 : vector<1x512xi32> to vector<1x512xf32>
    %add3A_120 = arith.addf %add3A_116, %convert_element_type3A_119 : vector<1x512xf32>
    %lt3A_121 = arith.constant 2.000000e+00 : f32
    %lt3A_122 = vector.broadcast %lt3A_121 : f32 to vector<1x512xf32>
    %lt3A_123 = arith.cmpf olt, %add3A_120, %lt3A_122 : vector<1x512xf32>
    %ge3A_124 = arith.cmpf oge, %select_n3A, %select_n3A_75 : vector<1x512xf32>
    %convert_element_type3A_125 = arith.extui %ge3A_124 : vector<1x512xi1> to vector<1x512xi32>
    %convert_element_type3A_126 = arith.sitofp %convert_element_type3A_125 : vector<1x512xi32> to vector<1x512xf32>
    %gt3A_127 = arith.cmpf ogt, %select_n3A_78, %select_n3A_75 : vector<1x512xf32>
    %convert_element_type3A_128 = arith.extui %gt3A_127 : vector<1x512xi1> to vector<1x512xi32>
    %convert_element_type3A_129 = arith.sitofp %convert_element_type3A_128 : vector<1x512xi32> to vector<1x512xf32>
    %add3A_130 = arith.addf %convert_element_type3A_126, %convert_element_type3A_129 : vector<1x512xf32>
    %gt3A_131 = arith.cmpf ogt, %select_n3A_81, %select_n3A_75 : vector<1x512xf32>
    %convert_element_type3A_132 = arith.extui %gt3A_131 : vector<1x512xi1> to vector<1x512xi32>
    %convert_element_type3A_133 = arith.sitofp %convert_element_type3A_132 : vector<1x512xi32> to vector<1x512xf32>
    %add3A_134 = arith.addf %add3A_130, %convert_element_type3A_133 : vector<1x512xf32>
    %gt3A_135 = arith.cmpf ogt, %select_n3A_84, %select_n3A_75 : vector<1x512xf32>
    %convert_element_type3A_136 = arith.extui %gt3A_135 : vector<1x512xi1> to vector<1x512xi32>
    %convert_element_type3A_137 = arith.sitofp %convert_element_type3A_136 : vector<1x512xi32> to vector<1x512xf32>
    %add3A_138 = arith.addf %add3A_134, %convert_element_type3A_137 : vector<1x512xf32>
    %gt3A_139 = arith.cmpf ogt, %select_n3A_87, %select_n3A_75 : vector<1x512xf32>
    %convert_element_type3A_140 = arith.extui %gt3A_139 : vector<1x512xi1> to vector<1x512xi32>
    %convert_element_type3A_141 = arith.sitofp %convert_element_type3A_140 : vector<1x512xi32> to vector<1x512xf32>
    %add3A_142 = arith.addf %add3A_138, %convert_element_type3A_141 : vector<1x512xf32>
    %gt3A_143 = arith.cmpf ogt, %select_n3A_90, %select_n3A_75 : vector<1x512xf32>
    %convert_element_type3A_144 = arith.extui %gt3A_143 : vector<1x512xi1> to vector<1x512xi32>
    %convert_element_type3A_145 = arith.sitofp %convert_element_type3A_144 : vector<1x512xi32> to vector<1x512xf32>
    %add3A_146 = arith.addf %add3A_142, %convert_element_type3A_145 : vector<1x512xf32>
    %gt3A_147 = arith.cmpf ogt, %select_n3A_93, %select_n3A_75 : vector<1x512xf32>
    %convert_element_type3A_148 = arith.extui %gt3A_147 : vector<1x512xi1> to vector<1x512xi32>
    %convert_element_type3A_149 = arith.sitofp %convert_element_type3A_148 : vector<1x512xi32> to vector<1x512xf32>
    %add3A_150 = arith.addf %add3A_146, %convert_element_type3A_149 : vector<1x512xf32>
    %lt3A_151 = arith.constant 2.000000e+00 : f32
    %lt3A_152 = vector.broadcast %lt3A_151 : f32 to vector<1x512xf32>
    %lt3A_153 = arith.cmpf olt, %add3A_150, %lt3A_152 : vector<1x512xf32>
    %ge3A_154 = arith.cmpf oge, %select_n3A, %select_n3A_78 : vector<1x512xf32>
    %convert_element_type3A_155 = arith.extui %ge3A_154 : vector<1x512xi1> to vector<1x512xi32>
    %convert_element_type3A_156 = arith.sitofp %convert_element_type3A_155 : vector<1x512xi32> to vector<1x512xf32>
    %ge3A_157 = arith.cmpf oge, %select_n3A_75, %select_n3A_78 : vector<1x512xf32>
    %convert_element_type3A_158 = arith.extui %ge3A_157 : vector<1x512xi1> to vector<1x512xi32>
    %convert_element_type3A_159 = arith.sitofp %convert_element_type3A_158 : vector<1x512xi32> to vector<1x512xf32>
    %add3A_160 = arith.addf %convert_element_type3A_156, %convert_element_type3A_159 : vector<1x512xf32>
    %gt3A_161 = arith.cmpf ogt, %select_n3A_81, %select_n3A_78 : vector<1x512xf32>
    %convert_element_type3A_162 = arith.extui %gt3A_161 : vector<1x512xi1> to vector<1x512xi32>
    %convert_element_type3A_163 = arith.sitofp %convert_element_type3A_162 : vector<1x512xi32> to vector<1x512xf32>
    %add3A_164 = arith.addf %add3A_160, %convert_element_type3A_163 : vector<1x512xf32>
    %gt3A_165 = arith.cmpf ogt, %select_n3A_84, %select_n3A_78 : vector<1x512xf32>
    %convert_element_type3A_166 = arith.extui %gt3A_165 : vector<1x512xi1> to vector<1x512xi32>
    %convert_element_type3A_167 = arith.sitofp %convert_element_type3A_166 : vector<1x512xi32> to vector<1x512xf32>
    %add3A_168 = arith.addf %add3A_164, %convert_element_type3A_167 : vector<1x512xf32>
    %gt3A_169 = arith.cmpf ogt, %select_n3A_87, %select_n3A_78 : vector<1x512xf32>
    %convert_element_type3A_170 = arith.extui %gt3A_169 : vector<1x512xi1> to vector<1x512xi32>
    %convert_element_type3A_171 = arith.sitofp %convert_element_type3A_170 : vector<1x512xi32> to vector<1x512xf32>
    %add3A_172 = arith.addf %add3A_168, %convert_element_type3A_171 : vector<1x512xf32>
    %gt3A_173 = arith.cmpf ogt, %select_n3A_90, %select_n3A_78 : vector<1x512xf32>
    %convert_element_type3A_174 = arith.extui %gt3A_173 : vector<1x512xi1> to vector<1x512xi32>
    %convert_element_type3A_175 = arith.sitofp %convert_element_type3A_174 : vector<1x512xi32> to vector<1x512xf32>
    %add3A_176 = arith.addf %add3A_172, %convert_element_type3A_175 : vector<1x512xf32>
    %gt3A_177 = arith.cmpf ogt, %select_n3A_93, %select_n3A_78 : vector<1x512xf32>
    %convert_element_type3A_178 = arith.extui %gt3A_177 : vector<1x512xi1> to vector<1x512xi32>
    %convert_element_type3A_179 = arith.sitofp %convert_element_type3A_178 : vector<1x512xi32> to vector<1x512xf32>
    %add3A_180 = arith.addf %add3A_176, %convert_element_type3A_179 : vector<1x512xf32>
    %lt3A_181 = arith.constant 2.000000e+00 : f32
    %lt3A_182 = vector.broadcast %lt3A_181 : f32 to vector<1x512xf32>
    %lt3A_183 = arith.cmpf olt, %add3A_180, %lt3A_182 : vector<1x512xf32>
    %ge3A_184 = arith.cmpf oge, %select_n3A, %select_n3A_81 : vector<1x512xf32>
    %convert_element_type3A_185 = arith.extui %ge3A_184 : vector<1x512xi1> to vector<1x512xi32>
    %convert_element_type3A_186 = arith.sitofp %convert_element_type3A_185 : vector<1x512xi32> to vector<1x512xf32>
    %ge3A_187 = arith.cmpf oge, %select_n3A_75, %select_n3A_81 : vector<1x512xf32>
    %convert_element_type3A_188 = arith.extui %ge3A_187 : vector<1x512xi1> to vector<1x512xi32>
    %convert_element_type3A_189 = arith.sitofp %convert_element_type3A_188 : vector<1x512xi32> to vector<1x512xf32>
    %add3A_190 = arith.addf %convert_element_type3A_186, %convert_element_type3A_189 : vector<1x512xf32>
    %ge3A_191 = arith.cmpf oge, %select_n3A_78, %select_n3A_81 : vector<1x512xf32>
    %convert_element_type3A_192 = arith.extui %ge3A_191 : vector<1x512xi1> to vector<1x512xi32>
    %convert_element_type3A_193 = arith.sitofp %convert_element_type3A_192 : vector<1x512xi32> to vector<1x512xf32>
    %add3A_194 = arith.addf %add3A_190, %convert_element_type3A_193 : vector<1x512xf32>
    %gt3A_195 = arith.cmpf ogt, %select_n3A_84, %select_n3A_81 : vector<1x512xf32>
    %convert_element_type3A_196 = arith.extui %gt3A_195 : vector<1x512xi1> to vector<1x512xi32>
    %convert_element_type3A_197 = arith.sitofp %convert_element_type3A_196 : vector<1x512xi32> to vector<1x512xf32>
    %add3A_198 = arith.addf %add3A_194, %convert_element_type3A_197 : vector<1x512xf32>
    %gt3A_199 = arith.cmpf ogt, %select_n3A_87, %select_n3A_81 : vector<1x512xf32>
    %convert_element_type3A_200 = arith.extui %gt3A_199 : vector<1x512xi1> to vector<1x512xi32>
    %convert_element_type3A_201 = arith.sitofp %convert_element_type3A_200 : vector<1x512xi32> to vector<1x512xf32>
    %add3A_202 = arith.addf %add3A_198, %convert_element_type3A_201 : vector<1x512xf32>
    %gt3A_203 = arith.cmpf ogt, %select_n3A_90, %select_n3A_81 : vector<1x512xf32>
    %convert_element_type3A_204 = arith.extui %gt3A_203 : vector<1x512xi1> to vector<1x512xi32>
    %convert_element_type3A_205 = arith.sitofp %convert_element_type3A_204 : vector<1x512xi32> to vector<1x512xf32>
    %add3A_206 = arith.addf %add3A_202, %convert_element_type3A_205 : vector<1x512xf32>
    %gt3A_207 = arith.cmpf ogt, %select_n3A_93, %select_n3A_81 : vector<1x512xf32>
    %convert_element_type3A_208 = arith.extui %gt3A_207 : vector<1x512xi1> to vector<1x512xi32>
    %convert_element_type3A_209 = arith.sitofp %convert_element_type3A_208 : vector<1x512xi32> to vector<1x512xf32>
    %add3A_210 = arith.addf %add3A_206, %convert_element_type3A_209 : vector<1x512xf32>
    %lt3A_211 = arith.constant 2.000000e+00 : f32
    %lt3A_212 = vector.broadcast %lt3A_211 : f32 to vector<1x512xf32>
    %lt3A_213 = arith.cmpf olt, %add3A_210, %lt3A_212 : vector<1x512xf32>
    %ge3A_214 = arith.cmpf oge, %select_n3A, %select_n3A_84 : vector<1x512xf32>
    %convert_element_type3A_215 = arith.extui %ge3A_214 : vector<1x512xi1> to vector<1x512xi32>
    %convert_element_type3A_216 = arith.sitofp %convert_element_type3A_215 : vector<1x512xi32> to vector<1x512xf32>
    %ge3A_217 = arith.cmpf oge, %select_n3A_75, %select_n3A_84 : vector<1x512xf32>
    %convert_element_type3A_218 = arith.extui %ge3A_217 : vector<1x512xi1> to vector<1x512xi32>
    %convert_element_type3A_219 = arith.sitofp %convert_element_type3A_218 : vector<1x512xi32> to vector<1x512xf32>
    %add3A_220 = arith.addf %convert_element_type3A_216, %convert_element_type3A_219 : vector<1x512xf32>
    %ge3A_221 = arith.cmpf oge, %select_n3A_78, %select_n3A_84 : vector<1x512xf32>
    %convert_element_type3A_222 = arith.extui %ge3A_221 : vector<1x512xi1> to vector<1x512xi32>
    %convert_element_type3A_223 = arith.sitofp %convert_element_type3A_222 : vector<1x512xi32> to vector<1x512xf32>
    %add3A_224 = arith.addf %add3A_220, %convert_element_type3A_223 : vector<1x512xf32>
    %ge3A_225 = arith.cmpf oge, %select_n3A_81, %select_n3A_84 : vector<1x512xf32>
    %convert_element_type3A_226 = arith.extui %ge3A_225 : vector<1x512xi1> to vector<1x512xi32>
    %convert_element_type3A_227 = arith.sitofp %convert_element_type3A_226 : vector<1x512xi32> to vector<1x512xf32>
    %add3A_228 = arith.addf %add3A_224, %convert_element_type3A_227 : vector<1x512xf32>
    %gt3A_229 = arith.cmpf ogt, %select_n3A_87, %select_n3A_84 : vector<1x512xf32>
    %convert_element_type3A_230 = arith.extui %gt3A_229 : vector<1x512xi1> to vector<1x512xi32>
    %convert_element_type3A_231 = arith.sitofp %convert_element_type3A_230 : vector<1x512xi32> to vector<1x512xf32>
    %add3A_232 = arith.addf %add3A_228, %convert_element_type3A_231 : vector<1x512xf32>
    %gt3A_233 = arith.cmpf ogt, %select_n3A_90, %select_n3A_84 : vector<1x512xf32>
    %convert_element_type3A_234 = arith.extui %gt3A_233 : vector<1x512xi1> to vector<1x512xi32>
    %convert_element_type3A_235 = arith.sitofp %convert_element_type3A_234 : vector<1x512xi32> to vector<1x512xf32>
    %add3A_236 = arith.addf %add3A_232, %convert_element_type3A_235 : vector<1x512xf32>
    %gt3A_237 = arith.cmpf ogt, %select_n3A_93, %select_n3A_84 : vector<1x512xf32>
    %convert_element_type3A_238 = arith.extui %gt3A_237 : vector<1x512xi1> to vector<1x512xi32>
    %convert_element_type3A_239 = arith.sitofp %convert_element_type3A_238 : vector<1x512xi32> to vector<1x512xf32>
    %add3A_240 = arith.addf %add3A_236, %convert_element_type3A_239 : vector<1x512xf32>
    %lt3A_241 = arith.constant 2.000000e+00 : f32
    %lt3A_242 = vector.broadcast %lt3A_241 : f32 to vector<1x512xf32>
    %lt3A_243 = arith.cmpf olt, %add3A_240, %lt3A_242 : vector<1x512xf32>
    %ge3A_244 = arith.cmpf oge, %select_n3A, %select_n3A_87 : vector<1x512xf32>
    %convert_element_type3A_245 = arith.extui %ge3A_244 : vector<1x512xi1> to vector<1x512xi32>
    %convert_element_type3A_246 = arith.sitofp %convert_element_type3A_245 : vector<1x512xi32> to vector<1x512xf32>
    %ge3A_247 = arith.cmpf oge, %select_n3A_75, %select_n3A_87 : vector<1x512xf32>
    %convert_element_type3A_248 = arith.extui %ge3A_247 : vector<1x512xi1> to vector<1x512xi32>
    %convert_element_type3A_249 = arith.sitofp %convert_element_type3A_248 : vector<1x512xi32> to vector<1x512xf32>
    %add3A_250 = arith.addf %convert_element_type3A_246, %convert_element_type3A_249 : vector<1x512xf32>
    %ge3A_251 = arith.cmpf oge, %select_n3A_78, %select_n3A_87 : vector<1x512xf32>
    %convert_element_type3A_252 = arith.extui %ge3A_251 : vector<1x512xi1> to vector<1x512xi32>
    %convert_element_type3A_253 = arith.sitofp %convert_element_type3A_252 : vector<1x512xi32> to vector<1x512xf32>
    %add3A_254 = arith.addf %add3A_250, %convert_element_type3A_253 : vector<1x512xf32>
    %ge3A_255 = arith.cmpf oge, %select_n3A_81, %select_n3A_87 : vector<1x512xf32>
    %convert_element_type3A_256 = arith.extui %ge3A_255 : vector<1x512xi1> to vector<1x512xi32>
    %convert_element_type3A_257 = arith.sitofp %convert_element_type3A_256 : vector<1x512xi32> to vector<1x512xf32>
    %add3A_258 = arith.addf %add3A_254, %convert_element_type3A_257 : vector<1x512xf32>
    %ge3A_259 = arith.cmpf oge, %select_n3A_84, %select_n3A_87 : vector<1x512xf32>
    %convert_element_type3A_260 = arith.extui %ge3A_259 : vector<1x512xi1> to vector<1x512xi32>
    %convert_element_type3A_261 = arith.sitofp %convert_element_type3A_260 : vector<1x512xi32> to vector<1x512xf32>
    %add3A_262 = arith.addf %add3A_258, %convert_element_type3A_261 : vector<1x512xf32>
    %gt3A_263 = arith.cmpf ogt, %select_n3A_90, %select_n3A_87 : vector<1x512xf32>
    %convert_element_type3A_264 = arith.extui %gt3A_263 : vector<1x512xi1> to vector<1x512xi32>
    %convert_element_type3A_265 = arith.sitofp %convert_element_type3A_264 : vector<1x512xi32> to vector<1x512xf32>
    %add3A_266 = arith.addf %add3A_262, %convert_element_type3A_265 : vector<1x512xf32>
    %gt3A_267 = arith.cmpf ogt, %select_n3A_93, %select_n3A_87 : vector<1x512xf32>
    %convert_element_type3A_268 = arith.extui %gt3A_267 : vector<1x512xi1> to vector<1x512xi32>
    %convert_element_type3A_269 = arith.sitofp %convert_element_type3A_268 : vector<1x512xi32> to vector<1x512xf32>
    %add3A_270 = arith.addf %add3A_266, %convert_element_type3A_269 : vector<1x512xf32>
    %lt3A_271 = arith.constant 2.000000e+00 : f32
    %lt3A_272 = vector.broadcast %lt3A_271 : f32 to vector<1x512xf32>
    %lt3A_273 = arith.cmpf olt, %add3A_270, %lt3A_272 : vector<1x512xf32>
    %ge3A_274 = arith.cmpf oge, %select_n3A, %select_n3A_90 : vector<1x512xf32>
    %convert_element_type3A_275 = arith.extui %ge3A_274 : vector<1x512xi1> to vector<1x512xi32>
    %convert_element_type3A_276 = arith.sitofp %convert_element_type3A_275 : vector<1x512xi32> to vector<1x512xf32>
    %ge3A_277 = arith.cmpf oge, %select_n3A_75, %select_n3A_90 : vector<1x512xf32>
    %convert_element_type3A_278 = arith.extui %ge3A_277 : vector<1x512xi1> to vector<1x512xi32>
    %convert_element_type3A_279 = arith.sitofp %convert_element_type3A_278 : vector<1x512xi32> to vector<1x512xf32>
    %add3A_280 = arith.addf %convert_element_type3A_276, %convert_element_type3A_279 : vector<1x512xf32>
    %ge3A_281 = arith.cmpf oge, %select_n3A_78, %select_n3A_90 : vector<1x512xf32>
    %convert_element_type3A_282 = arith.extui %ge3A_281 : vector<1x512xi1> to vector<1x512xi32>
    %convert_element_type3A_283 = arith.sitofp %convert_element_type3A_282 : vector<1x512xi32> to vector<1x512xf32>
    %add3A_284 = arith.addf %add3A_280, %convert_element_type3A_283 : vector<1x512xf32>
    %ge3A_285 = arith.cmpf oge, %select_n3A_81, %select_n3A_90 : vector<1x512xf32>
    %convert_element_type3A_286 = arith.extui %ge3A_285 : vector<1x512xi1> to vector<1x512xi32>
    %convert_element_type3A_287 = arith.sitofp %convert_element_type3A_286 : vector<1x512xi32> to vector<1x512xf32>
    %add3A_288 = arith.addf %add3A_284, %convert_element_type3A_287 : vector<1x512xf32>
    %ge3A_289 = arith.cmpf oge, %select_n3A_84, %select_n3A_90 : vector<1x512xf32>
    %convert_element_type3A_290 = arith.extui %ge3A_289 : vector<1x512xi1> to vector<1x512xi32>
    %convert_element_type3A_291 = arith.sitofp %convert_element_type3A_290 : vector<1x512xi32> to vector<1x512xf32>
    %add3A_292 = arith.addf %add3A_288, %convert_element_type3A_291 : vector<1x512xf32>
    %ge3A_293 = arith.cmpf oge, %select_n3A_87, %select_n3A_90 : vector<1x512xf32>
    %convert_element_type3A_294 = arith.extui %ge3A_293 : vector<1x512xi1> to vector<1x512xi32>
    %convert_element_type3A_295 = arith.sitofp %convert_element_type3A_294 : vector<1x512xi32> to vector<1x512xf32>
    %add3A_296 = arith.addf %add3A_292, %convert_element_type3A_295 : vector<1x512xf32>
    %gt3A_297 = arith.cmpf ogt, %select_n3A_93, %select_n3A_90 : vector<1x512xf32>
    %convert_element_type3A_298 = arith.extui %gt3A_297 : vector<1x512xi1> to vector<1x512xi32>
    %convert_element_type3A_299 = arith.sitofp %convert_element_type3A_298 : vector<1x512xi32> to vector<1x512xf32>
    %add3A_300 = arith.addf %add3A_296, %convert_element_type3A_299 : vector<1x512xf32>
    %lt3A_301 = arith.constant 2.000000e+00 : f32
    %lt3A_302 = vector.broadcast %lt3A_301 : f32 to vector<1x512xf32>
    %lt3A_303 = arith.cmpf olt, %add3A_300, %lt3A_302 : vector<1x512xf32>
    %ge3A_304 = arith.cmpf oge, %select_n3A, %select_n3A_93 : vector<1x512xf32>
    %convert_element_type3A_305 = arith.extui %ge3A_304 : vector<1x512xi1> to vector<1x512xi32>
    %convert_element_type3A_306 = arith.sitofp %convert_element_type3A_305 : vector<1x512xi32> to vector<1x512xf32>
    %ge3A_307 = arith.cmpf oge, %select_n3A_75, %select_n3A_93 : vector<1x512xf32>
    %convert_element_type3A_308 = arith.extui %ge3A_307 : vector<1x512xi1> to vector<1x512xi32>
    %convert_element_type3A_309 = arith.sitofp %convert_element_type3A_308 : vector<1x512xi32> to vector<1x512xf32>
    %add3A_310 = arith.addf %convert_element_type3A_306, %convert_element_type3A_309 : vector<1x512xf32>
    %ge3A_311 = arith.cmpf oge, %select_n3A_78, %select_n3A_93 : vector<1x512xf32>
    %convert_element_type3A_312 = arith.extui %ge3A_311 : vector<1x512xi1> to vector<1x512xi32>
    %convert_element_type3A_313 = arith.sitofp %convert_element_type3A_312 : vector<1x512xi32> to vector<1x512xf32>
    %add3A_314 = arith.addf %add3A_310, %convert_element_type3A_313 : vector<1x512xf32>
    %ge3A_315 = arith.cmpf oge, %select_n3A_81, %select_n3A_93 : vector<1x512xf32>
    %convert_element_type3A_316 = arith.extui %ge3A_315 : vector<1x512xi1> to vector<1x512xi32>
    %convert_element_type3A_317 = arith.sitofp %convert_element_type3A_316 : vector<1x512xi32> to vector<1x512xf32>
    %add3A_318 = arith.addf %add3A_314, %convert_element_type3A_317 : vector<1x512xf32>
    %ge3A_319 = arith.cmpf oge, %select_n3A_84, %select_n3A_93 : vector<1x512xf32>
    %convert_element_type3A_320 = arith.extui %ge3A_319 : vector<1x512xi1> to vector<1x512xi32>
    %convert_element_type3A_321 = arith.sitofp %convert_element_type3A_320 : vector<1x512xi32> to vector<1x512xf32>
    %add3A_322 = arith.addf %add3A_318, %convert_element_type3A_321 : vector<1x512xf32>
    %ge3A_323 = arith.cmpf oge, %select_n3A_87, %select_n3A_93 : vector<1x512xf32>
    %convert_element_type3A_324 = arith.extui %ge3A_323 : vector<1x512xi1> to vector<1x512xi32>
    %convert_element_type3A_325 = arith.sitofp %convert_element_type3A_324 : vector<1x512xi32> to vector<1x512xf32>
    %add3A_326 = arith.addf %add3A_322, %convert_element_type3A_325 : vector<1x512xf32>
    %ge3A_327 = arith.cmpf oge, %select_n3A_90, %select_n3A_93 : vector<1x512xf32>
    %convert_element_type3A_328 = arith.extui %ge3A_327 : vector<1x512xi1> to vector<1x512xi32>
    %convert_element_type3A_329 = arith.sitofp %convert_element_type3A_328 : vector<1x512xi32> to vector<1x512xf32>
    %add3A_330 = arith.addf %add3A_326, %convert_element_type3A_329 : vector<1x512xf32>
    %lt3A_331 = arith.constant 2.000000e+00 : f32
    %lt3A_332 = vector.broadcast %lt3A_331 : f32 to vector<1x512xf32>
    %lt3A_333 = arith.cmpf olt, %add3A_330, %lt3A_332 : vector<1x512xf32>
    %jit3A_334 = arith.constant 0.000000e+00 : f32
    %broadcast_in_dim3A_335 = vector.broadcast %jit3A_334 : f32 to vector<1x512xf32>
    %select_n3A_336 = arith.select %lt3A_123, %select_n3A, %broadcast_in_dim3A_335 : vector<1x512xi1>, vector<1x512xf32>
    %jit3A_337 = arith.constant 0.000000e+00 : f32
    %broadcast_in_dim3A_338 = vector.broadcast %jit3A_337 : f32 to vector<1x512xf32>
    %select_n3A_339 = arith.select %lt3A_153, %select_n3A_75, %broadcast_in_dim3A_338 : vector<1x512xi1>, vector<1x512xf32>
    %jit3A_340 = arith.constant 0.000000e+00 : f32
    %broadcast_in_dim3A_341 = vector.broadcast %jit3A_340 : f32 to vector<1x512xf32>
    %select_n3A_342 = arith.select %lt3A_183, %select_n3A_78, %broadcast_in_dim3A_341 : vector<1x512xi1>, vector<1x512xf32>
    %jit3A_343 = arith.constant 0.000000e+00 : f32
    %broadcast_in_dim3A_344 = vector.broadcast %jit3A_343 : f32 to vector<1x512xf32>
    %select_n3A_345 = arith.select %lt3A_213, %select_n3A_81, %broadcast_in_dim3A_344 : vector<1x512xi1>, vector<1x512xf32>
    %jit3A_346 = arith.constant 0.000000e+00 : f32
    %broadcast_in_dim3A_347 = vector.broadcast %jit3A_346 : f32 to vector<1x512xf32>
    %select_n3A_348 = arith.select %lt3A_243, %select_n3A_84, %broadcast_in_dim3A_347 : vector<1x512xi1>, vector<1x512xf32>
    %jit3A_349 = arith.constant 0.000000e+00 : f32
    %broadcast_in_dim3A_350 = vector.broadcast %jit3A_349 : f32 to vector<1x512xf32>
    %select_n3A_351 = arith.select %lt3A_273, %select_n3A_87, %broadcast_in_dim3A_350 : vector<1x512xi1>, vector<1x512xf32>
    %jit3A_352 = arith.constant 0.000000e+00 : f32
    %broadcast_in_dim3A_353 = vector.broadcast %jit3A_352 : f32 to vector<1x512xf32>
    %select_n3A_354 = arith.select %lt3A_303, %select_n3A_90, %broadcast_in_dim3A_353 : vector<1x512xi1>, vector<1x512xf32>
    %jit3A_355 = arith.constant 0.000000e+00 : f32
    %broadcast_in_dim3A_356 = vector.broadcast %jit3A_355 : f32 to vector<1x512xf32>
    %select_n3A_357 = arith.select %lt3A_333, %select_n3A_93, %broadcast_in_dim3A_356 : vector<1x512xi1>, vector<1x512xf32>
    %concatenate3A = tpu.concatenate %select_n3A_336, %select_n3A_339, %select_n3A_342, %select_n3A_345, %select_n3A_348, %select_n3A_351, %select_n3A_354, %select_n3A_357 in 0 : vector<1x512xf32>, vector<1x512xf32>, vector<1x512xf32>, vector<1x512xf32>, vector<1x512xf32>, vector<1x512xf32>, vector<1x512xf32>, vector<1x512xf32> -> vector<8x512xf32>
    %swap3A = arith.constant 0 : index
    %swap3A_358 = arith.constant 0 : index
    %swap3A_359 = vector.load %arg3[%swap3A, %swap3A_358] : memref<8x512xf32, #tpu.memory_space<vmem>>, vector<8x512xf32>
    tpu.vector_store %arg3[%swap3A, %swap3A_358], %concatenate3A {strides = array<i32>} : memref<8x512xf32, #tpu.memory_space<vmem>>, vector<8x512xf32>,
    return
  }
  func.func @transform_0(%arg0: i32) -> (i32, i32) {
    %c0_i32 = arith.constant 0 : i32
    %c0_i32_0 = arith.constant 0 : i32
    return %arg0, %c0_i32 : i32, i32
  }
  func.func @transform_1(%arg0: i32) -> (i32, i32) {
    %c0_i32 = arith.constant 0 : i32
    %c0_i32_0 = arith.constant 0 : i32
    %c0_i32_1 = arith.constant 0 : i32
    return %c0_i32, %c0_i32_0 : i32, i32
  }
  func.func @transform_2(%arg0: i32) -> (i32, i32) {
    %c0_i32 = arith.constant 0 : i32
    %c0_i32_0 = arith.constant 0 : i32
    return %c0_i32, %arg0 : i32, i32
  }
}

module attributes {stable_mosaic.version = 14 : i64} {
  func.func @_planner_body(%arg0: i32, %arg1: memref<8x2048xf32, #tpu.memory_space<vmem>>, %arg2: memref<8x2048xf32, #tpu.memory_space<vmem>>, %arg3: memref<24x1xi32, #tpu.memory_space<vmem>>) attributes {dimension_semantics = [#tpu.dimension_semantics<arbitrary>], iteration_bounds = array<i64: 1>, scalar_prefetch = 0 : i64, scratch_operands = 0 : i64, tpu.core_type = #tpu.core_type<tc>, window_params = [{pipeline_mode = #tpu.pipeline_mode<synchronous>, transform_indices = @transform_0, window_bounds = array<i64: 8, 2048>}, {pipeline_mode = #tpu.pipeline_mode<synchronous>, transform_indices = @transform_1, window_bounds = array<i64: 8, 2048>}, {pipeline_mode = #tpu.pipeline_mode<synchronous>, transform_indices = @transform_2, window_bounds = array<i64: 24, 1>}]} {
    %get3A = arith.constant 0 : index
    %get3A_0 = arith.constant 0 : index
    %get3A_1 = vector.load %arg1[%get3A, %get3A_0] : memref<8x2048xf32, #tpu.memory_space<vmem>>, vector<8x2048xf32>
    %mul3A = arith.constant 1.000000e+30 : f32
    %mul3A_2 = vector.broadcast %mul3A : f32 to vector<8x2048xf32>
    %mul3A_3 = arith.mulf %get3A_1, %mul3A_2 : vector<8x2048xf32>
    %min3A = arith.constant 1.000000e+00 : f32
    %min3A_4 = vector.broadcast %min3A : f32 to vector<8x2048xf32>
    %min3A_5 = arith.minimumf %mul3A_3, %min3A_4 : vector<8x2048xf32>
    %iota3A = tpu.iota {dimensions = array<i32: 0>} : vector<2048x2048xi32>
    %iota3A_6 = tpu.iota {dimensions = array<i32: 1>} : vector<2048x2048xi32>
    %jit3A = arith.constant 16 : i32
    %div3A = vector.broadcast %jit3A : i32 to vector<2048x2048xi32>
    %div3A_7 = arith.divsi %iota3A, %div3A : vector<2048x2048xi32>
    %sign3A = arith.constant 0 : i32
    %sign3A_8 = vector.broadcast %sign3A : i32 to vector<2048x2048xi32>
    %sign3A_9 = arith.cmpi sgt, %iota3A, %sign3A_8 : vector<2048x2048xi32>
    %sign3A_10 = arith.extui %sign3A_9 : vector<2048x2048xi1> to vector<2048x2048xi32>
    %sign3A_11 = arith.constant 0 : i32
    %sign3A_12 = vector.broadcast %sign3A_11 : i32 to vector<2048x2048xi32>
    %sign3A_13 = arith.cmpi slt, %iota3A, %sign3A_12 : vector<2048x2048xi32>
    %sign3A_14 = arith.extui %sign3A_13 : vector<2048x2048xi1> to vector<2048x2048xi32>
    %sign3A_15 = arith.subi %sign3A_10, %sign3A_14 : vector<2048x2048xi32>
    %sign3A_16 = arith.constant 0 : i32
    %sign3A_17 = arith.cmpi sgt, %jit3A, %sign3A_16 : i32
    %sign3A_18 = arith.extui %sign3A_17 : i1 to i32
    %sign3A_19 = arith.constant 0 : i32
    %sign3A_20 = arith.cmpi slt, %jit3A, %sign3A_19 : i32
    %sign3A_21 = arith.extui %sign3A_20 : i1 to i32
    %sign3A_22 = arith.subi %sign3A_18, %sign3A_21 : i32
    %ne3A = vector.broadcast %sign3A_22 : i32 to vector<2048x2048xi32>
    %ne3A_23 = arith.cmpi ne, %sign3A_15, %ne3A : vector<2048x2048xi32>
    %rem3A = vector.broadcast %jit3A : i32 to vector<2048x2048xi32>
    %rem3A_24 = arith.remsi %iota3A, %rem3A : vector<2048x2048xi32>
    %ne3A_25 = arith.constant 0 : i32
    %ne3A_26 = vector.broadcast %ne3A_25 : i32 to vector<2048x2048xi32>
    %ne3A_27 = arith.cmpi ne, %rem3A_24, %ne3A_26 : vector<2048x2048xi32>
    %and3A = arith.andi %ne3A_23, %ne3A_27 : vector<2048x2048xi1>
    %sub3A = arith.constant 1 : i32
    %sub3A_28 = vector.broadcast %sub3A : i32 to vector<2048x2048xi32>
    %sub3A_29 = arith.subi %div3A_7, %sub3A_28 : vector<2048x2048xi32>
    %select_n3A = arith.select %and3A, %sub3A_29, %div3A_7 : vector<2048x2048xi1>, vector<2048x2048xi32>
    %jit3A_30 = arith.constant 16 : i32
    %div3A_31 = vector.broadcast %jit3A_30 : i32 to vector<2048x2048xi32>
    %div3A_32 = arith.divsi %iota3A_6, %div3A_31 : vector<2048x2048xi32>
    %sign3A_33 = arith.constant 0 : i32
    %sign3A_34 = vector.broadcast %sign3A_33 : i32 to vector<2048x2048xi32>
    %sign3A_35 = arith.cmpi sgt, %iota3A_6, %sign3A_34 : vector<2048x2048xi32>
    %sign3A_36 = arith.extui %sign3A_35 : vector<2048x2048xi1> to vector<2048x2048xi32>
    %sign3A_37 = arith.constant 0 : i32
    %sign3A_38 = vector.broadcast %sign3A_37 : i32 to vector<2048x2048xi32>
    %sign3A_39 = arith.cmpi slt, %iota3A_6, %sign3A_38 : vector<2048x2048xi32>
    %sign3A_40 = arith.extui %sign3A_39 : vector<2048x2048xi1> to vector<2048x2048xi32>
    %sign3A_41 = arith.subi %sign3A_36, %sign3A_40 : vector<2048x2048xi32>
    %sign3A_42 = arith.constant 0 : i32
    %sign3A_43 = arith.cmpi sgt, %jit3A_30, %sign3A_42 : i32
    %sign3A_44 = arith.extui %sign3A_43 : i1 to i32
    %sign3A_45 = arith.constant 0 : i32
    %sign3A_46 = arith.cmpi slt, %jit3A_30, %sign3A_45 : i32
    %sign3A_47 = arith.extui %sign3A_46 : i1 to i32
    %sign3A_48 = arith.subi %sign3A_44, %sign3A_47 : i32
    %ne3A_49 = vector.broadcast %sign3A_48 : i32 to vector<2048x2048xi32>
    %ne3A_50 = arith.cmpi ne, %sign3A_41, %ne3A_49 : vector<2048x2048xi32>
    %rem3A_51 = vector.broadcast %jit3A_30 : i32 to vector<2048x2048xi32>
    %rem3A_52 = arith.remsi %iota3A_6, %rem3A_51 : vector<2048x2048xi32>
    %ne3A_53 = arith.constant 0 : i32
    %ne3A_54 = vector.broadcast %ne3A_53 : i32 to vector<2048x2048xi32>
    %ne3A_55 = arith.cmpi ne, %rem3A_52, %ne3A_54 : vector<2048x2048xi32>
    %and3A_56 = arith.andi %ne3A_50, %ne3A_55 : vector<2048x2048xi1>
    %sub3A_57 = arith.constant 1 : i32
    %sub3A_58 = vector.broadcast %sub3A_57 : i32 to vector<2048x2048xi32>
    %sub3A_59 = arith.subi %div3A_32, %sub3A_58 : vector<2048x2048xi32>
    %select_n3A_60 = arith.select %and3A_56, %sub3A_59, %div3A_32 : vector<2048x2048xi1>, vector<2048x2048xi32>
    %sub3A_61 = arith.subi %select_n3A, %select_n3A_60 : vector<2048x2048xi32>
    %abs3A = math.absi %sub3A_61 : vector<2048x2048xi32>
    %sub3A_62 = arith.constant 1 : i32
    %sub3A_63 = vector.broadcast %sub3A_62 : i32 to vector<2048x2048xi32>
    %sub3A_64 = arith.subi %sub3A_63, %abs3A : vector<2048x2048xi32>
    %jit3A_65 = arith.constant 0 : i32
    %jit3A_66 = arith.constant 1 : i32
    %max3A = vector.broadcast %jit3A_65 : i32 to vector<2048x2048xi32>
    %max3A_67 = arith.maxsi %max3A, %sub3A_64 : vector<2048x2048xi32>
    %min3A_68 = vector.broadcast %jit3A_66 : i32 to vector<2048x2048xi32>
    %min3A_69 = arith.minsi %min3A_68, %max3A_67 : vector<2048x2048xi32>
    %sub3A_70 = arith.subi %iota3A_6, %iota3A : vector<2048x2048xi32>
    %jit3A_71 = arith.constant 0 : i32
    %jit3A_72 = arith.constant 1 : i32
    %max3A_73 = vector.broadcast %jit3A_71 : i32 to vector<2048x2048xi32>
    %max3A_74 = arith.maxsi %max3A_73, %sub3A_70 : vector<2048x2048xi32>
    %min3A_75 = vector.broadcast %jit3A_72 : i32 to vector<2048x2048xi32>
    %min3A_76 = arith.minsi %min3A_75, %max3A_74 : vector<2048x2048xi32>
    %mul3A_77 = arith.muli %min3A_69, %min3A_76 : vector<2048x2048xi32>
    %convert_element_type3A = arith.sitofp %mul3A_77 : vector<2048x2048xi32> to vector<2048x2048xf32>
    %dot_general3A = arith.constant dense<0.000000e+00> : vector<8x2048xf32>
    %dot_general3A_78 = tpu.matmul %min3A_5, %convert_element_type3A, %dot_general3A {dimension_numbers = #tpu.dot_dimension_numbers<[1], [0], [0], [1], [0, 0, 1, 1], [], []>, precision = #tpu.contract_precision<fp32>, transpose_lhs_hint = false} : vector<8x2048xf32>, vector<2048x2048xf32>, vector<8x2048xf32> -> vector<8x2048xf32>
    %iota3A_79 = tpu.iota {dimensions = array<i32: 0>} : vector<2048x128xi32>
    %iota3A_80 = tpu.iota {dimensions = array<i32: 1>} : vector<2048x128xi32>
    %jit3A_81 = arith.constant 16 : i32
    %div3A_82 = vector.broadcast %jit3A_81 : i32 to vector<2048x128xi32>
    %div3A_83 = arith.divsi %iota3A_79, %div3A_82 : vector<2048x128xi32>
    %sign3A_84 = arith.constant 0 : i32
    %sign3A_85 = vector.broadcast %sign3A_84 : i32 to vector<2048x128xi32>
    %sign3A_86 = arith.cmpi sgt, %iota3A_79, %sign3A_85 : vector<2048x128xi32>
    %sign3A_87 = arith.extui %sign3A_86 : vector<2048x128xi1> to vector<2048x128xi32>
    %sign3A_88 = arith.constant 0 : i32
    %sign3A_89 = vector.broadcast %sign3A_88 : i32 to vector<2048x128xi32>
    %sign3A_90 = arith.cmpi slt, %iota3A_79, %sign3A_89 : vector<2048x128xi32>
    %sign3A_91 = arith.extui %sign3A_90 : vector<2048x128xi1> to vector<2048x128xi32>
    %sign3A_92 = arith.subi %sign3A_87, %sign3A_91 : vector<2048x128xi32>
    %sign3A_93 = arith.constant 0 : i32
    %sign3A_94 = arith.cmpi sgt, %jit3A_81, %sign3A_93 : i32
    %sign3A_95 = arith.extui %sign3A_94 : i1 to i32
    %sign3A_96 = arith.constant 0 : i32
    %sign3A_97 = arith.cmpi slt, %jit3A_81, %sign3A_96 : i32
    %sign3A_98 = arith.extui %sign3A_97 : i1 to i32
    %sign3A_99 = arith.subi %sign3A_95, %sign3A_98 : i32
    %ne3A_100 = vector.broadcast %sign3A_99 : i32 to vector<2048x128xi32>
    %ne3A_101 = arith.cmpi ne, %sign3A_92, %ne3A_100 : vector<2048x128xi32>
    %rem3A_102 = vector.broadcast %jit3A_81 : i32 to vector<2048x128xi32>
    %rem3A_103 = arith.remsi %iota3A_79, %rem3A_102 : vector<2048x128xi32>
    %ne3A_104 = arith.constant 0 : i32
    %ne3A_105 = vector.broadcast %ne3A_104 : i32 to vector<2048x128xi32>
    %ne3A_106 = arith.cmpi ne, %rem3A_103, %ne3A_105 : vector<2048x128xi32>
    %and3A_107 = arith.andi %ne3A_101, %ne3A_106 : vector<2048x128xi1>
    %sub3A_108 = arith.constant 1 : i32
    %sub3A_109 = vector.broadcast %sub3A_108 : i32 to vector<2048x128xi32>
    %sub3A_110 = arith.subi %div3A_83, %sub3A_109 : vector<2048x128xi32>
    %select_n3A_111 = arith.select %and3A_107, %sub3A_110, %div3A_83 : vector<2048x128xi1>, vector<2048x128xi32>
    %sub3A_112 = arith.subi %select_n3A_111, %iota3A_80 : vector<2048x128xi32>
    %abs3A_113 = math.absi %sub3A_112 : vector<2048x128xi32>
    %sub3A_114 = arith.constant 1 : i32
    %sub3A_115 = vector.broadcast %sub3A_114 : i32 to vector<2048x128xi32>
    %sub3A_116 = arith.subi %sub3A_115, %abs3A_113 : vector<2048x128xi32>
    %jit3A_117 = arith.constant 0 : i32
    %jit3A_118 = arith.constant 1 : i32
    %max3A_119 = vector.broadcast %jit3A_117 : i32 to vector<2048x128xi32>
    %max3A_120 = arith.maxsi %max3A_119, %sub3A_116 : vector<2048x128xi32>
    %min3A_121 = vector.broadcast %jit3A_118 : i32 to vector<2048x128xi32>
    %min3A_122 = arith.minsi %min3A_121, %max3A_120 : vector<2048x128xi32>
    %convert_element_type3A_123 = arith.sitofp %min3A_122 : vector<2048x128xi32> to vector<2048x128xf32>
    %dot_general3A_124 = arith.constant dense<0.000000e+00> : vector<8x128xf32>
    %dot_general3A_125 = tpu.matmul %min3A_5, %convert_element_type3A_123, %dot_general3A_124 {dimension_numbers = #tpu.dot_dimension_numbers<[1], [0], [0], [1], [0, 0, 1, 1], [], []>, precision = #tpu.contract_precision<fp32>, transpose_lhs_hint = false} : vector<8x2048xf32>, vector<2048x128xf32>, vector<8x128xf32> -> vector<8x128xf32>
    %iota3A_126 = tpu.iota {dimensions = array<i32: 0>} : vector<128x128xi32>
    %iota3A_127 = tpu.iota {dimensions = array<i32: 1>} : vector<128x128xi32>
    %sub3A_128 = arith.subi %iota3A_127, %iota3A_126 : vector<128x128xi32>
    %jit3A_129 = arith.constant 0 : i32
    %jit3A_130 = arith.constant 1 : i32
    %max3A_131 = vector.broadcast %jit3A_129 : i32 to vector<128x128xi32>
    %max3A_132 = arith.maxsi %max3A_131, %sub3A_128 : vector<128x128xi32>
    %min3A_133 = vector.broadcast %jit3A_130 : i32 to vector<128x128xi32>
    %min3A_134 = arith.minsi %min3A_133, %max3A_132 : vector<128x128xi32>
    %convert_element_type3A_135 = arith.sitofp %min3A_134 : vector<128x128xi32> to vector<128x128xf32>
    %dot_general3A_136 = arith.constant dense<0.000000e+00> : vector<8x128xf32>
    %dot_general3A_137 = tpu.matmul %dot_general3A_125, %convert_element_type3A_135, %dot_general3A_136 {dimension_numbers = #tpu.dot_dimension_numbers<[1], [0], [0], [1], [0, 0, 1, 1], [], []>, precision = #tpu.contract_precision<fp32>, transpose_lhs_hint = false} : vector<8x128xf32>, vector<128x128xf32>, vector<8x128xf32> -> vector<8x128xf32>
    %broadcast_in_dim3A = arith.constant 1.000000e+00 : f32
    %broadcast_in_dim3A_138 = vector.broadcast %broadcast_in_dim3A : f32 to vector<128x1xf32>
    %dot_general3A_139 = arith.constant dense<0.000000e+00> : vector<8x1xf32>
    %dot_general3A_140 = tpu.matmul %dot_general3A_125, %broadcast_in_dim3A_138, %dot_general3A_139 {dimension_numbers = #tpu.dot_dimension_numbers<[1], [0], [0], [1], [0, 0, 1, 1], [], []>, precision = #tpu.contract_precision<fp32>, transpose_lhs_hint = false} : vector<8x128xf32>, vector<128x1xf32>, vector<8x1xf32> -> vector<8x1xf32>
    %add3A = arith.constant 2.550000e+02 : f32
    %add3A_141 = vector.broadcast %add3A : f32 to vector<8x1xf32>
    %add3A_142 = arith.addf %dot_general3A_140, %add3A_141 : vector<8x1xf32>
    %div3A_143 = arith.constant 2.560000e+02 : f32
    %div3A_144 = vector.broadcast %div3A_143 : f32 to vector<8x1xf32>
    %div3A_145 = arith.divf %add3A_142, %div3A_144 : vector<8x1xf32>
    %floor3A = math.floor %div3A_145 : vector<8x1xf32>
    %mul3A_146 = arith.constant 2.560000e+02 : f32
    %mul3A_147 = vector.broadcast %mul3A_146 : f32 to vector<8x1xf32>
    %mul3A_148 = arith.mulf %floor3A, %mul3A_147 : vector<8x1xf32>
    %iota3A_149 = tpu.iota {dimensions = array<i32: 0>} : vector<8x8xi32>
    %iota3A_150 = tpu.iota {dimensions = array<i32: 1>} : vector<8x8xi32>
    %sub3A_151 = arith.subi %iota3A_149, %iota3A_150 : vector<8x8xi32>
    %jit3A_152 = arith.constant 0 : i32
    %jit3A_153 = arith.constant 1 : i32
    %max3A_154 = vector.broadcast %jit3A_152 : i32 to vector<8x8xi32>
    %max3A_155 = arith.maxsi %max3A_154, %sub3A_151 : vector<8x8xi32>
    %min3A_156 = vector.broadcast %jit3A_153 : i32 to vector<8x8xi32>
    %min3A_157 = arith.minsi %min3A_156, %max3A_155 : vector<8x8xi32>
    %convert_element_type3A_158 = arith.sitofp %min3A_157 : vector<8x8xi32> to vector<8x8xf32>
    %dot_general3A_159 = arith.constant dense<0.000000e+00> : vector<8x1xf32>
    %dot_general3A_160 = tpu.matmul %convert_element_type3A_158, %mul3A_148, %dot_general3A_159 {dimension_numbers = #tpu.dot_dimension_numbers<[1], [0], [0], [1], [0, 0, 1, 1], [], []>, precision = #tpu.contract_precision<fp32>, transpose_lhs_hint = false} : vector<8x8xf32>, vector<8x1xf32>, vector<8x1xf32> -> vector<8x1xf32>
    %dot_general3A_161 = arith.constant dense<0.000000e+00> : vector<8x2048xf32>
    %dot_general3A_162 = tpu.matmul %dot_general3A_137, %convert_element_type3A_123, %dot_general3A_161 {dimension_numbers = #tpu.dot_dimension_numbers<[1], [1], [0], [0], [0, 0, 1, 0], [], []>, precision = #tpu.contract_precision<fp32>, transpose_lhs_hint = false} : vector<8x128xf32>, vector<2048x128xf32>, vector<8x2048xf32> -> vector<8x2048xf32>
    %add3A_163 = vector.broadcast %dot_general3A_160 : vector<8x1xf32> to vector<8x2048xf32>
    %add3A_164 = arith.addf %add3A_163, %dot_general3A_162 : vector<8x2048xf32>
    %add3A_165 = arith.addf %add3A_164, %dot_general3A_78 : vector<8x2048xf32>
    %swap3A = arith.constant 0 : index
    %swap3A_166 = arith.constant 0 : index
    %swap3A_167 = vector.load %arg2[%swap3A, %swap3A_166] : memref<8x2048xf32, #tpu.memory_space<vmem>>, vector<8x2048xf32>
    tpu.vector_store %arg2[%swap3A, %swap3A_166], %add3A_165 {strides = array<i32>} : memref<8x2048xf32, #tpu.memory_space<vmem>>, vector<8x2048xf32>,
    %iota3A_168 = tpu.iota {dimensions = array<i32: 0>} : vector<24x8xi32>
    %convert_element_type3A_169 = arith.sitofp %iota3A_168 : vector<24x8xi32> to vector<24x8xf32>
    %mul3A_170 = arith.constant 2.560000e+02 : f32
    %mul3A_171 = vector.broadcast %mul3A_170 : f32 to vector<24x8xf32>
    %mul3A_172 = arith.mulf %convert_element_type3A_169, %mul3A_171 : vector<24x8xf32>
    %reshape3A = vector.shape_cast %dot_general3A_160 : vector<8x1xf32> to vector<1x8xf32>
    %sub3A_173 = vector.broadcast %reshape3A : vector<1x8xf32> to vector<24x8xf32>
    %sub3A_174 = arith.subf %mul3A_172, %sub3A_173 : vector<24x8xf32>
    %add3A_175 = arith.constant 1.000000e+00 : f32
    %add3A_176 = vector.broadcast %add3A_175 : f32 to vector<24x8xf32>
    %add3A_177 = arith.addf %sub3A_174, %add3A_176 : vector<24x8xf32>
    %jit3A_178 = arith.constant 0.000000e+00 : f32
    %jit3A_179 = arith.constant 1.000000e+00 : f32
    %max3A_180 = vector.broadcast %jit3A_178 : f32 to vector<24x8xf32>
    %max3A_181 = arith.maximumf %max3A_180, %add3A_177 : vector<24x8xf32>
    %min3A_182 = vector.broadcast %jit3A_179 : f32 to vector<24x8xf32>
    %min3A_183 = arith.minimumf %min3A_182, %max3A_181 : vector<24x8xf32>
    %broadcast_in_dim3A_184 = arith.constant 1.000000e+00 : f32
    %broadcast_in_dim3A_185 = vector.broadcast %broadcast_in_dim3A_184 : f32 to vector<8x1xf32>
    %dot_general3A_186 = arith.constant dense<0.000000e+00> : vector<24x1xf32>
    %dot_general3A_187 = tpu.matmul %min3A_183, %broadcast_in_dim3A_185, %dot_general3A_186 {dimension_numbers = #tpu.dot_dimension_numbers<[1], [0], [0], [1], [0, 0, 1, 1], [], []>, precision = #tpu.contract_precision<fp32>, transpose_lhs_hint = false} : vector<24x8xf32>, vector<8x1xf32>, vector<24x1xf32> -> vector<24x1xf32>
    %convert_element_type3A_188 = arith.fptosi %dot_general3A_187 : vector<24x1xf32> to vector<24x1xi32>
    %sub3A_189 = arith.constant 1 : i32
    %sub3A_190 = vector.broadcast %sub3A_189 : i32 to vector<24x1xi32>
    %sub3A_191 = arith.subi %convert_element_type3A_188, %sub3A_190 : vector<24x1xi32>
    %swap3A_192 = arith.constant 0 : index
    %swap3A_193 = arith.constant 0 : index
    %swap3A_194 = vector.load %arg3[%swap3A_192, %swap3A_193] : memref<24x1xi32, #tpu.memory_space<vmem>>, vector<24x1xi32>
    tpu.vector_store %arg3[%swap3A_192, %swap3A_193], %sub3A_191 {strides = array<i32>} : memref<24x1xi32, #tpu.memory_space<vmem>>, vector<24x1xi32>,
    return
  }
  func.func @transform_0(%arg0: i32) -> (i32, i32) {
    %c0_i32 = arith.constant 0 : i32
    %c0_i32_0 = arith.constant 0 : i32
    %c0_i32_1 = arith.constant 0 : i32
    return %c0_i32, %c0_i32_0 : i32, i32
  }
  func.func @transform_1(%arg0: i32) -> (i32, i32) {
    %c0_i32 = arith.constant 0 : i32
    %c0_i32_0 = arith.constant 0 : i32
    %c0_i32_1 = arith.constant 0 : i32
    return %c0_i32, %c0_i32_0 : i32, i32
  }
  func.func @transform_2(%arg0: i32) -> (i32, i32) {
    %c0_i32 = arith.constant 0 : i32
    %c0_i32_0 = arith.constant 0 : i32
    %c0_i32_1 = arith.constant 0 : i32
    return %c0_i32, %c0_i32_0 : i32, i32
  }
}

module attributes {stable_mosaic.version = 14 : i64} {
  func.func @_shared_body(%arg0: i32, %arg1: i32, %arg2: memref<512x1024xf32, #tpu.memory_space<vmem>>, %arg3: memref<1x2816x1024xbf16, #tpu.memory_space<vmem>>, %arg4: memref<1x1024x1408xbf16, #tpu.memory_space<vmem>>, %arg5: memref<2048x1024xf32, #tpu.memory_space<vmem>>) attributes {dimension_semantics = [#tpu.dimension_semantics<arbitrary>, #tpu.dimension_semantics<arbitrary>], iteration_bounds = array<i64: 2, 4>, scalar_prefetch = 0 : i64, scratch_operands = 0 : i64, tpu.core_type = #tpu.core_type<tc>, window_params = [{transform_indices = @transform_0, window_bounds = array<i64: 512, 1024>}, {transform_indices = @transform_1, window_bounds = array<i64: 1, 2816, 1024>}, {transform_indices = @transform_2, window_bounds = array<i64: 1, 1024, 1408>}, {pipeline_mode = #tpu.pipeline_mode<synchronous>, transform_indices = @transform_3, window_bounds = array<i64: 2048, 1024>}]} {
    %get3A = arith.constant 0 : index
    %get3A_0 = arith.constant 0 : index
    %get3A_1 = vector.load %arg2[%get3A, %get3A_0] : memref<512x1024xf32, #tpu.memory_space<vmem>>, vector<512x1024xf32>
    %convert_element_type3A = arith.truncf %get3A_1 : vector<512x1024xf32> to vector<512x1024xbf16>
    %get3A_2 = arith.constant 0 : index
    %get3A_3 = arith.constant 0 : index
    %get3A_4 = arith.constant 0 : index
    %get3A_5 = vector.load %arg3[%get3A_2, %get3A_3, %get3A_4] : memref<1x2816x1024xbf16, #tpu.memory_space<vmem>>, vector<1x2816x1024xbf16>
    %get3A_6 = vector.shape_cast %get3A_5 : vector<1x2816x1024xbf16> to vector<2816x1024xbf16>
    %dot_general3A = arith.constant dense<0.000000e+00> : vector<512x2816xf32>
    %dot_general3A_7 = tpu.matmul %convert_element_type3A, %get3A_6, %dot_general3A {dimension_numbers = #tpu.dot_dimension_numbers<[1], [1], [0], [0], [0, 0, 1, 0], [], []>, transpose_lhs_hint = false} : vector<512x1024xbf16>, vector<2816x1024xbf16>, vector<512x2816xf32> -> vector<512x2816xf32>
    %slice3A = vector.extract_strided_slice %dot_general3A_7 {offsets = [0, 0], sizes = [512, 1408], strides = [1, 1]} : vector<512x2816xf32> to vector<512x1408xf32>
    %slice3A_8 = vector.extract_strided_slice %dot_general3A_7 {offsets = [0, 1408], sizes = [512, 1408], strides = [1, 1]} : vector<512x2816xf32> to vector<512x1408xf32>
    %logistic3A = arith.negf %slice3A : vector<512x1408xf32>
    %logistic3A_9 = math.exp %logistic3A : vector<512x1408xf32>
    %logistic3A_10 = arith.constant 1.000000e+00 : f32
    %logistic3A_11 = vector.broadcast %logistic3A_10 : f32 to vector<512x1408xf32>
    %logistic3A_12 = arith.addf %logistic3A_11, %logistic3A_9 : vector<512x1408xf32>
    %logistic3A_13 = arith.divf %logistic3A_11, %logistic3A_12 : vector<512x1408xf32>
    %mul3A = arith.mulf %slice3A, %logistic3A_13 : vector<512x1408xf32>
    %mul3A_14 = arith.mulf %mul3A, %slice3A_8 : vector<512x1408xf32>
    %convert_element_type3A_15 = arith.truncf %mul3A_14 : vector<512x1408xf32> to vector<512x1408xbf16>
    %get3A_16 = arith.constant 0 : index
    %get3A_17 = arith.constant 0 : index
    %get3A_18 = arith.constant 0 : index
    %get3A_19 = vector.load %arg4[%get3A_16, %get3A_17, %get3A_18] : memref<1x1024x1408xbf16, #tpu.memory_space<vmem>>, vector<1x1024x1408xbf16>
    %get3A_20 = vector.shape_cast %get3A_19 : vector<1x1024x1408xbf16> to vector<1024x1408xbf16>
    %dot_general3A_21 = arith.constant dense<0.000000e+00> : vector<512x1024xf32>
    %dot_general3A_22 = tpu.matmul %convert_element_type3A_15, %get3A_20, %dot_general3A_21 {dimension_numbers = #tpu.dot_dimension_numbers<[1], [1], [0], [0], [0, 0, 1, 0], [], []>, transpose_lhs_hint = false} : vector<512x1408xbf16>, vector<1024x1408xbf16>, vector<512x1024xf32> -> vector<512x1024xf32>
    %mul3A_23 = arith.constant 512 : i32
    %mul3A_24 = arith.muli %arg1, %mul3A_23 : i32
    %eq3A = arith.constant 0 : i32
    %eq3A_25 = arith.cmpi eq, %arg0, %eq3A : i32
    %convert_element_type3A_26 = arith.extui %eq3A_25 : i1 to i32
    %cond3A = arith.constant 0 : i32
    %cond3A_27 = arith.cmpi ne, %convert_element_type3A_26, %cond3A : i32
    scf.if %cond3A_27 {
      %swap3A = arith.index_cast %mul3A_24 : i32 to index
      %swap3A_32 = arith.constant 0 : index
      %swap3A_33 = vector.load %arg5[%swap3A, %swap3A_32] : memref<2048x1024xf32, #tpu.memory_space<vmem>>, vector<512x1024xf32>
      tpu.vector_store %arg5[%swap3A, %swap3A_32], %dot_general3A_22 {strides = array<i32>} : memref<2048x1024xf32, #tpu.memory_space<vmem>>, vector<512x1024xf32>,
    } else {
    }
    %gt3A = arith.constant 0 : i32
    %gt3A_28 = arith.cmpi sgt, %arg0, %gt3A : i32
    %convert_element_type3A_29 = arith.extui %gt3A_28 : i1 to i32
    %cond3A_30 = arith.constant 0 : i32
    %cond3A_31 = arith.cmpi ne, %convert_element_type3A_29, %cond3A_30 : i32
    scf.if %cond3A_31 {
      %get3A_32 = arith.index_cast %mul3A_24 : i32 to index
      %get3A_33 = arith.constant 0 : index
      %get3A_34 = vector.load %arg5[%get3A_32, %get3A_33] : memref<2048x1024xf32, #tpu.memory_space<vmem>>, vector<512x1024xf32>
      %add3A = arith.addf %get3A_34, %dot_general3A_22 : vector<512x1024xf32>
      %swap3A = arith.index_cast %mul3A_24 : i32 to index
      %swap3A_35 = arith.constant 0 : index
      %swap3A_36 = vector.load %arg5[%swap3A, %swap3A_35] : memref<2048x1024xf32, #tpu.memory_space<vmem>>, vector<512x1024xf32>
      tpu.vector_store %arg5[%swap3A, %swap3A_35], %add3A {strides = array<i32>} : memref<2048x1024xf32, #tpu.memory_space<vmem>>, vector<512x1024xf32>,
    } else {
    }
    return
  }
  func.func @transform_0(%arg0: i32, %arg1: i32) -> (i32, i32) {
    %c0_i32 = arith.constant 0 : i32
    %c0_i32_0 = arith.constant 0 : i32
    return %arg1, %c0_i32 : i32, i32
  }
  func.func @transform_1(%arg0: i32, %arg1: i32) -> (i32, i32, i32) {
    %c0_i32 = arith.constant 0 : i32
    %c0_i32_0 = arith.constant 0 : i32
    %c0_i32_1 = arith.constant 0 : i32
    return %arg0, %c0_i32, %c0_i32_0 : i32, i32, i32
  }
  func.func @transform_2(%arg0: i32, %arg1: i32) -> (i32, i32, i32) {
    %c0_i32 = arith.constant 0 : i32
    %c0_i32_0 = arith.constant 0 : i32
    %c0_i32_1 = arith.constant 0 : i32
    return %arg0, %c0_i32, %c0_i32_0 : i32, i32, i32
  }
  func.func @transform_3(%arg0: i32, %arg1: i32) -> (i32, i32) {
    %c0_i32 = arith.constant 0 : i32
    %c0_i32_0 = arith.constant 0 : i32
    %c0_i32_1 = arith.constant 0 : i32
    return %c0_i32, %c0_i32_0 : i32, i32
  }
}

module attributes {stable_mosaic.version = 14 : i64} {
  func.func @_group_mm_body(%arg0: i32, %arg1: memref<24xi32, #tpu.memory_space<smem>>, %arg2: memref<256x1024xf32, #tpu.memory_space<vmem>>, %arg3: memref<1x2816x1024xbf16, #tpu.memory_space<vmem>>, %arg4: memref<1x1024x1408xbf16, #tpu.memory_space<vmem>>, %arg5: memref<256x1024xf32, #tpu.memory_space<vmem>>) attributes {dimension_semantics = [#tpu.dimension_semantics<arbitrary>], iteration_bounds = array<i64: 24>, scalar_prefetch = 1 : i64, scratch_operands = 0 : i64, tpu.core_type = #tpu.core_type<tc>, window_params = [{transform_indices = @transform_0, window_bounds = array<i64: 256, 1024>}, {transform_indices = @transform_1, window_bounds = array<i64: 1, 2816, 1024>}, {transform_indices = @transform_2, window_bounds = array<i64: 1, 1024, 1408>}, {transform_indices = @transform_3, window_bounds = array<i64: 256, 1024>}]} {
    %get3A = arith.constant 0 : index
    %get3A_0 = arith.constant 0 : index
    %get3A_1 = vector.load %arg2[%get3A, %get3A_0] : memref<256x1024xf32, #tpu.memory_space<vmem>>, vector<256x1024xf32>
    %abs3A = math.absf %get3A_1 : vector<256x1024xf32>
    %lt3A = arith.constant 1.000000e+30 : f32
    %lt3A_2 = vector.broadcast %lt3A : f32 to vector<256x1024xf32>
    %lt3A_3 = arith.cmpf olt, %abs3A, %lt3A_2 : vector<256x1024xf32>
    %jit3A = arith.constant 0.000000e+00 : f32
    %broadcast_in_dim3A = vector.broadcast %jit3A : f32 to vector<256x1024xf32>
    %select_n3A = arith.select %lt3A_3, %get3A_1, %broadcast_in_dim3A : vector<256x1024xi1>, vector<256x1024xf32>
    %convert_element_type3A = arith.truncf %select_n3A : vector<256x1024xf32> to vector<256x1024xbf16>
    %get3A_4 = arith.constant 0 : index
    %get3A_5 = arith.constant 0 : index
    %get3A_6 = arith.constant 0 : index
    %get3A_7 = vector.load %arg3[%get3A_4, %get3A_5, %get3A_6] : memref<1x2816x1024xbf16, #tpu.memory_space<vmem>>, vector<1x2816x1024xbf16>
    %get3A_8 = vector.shape_cast %get3A_7 : vector<1x2816x1024xbf16> to vector<2816x1024xbf16>
    %dot_general3A = arith.constant dense<0.000000e+00> : vector<256x2816xf32>
    %dot_general3A_9 = tpu.matmul %convert_element_type3A, %get3A_8, %dot_general3A {dimension_numbers = #tpu.dot_dimension_numbers<[1], [1], [0], [0], [0, 0, 1, 0], [], []>, transpose_lhs_hint = false} : vector<256x1024xbf16>, vector<2816x1024xbf16>, vector<256x2816xf32> -> vector<256x2816xf32>
    %slice3A = vector.extract_strided_slice %dot_general3A_9 {offsets = [0, 0], sizes = [256, 1408], strides = [1, 1]} : vector<256x2816xf32> to vector<256x1408xf32>
    %slice3A_10 = vector.extract_strided_slice %dot_general3A_9 {offsets = [0, 1408], sizes = [256, 1408], strides = [1, 1]} : vector<256x2816xf32> to vector<256x1408xf32>
    %logistic3A = arith.negf %slice3A : vector<256x1408xf32>
    %logistic3A_11 = math.exp %logistic3A : vector<256x1408xf32>
    %logistic3A_12 = arith.constant 1.000000e+00 : f32
    %logistic3A_13 = vector.broadcast %logistic3A_12 : f32 to vector<256x1408xf32>
    %logistic3A_14 = arith.addf %logistic3A_13, %logistic3A_11 : vector<256x1408xf32>
    %logistic3A_15 = arith.divf %logistic3A_13, %logistic3A_14 : vector<256x1408xf32>
    %mul3A = arith.mulf %slice3A, %logistic3A_15 : vector<256x1408xf32>
    %mul3A_16 = arith.mulf %mul3A, %slice3A_10 : vector<256x1408xf32>
    %convert_element_type3A_17 = arith.truncf %mul3A_16 : vector<256x1408xf32> to vector<256x1408xbf16>
    %get3A_18 = arith.constant 0 : index
    %get3A_19 = arith.constant 0 : index
    %get3A_20 = arith.constant 0 : index
    %get3A_21 = vector.load %arg4[%get3A_18, %get3A_19, %get3A_20] : memref<1x1024x1408xbf16, #tpu.memory_space<vmem>>, vector<1x1024x1408xbf16>
    %get3A_22 = vector.shape_cast %get3A_21 : vector<1x1024x1408xbf16> to vector<1024x1408xbf16>
    %dot_general3A_23 = arith.constant dense<0.000000e+00> : vector<256x1024xf32>
    %dot_general3A_24 = tpu.matmul %convert_element_type3A_17, %get3A_22, %dot_general3A_23 {dimension_numbers = #tpu.dot_dimension_numbers<[1], [1], [0], [0], [0, 0, 1, 0], [], []>, transpose_lhs_hint = false} : vector<256x1408xbf16>, vector<1024x1408xbf16>, vector<256x1024xf32> -> vector<256x1024xf32>
    %swap3A = arith.constant 0 : index
    %swap3A_25 = arith.constant 0 : index
    %swap3A_26 = vector.load %arg5[%swap3A, %swap3A_25] : memref<256x1024xf32, #tpu.memory_space<vmem>>, vector<256x1024xf32>
    tpu.vector_store %arg5[%swap3A, %swap3A_25], %dot_general3A_24 {strides = array<i32>} : memref<256x1024xf32, #tpu.memory_space<vmem>>, vector<256x1024xf32>,
    return
  }
  func.func @transform_0(%arg0: i32, %arg1: memref<24xi32, #tpu.memory_space<smem>>) -> (i32, i32) {
    %c0_i32 = arith.constant 0 : i32
    %c0_i32_0 = arith.constant 0 : i32
    return %arg0, %c0_i32 : i32, i32
  }
  func.func @transform_1(%arg0: i32, %arg1: memref<24xi32, #tpu.memory_space<smem>>) -> (i32, i32, i32) {
    %get3A = arith.index_cast %arg0 : i32 to index
    %get3A_0 = memref.load %arg1[%get3A] : memref<24xi32, #tpu.memory_space<smem>>
    %c0_i32 = arith.constant 0 : i32
    %c0_i32_1 = arith.constant 0 : i32
    %c0_i32_2 = arith.constant 0 : i32
    return %get3A_0, %c0_i32, %c0_i32_1 : i32, i32, i32
  }
  func.func @transform_2(%arg0: i32, %arg1: memref<24xi32, #tpu.memory_space<smem>>) -> (i32, i32, i32) {
    %get3A = arith.index_cast %arg0 : i32 to index
    %get3A_0 = memref.load %arg1[%get3A] : memref<24xi32, #tpu.memory_space<smem>>
    %c0_i32 = arith.constant 0 : i32
    %c0_i32_1 = arith.constant 0 : i32
    %c0_i32_2 = arith.constant 0 : i32
    return %get3A_0, %c0_i32, %c0_i32_1 : i32, i32, i32
  }
  func.func @transform_3(%arg0: i32, %arg1: memref<24xi32, #tpu.memory_space<smem>>) -> (i32, i32) {
    %c0_i32 = arith.constant 0 : i32
    %c0_i32_0 = arith.constant 0 : i32
    return %arg0, %c0_i32 : i32, i32
  }
}

module attributes {stable_mosaic.version = 14 : i64} {
  func.func @_combine_body(%arg0: i32, %arg1: memref<1x512xi32, #tpu.memory_space<vmem>>, %arg2: memref<1x512xi32, #tpu.memory_space<vmem>>, %arg3: memref<1x512xf32, #tpu.memory_space<vmem>>, %arg4: memref<1x512xf32, #tpu.memory_space<vmem>>, %arg5: memref<6144x1024xbf16, #tpu.memory_space<vmem>>, %arg6: memref<512x1024xf32, #tpu.memory_space<vmem>>, %arg7: memref<512x1024xf32, #tpu.memory_space<vmem>>) attributes {dimension_semantics = [#tpu.dimension_semantics<arbitrary>], iteration_bounds = array<i64: 4>, scalar_prefetch = 0 : i64, scratch_operands = 0 : i64, tpu.core_type = #tpu.core_type<tc>, window_params = [{transform_indices = @transform_0, window_bounds = array<i64: 1, 512>}, {transform_indices = @transform_1, window_bounds = array<i64: 1, 512>}, {transform_indices = @transform_2, window_bounds = array<i64: 1, 512>}, {transform_indices = @transform_3, window_bounds = array<i64: 1, 512>}, {pipeline_mode = #tpu.pipeline_mode<synchronous>, transform_indices = @transform_4, window_bounds = array<i64: 6144, 1024>}, {transform_indices = @transform_5, window_bounds = array<i64: 512, 1024>}, {transform_indices = @transform_6, window_bounds = array<i64: 512, 1024>}]} {
    %iota3A = tpu.iota {dimensions = array<i32: 0>} : vector<6144x512xi32>
    %get3A = arith.constant 0 : index
    %get3A_0 = arith.constant 0 : index
    %get3A_1 = vector.load %arg1[%get3A, %get3A_0] : memref<1x512xi32, #tpu.memory_space<vmem>>, vector<1x512xi32>
    %get3A_2 = arith.constant 0 : index
    %get3A_3 = arith.constant 0 : index
    %get3A_4 = vector.load %arg2[%get3A_2, %get3A_3] : memref<1x512xi32, #tpu.memory_space<vmem>>, vector<1x512xi32>
    %get3A_5 = arith.constant 0 : index
    %get3A_6 = arith.constant 0 : index
    %get3A_7 = vector.load %arg3[%get3A_5, %get3A_6] : memref<1x512xf32, #tpu.memory_space<vmem>>, vector<1x512xf32>
    %get3A_8 = arith.constant 0 : index
    %get3A_9 = arith.constant 0 : index
    %get3A_10 = vector.load %arg4[%get3A_8, %get3A_9] : memref<1x512xf32, #tpu.memory_space<vmem>>, vector<1x512xf32>
    %sub3A = vector.broadcast %get3A_1 : vector<1x512xi32> to vector<6144x512xi32>
    %sub3A_11 = arith.subi %iota3A, %sub3A : vector<6144x512xi32>
    %abs3A = math.absi %sub3A_11 : vector<6144x512xi32>
    %sub3A_12 = arith.constant 1 : i32
    %sub3A_13 = vector.broadcast %sub3A_12 : i32 to vector<6144x512xi32>
    %sub3A_14 = arith.subi %sub3A_13, %abs3A : vector<6144x512xi32>
    %jit3A = arith.constant 0 : i32
    %jit3A_15 = arith.constant 1 : i32
    %max3A = vector.broadcast %jit3A : i32 to vector<6144x512xi32>
    %max3A_16 = arith.maxsi %max3A, %sub3A_14 : vector<6144x512xi32>
    %min3A = vector.broadcast %jit3A_15 : i32 to vector<6144x512xi32>
    %min3A_17 = arith.minsi %min3A, %max3A_16 : vector<6144x512xi32>
    %convert_element_type3A = arith.sitofp %min3A_17 : vector<6144x512xi32> to vector<6144x512xf32>
    %sub3A_18 = vector.broadcast %get3A_4 : vector<1x512xi32> to vector<6144x512xi32>
    %sub3A_19 = arith.subi %iota3A, %sub3A_18 : vector<6144x512xi32>
    %abs3A_20 = math.absi %sub3A_19 : vector<6144x512xi32>
    %sub3A_21 = arith.constant 1 : i32
    %sub3A_22 = vector.broadcast %sub3A_21 : i32 to vector<6144x512xi32>
    %sub3A_23 = arith.subi %sub3A_22, %abs3A_20 : vector<6144x512xi32>
    %jit3A_24 = arith.constant 0 : i32
    %jit3A_25 = arith.constant 1 : i32
    %max3A_26 = vector.broadcast %jit3A_24 : i32 to vector<6144x512xi32>
    %max3A_27 = arith.maxsi %max3A_26, %sub3A_23 : vector<6144x512xi32>
    %min3A_28 = vector.broadcast %jit3A_25 : i32 to vector<6144x512xi32>
    %min3A_29 = arith.minsi %min3A_28, %max3A_27 : vector<6144x512xi32>
    %convert_element_type3A_30 = arith.sitofp %min3A_29 : vector<6144x512xi32> to vector<6144x512xf32>
    %mul3A = vector.broadcast %get3A_7 : vector<1x512xf32> to vector<6144x512xf32>
    %mul3A_31 = arith.mulf %convert_element_type3A, %mul3A : vector<6144x512xf32>
    %mul3A_32 = vector.broadcast %get3A_10 : vector<1x512xf32> to vector<6144x512xf32>
    %mul3A_33 = arith.mulf %convert_element_type3A_30, %mul3A_32 : vector<6144x512xf32>
    %add3A = arith.addf %mul3A_31, %mul3A_33 : vector<6144x512xf32>
    %convert_element_type3A_34 = arith.truncf %add3A : vector<6144x512xf32> to vector<6144x512xbf16>
    %get3A_35 = arith.constant 0 : index
    %get3A_36 = arith.constant 0 : index
    %get3A_37 = vector.load %arg5[%get3A_35, %get3A_36] : memref<6144x1024xbf16, #tpu.memory_space<vmem>>, vector<6144x1024xbf16>
    %dot_general3A = arith.constant dense<0.000000e+00> : vector<512x1024xf32>
    %dot_general3A_38 = tpu.matmul %convert_element_type3A_34, %get3A_37, %dot_general3A {dimension_numbers = #tpu.dot_dimension_numbers<[0], [0], [1], [1], [0, 1, 1, 1], [], []>, transpose_lhs_hint = false} : vector<6144x512xbf16>, vector<6144x1024xbf16>, vector<512x1024xf32> -> vector<512x1024xf32>
    %get3A_39 = arith.constant 0 : index
    %get3A_40 = arith.constant 0 : index
    %get3A_41 = vector.load %arg6[%get3A_39, %get3A_40] : memref<512x1024xf32, #tpu.memory_space<vmem>>, vector<512x1024xf32>
    %add3A_42 = arith.addf %dot_general3A_38, %get3A_41 : vector<512x1024xf32>
    %swap3A = arith.constant 0 : index
    %swap3A_43 = arith.constant 0 : index
    %swap3A_44 = vector.load %arg7[%swap3A, %swap3A_43] : memref<512x1024xf32, #tpu.memory_space<vmem>>, vector<512x1024xf32>
    tpu.vector_store %arg7[%swap3A, %swap3A_43], %add3A_42 {strides = array<i32>} : memref<512x1024xf32, #tpu.memory_space<vmem>>, vector<512x1024xf32>,
    return
  }
  func.func @transform_0(%arg0: i32) -> (i32, i32) {
    %c0_i32 = arith.constant 0 : i32
    %c0_i32_0 = arith.constant 0 : i32
    return %c0_i32, %arg0 : i32, i32
  }
  func.func @transform_1(%arg0: i32) -> (i32, i32) {
    %c0_i32 = arith.constant 0 : i32
    %c0_i32_0 = arith.constant 0 : i32
    return %c0_i32, %arg0 : i32, i32
  }
  func.func @transform_2(%arg0: i32) -> (i32, i32) {
    %c0_i32 = arith.constant 0 : i32
    %c0_i32_0 = arith.constant 0 : i32
    return %c0_i32, %arg0 : i32, i32
  }
  func.func @transform_3(%arg0: i32) -> (i32, i32) {
    %c0_i32 = arith.constant 0 : i32
    %c0_i32_0 = arith.constant 0 : i32
    return %c0_i32, %arg0 : i32, i32
  }
  func.func @transform_4(%arg0: i32) -> (i32, i32) {
    %c0_i32 = arith.constant 0 : i32
    %c0_i32_0 = arith.constant 0 : i32
    %c0_i32_1 = arith.constant 0 : i32
    return %c0_i32, %c0_i32_0 : i32, i32
  }
  func.func @transform_5(%arg0: i32) -> (i32, i32) {
    %c0_i32 = arith.constant 0 : i32
    %c0_i32_0 = arith.constant 0 : i32
    return %arg0, %c0_i32 : i32, i32
  }
  func.func @transform_6(%arg0: i32) -> (i32, i32) {
    %c0_i32 = arith.constant 0 : i32
    %c0_i32_0 = arith.constant 0 : i32
    return %arg0, %c0_i32 : i32, i32
  }
}

</mosaic_0001>

<sc_bundles>
// kernel: kernel.8.cloned.1.call-start
scs
__scs_entry_jumppad:
0x0: {  	(pc) =	sbr.rel $0x88, $3  }
0x1: {  	(tag) =	ssettag $0x0;
	lr =	simm.s32 $0x1  }
0x2: {  	[smem:$0x3F9B] =	sst lr;
	_ =	strace $0xD0000000  }
0x3: {  	_ = 	snop  }
0x4: {  	_ = 	snop  }
0x5: {  	_ = 	snop  }
0x6: {  	_ = 	snop  }
0x7: {  	_ = 	snop  }
__scs_overlays_trampoline_lowered:
0x8: {  	[smem:$0x3FAA] =	sst s0  }
0x9: {  	[smem:$0x3FAB] =	sst s1  }
0xa: {  	[smem:$0x3FAC] =	sst s2  }
0xb: {  	[smem:$0x3FAD] =	sst s3  }
0xc: {  	[smem:$0x3FAE] =	sst s4  }
0xd: {  	[smem:$0x3FAF] =	sst s5  }
0xe: {  	[smem:$0x3FB0] =	sst s6  }
0xf: {  	[smem:$0x3FB1] =	sst s7  }
0x10: {  	[smem:$0x3FB2] =	sst s8  }
0x11: {  	[smem:$0x3FB3] =	sst s9;
	s0 =	simm.s32 @!p0 $0x0  }
0x12: {  	s1 =	sld [smem:$0x3F99];
	s0 =	simm.s32 @p0 $0x1  }
0x13: {  	[smem:$0x3FB4] =	sst s0;
	s0 =	simm.s32 @!p1 $0x0  }
0x14: {  	s2 =	sld [smem:$0x3F98];
	s0 =	simm.s32 @p1 $0x1  }
0x15: {  	[smem:$0x3FB5] =	sst s0;
	s0 =	simm.s32 @!p2 $0x0  }
0x16: {  	s3 =	sld [smem:$0x3FDB];
	s0 =	simm.s32 @p2 $0x1  }
0x17: {  	s4 =	simm.s32 $0x1BF5;
	[smem:$0x3FB7] =	sst s0  }
0x18: {  	s0 =	sld [smem:$0x3F9A];
	_ =	swait.ge [sflag:s4], $0x0  }
0x19: {  	s7 =	sld [smem:$0x3F9B]  }
0x1a: {  	s8 =	sadd.s32 $0xFFFFE003, lr  }
0x1b: {  	s9 =	sadd.s32 $0xFFFFFEF7, lr;
	s5 =	simm.s32 $0xFFFFFFFF;
	p2 =	slt.u32 s8, $0xFFFFF086  }
0x1c: {  	p1 =	slt.u32 s9, $0xF7A;
	s5 =	simm.s32 @!p2 $0x0  }
0x1d: {  	s5 =	simm.s32 @p1 $0x1;
	p0 =	seq.s32 s7, s2  }
0x1e: {  	s7 =	smul.u32 @!p0 $0xF7A, s2;
	p2 =	seq.s32 @!p0 s5, $0x0  }
0x1f: {  	s9 =	smul.u32 $0xF7A, s1;
	s8 =	simm.s32 @!p0 $0x1BF5;
	p2 =	por !p2, p0  }
0x20: {  	[sflag:s8] =	ssyncset.s32 @!p0 $0xFFFFF086;
	s6 =	sadd.s32 @!p0 s3, s7;
	s7 =	simm.s32 @!p0 $0x108  }
0x21: {  	s3 =	sadd.s32 s3, s9;
	s6 =	sadd.s32 @!p0 $0x88, s6;
	s7 =	simm.s32 @p2 $0x1082  }
0x22: {  	[simem:s7], [sflag:s8] =	dma.local @!p0 [hbm:s6], $0xF7A  }
0x23: {  	s9 =	sor.u32 $0xD0000000, s2;
	s6 =	simm.s32 $0x108;
	_ =	swait.ge @!p0 [sflag:s8], $0x0  }
0x24: {  	s3 =	sadd.s32 $0x88, s3;
	s6 =	simm.s32 @!p1 $0x1082;
	[sflag:s4] =	ssyncset.s32 $0xFFFFF086  }
0x25: {  	[simem:s6], [sflag:s4] =	dma.local [hbm:s3], $0xF7A  }
0x26: {  	[smem:$0x3F9B] =	sst s1;
	(tag) =	ssettag s2;
	_ =	strace s9  }
0x27: {  	s1 =	sld [smem:$0x3FAB]  }
0x28: {  	s2 =	sld [smem:$0x3FAC]  }
0x29: {  	s4 =	sld [smem:$0x3FAE]  }
0x2a: {  	p0 =	seq.s32 s5, $0x0;
	s5 =	sld [smem:$0x3FAF]  }
0x2b: {  	s6 =	sld [smem:$0x3FB0]  }
0x2c: {  	s7 =	sld [smem:$0x3FB1]  }
0x2d: {  	s3 =	simm.s32 $0x108;
	s8 =	sld [smem:$0x3FB2]  }
0x2e: {  	s3 =	simm.s32 @!p0 $0x1082;
	s9 =	sld [smem:$0x3FB3]  }
0x2f: {  	lr =	sadd.s32 s0, s3;
	s0 =	sld [smem:$0x3FAA]  }
0x30: {  	s3 =	sld [smem:$0x3FAD]  }
0x31: {  	[smem:$0x3FB6] =	sst s10  }
0x32: {  	s10 =	sld [smem:$0x3FB4];
	_ =	sdelay $0x3  }
0x33: {  	p0 =	seq.s32 s10, $0x1;
	s10 =	sld [smem:$0x3FB6];
	_ =	sdelay $0x3  }
0x34: {  	[smem:$0x3FB6] =	sst s10  }
0x35: {  	s10 =	sld [smem:$0x3FB5];
	_ =	sdelay $0x3  }
0x36: {  	p1 =	seq.s32 s10, $0x1;
	s10 =	sld [smem:$0x3FB6];
	_ =	sdelay $0x3  }
0x37: {  	[smem:$0x3FB6] =	sst s10  }
0x38: {  	s10 =	sld [smem:$0x3FB7]  }
0x39: {  	_ = 	snop;
	(pc) =	sbr.ind lr, $3  }
0x3a: {  	_ = 	snop  }
0x3b: {  	_ = 	snop  }
0x3c: {  	p2 =	seq.s32 s10, $0x1;
	s10 =	sld [smem:$0x3FB6]  }
0x3d: {  	_ =	shalt  }
0x3e: {  	_ =	shalt  }
0x3f: {  	_ =	shalt  }
0x40: {  	_ =	shalt  }
0x41: {  	_ =	shalt  }
0x42: {  	_ =	shalt  }
0x43: {  	_ =	shalt  }
0x44: {  	_ =	shalt  }
0x45: {  	_ =	shalt  }
0x46: {  	_ =	shalt  }
0x47: {  	_ =	shalt  }
0x48: {  	_ =	shalt  }
0x49: {  	_ =	shalt  }
0x4a: {  	_ =	shalt  }
0x4b: {  	_ =	shalt  }
0x4c: {  	_ =	shalt  }
0x4d: {  	_ =	shalt  }
0x4e: {  	_ =	shalt  }
0x4f: {  	_ =	shalt  }
0x50: {  	_ =	shalt  }
0x51: {  	_ =	shalt  }
0x52: {  	_ =	shalt  }
0x53: {  	_ =	shalt  }
0x54: {  	_ =	shalt  }
0x55: {  	_ =	shalt  }
0x56: {  	_ =	shalt  }
0x57: {  	_ =	shalt  }
0x58: {  	_ =	shalt  }
0x59: {  	_ =	shalt  }
0x5a: {  	_ =	shalt  }
0x5b: {  	_ =	shalt  }
0x5c: {  	_ =	shalt  }
0x5d: {  	_ =	shalt  }
0x5e: {  	_ =	shalt  }
0x5f: {  	_ =	shalt  }
0x60: {  	_ =	shalt  }
0x61: {  	_ =	shalt  }
0x62: {  	_ =	shalt  }
0x63: {  	_ =	shalt  }
0x64: {  	_ =	shalt  }
0x65: {  	_ =	shalt  }
0x66: {  	_ =	shalt  }
0x67: {  	_ =	shalt  }
0x68: {  	_ =	shalt  }
0x69: {  	_ =	shalt  }
0x6a: {  	_ =	shalt  }
0x6b: {  	_ =	shalt  }
0x6c: {  	_ =	shalt  }
0x6d: {  	_ =	shalt  }
0x6e: {  	_ =	shalt  }
0x6f: {  	_ =	shalt  }
0x70: {  	_ =	shalt  }
0x71: {  	_ =	shalt  }
0x72: {  	_ =	shalt  }
0x73: {  	_ =	shalt  }
0x74: {  	_ =	shalt  }
0x75: {  	_ =	shalt  }
0x76: {  	_ =	shalt  }
0x77: {  	_ =	shalt  }
0x78: {  	_ =	shalt  }
0x79: {  	_ =	shalt  }
0x7a: {  	_ =	shalt  }
0x7b: {  	_ =	shalt  }
0x7c: {  	_ =	shalt  }
0x7d: {  	_ =	shalt  }
0x7e: {  	_ =	shalt  }
0x7f: {  	_ =	shalt  }
0x80: {  	_ =	shalt  }
0x81: {  	_ =	shalt  }
0x82: {  	_ =	shalt  }
0x83: {  	_ =	shalt  }
0x84: {  	_ =	shalt  }
0x85: {  	_ =	shalt  }
0x86: {  	_ =	shalt  }
0x87: {  	_ =	shalt  }
.Lfunc_end0:
.L_simem_size_0:
called_computation_lowered:
.L_overlay_start_0:
0x88: {  	s2 =	sld [smem:$0x3FD9]  }
0x89: {  	s3 =	sld [smem:$0x3FFE];
	_ =	sdelay $0x1  }
0x8a: {  	s1 =	srdreg.scid  }
0x8b: {  	s0 =	sand.u32 $0x1, s1  }
0x8c: {  	s17 =	sshll.u32 s0, $0xA;
	s2 =	sadd.s32 s3, s2  }
0x8d: {  	s2 =	sadd.s32 s2, s17  }
0x8e: {  	[smem:$0x3FC2] =	sst s2  }
0x8f: {  	_ = 	snop  }
0x90: {  	s2 =	sld [smem:$0x3FC9];
	(tm) =	ssettm $0x1  }
0x91: {  	s18 =	sld [smem:$0x3FFB];
	_ =	sdelay $0x3  }
0x92: {  	_ =	strace s18  }
0x93: {  	s3 =	sld [smem:$0x3FFC];
	_ =	sdelay $0x3  }
0x94: {  	_ =	strace s3  }
0x95: {  	s3 =	sld [smem:$0x3FFD];
	_ =	sdelay $0x3  }
0x96: {  	_ =	strace s3  }
0x97: {  	_ =	strace $0x8FFFFFFF  }
0x98: {  	s19 =	sld [smem:$0x3FDB];
	_ =	sdelay $0x1  }
0x99: {  	s4 =	simm.s32 $_scs_section_size  }
0x9a: {  	s5 =	simm.s32 $_size__tile_overlayer_lowered;
	s6 =	simm.s32 $_tile_overlayer_lowered  }
0x9b: {  	s22 =	simm.s32 $0x1BFF;
	s21 =	sshll.u32 s6, $0x1;
	s3 =	sadd.s32 s4, s19  }
0x9c: {  	s7 =	simm.s32 $0x0;
	s20 =	sshll.u32 s5, $0x1;
	s5 =	sadd.s32 s21, s3  }
0x9d: {  	[timem:s7], [sflag:s22] =	dma.local [hbm:s5], s20  }
0x9e: {  	_ =	swait.ge [sflag:s22], s20  }
0x9f: {  	s4 =	ssub.s32 $0x0, s20;
	[sflag:s22] =	ssyncset.done $0x0  }
0xa0: {  	[sflag:s22] =	ssyncadd.s32 s4;
	_ =	sdelay $0x1  }
0xa1: {  	s23 =	simm.s32 $0x1B8B  }
0xa2: {  	_ =	swait.ge [sflag:s23], $0x1  }
0xa3: {  	[sflag:s23] =	ssyncset.done $0x0  }
0xa4: {  	s25 =	simm.s32 $0x1B8E;
	s24 =	sld [smem:$0x3FFE];
	[sflag:s23] =	ssyncadd.s32 $0xFFFFFFFF  }
0xa5: {  	s26 =	simm.s32 $execute0_lowered;
	[smem:$0x3FD2] =	sst s25  }
0xa6: {  	s5 =	sshll.u32 s26, $0x1;
	_ =	strace $0x80000046;
	[dreg:$0x1] =	wrdreg $0xFFFFFFFF  }
0xa7: {  	s28 =	simm.s32 $_size_execute0_lowered;
	s3 =	sadd.s32 s3, s5;
	[dreg:$0x0] =	wrdreg $0x0  }
0xa8: {  	s5 =	sshll.u32 s28, $0x1;
	[dreg:$0x2] =	wrdreg s3  }
0xa9: {  	[dreg:$0x3] =	wrdreg s5  }
0xaa: {  	[dreg:$0x4] =	wrdreg $0xC0  }
0xab: {  	_ =	task [dreg:s7], $0x5FFFF  }
0xac: {  	[dreg:$0x1] =	wrdreg $0xFFFFFFFF  }
0xad: {  	[dreg:$0x0] =	wrdreg $0x60  }
0xae: {  	[dreg:$0x2] =	wrdreg s24  }
0xaf: {  	[dreg:$0x3] =	wrdreg s2  }
0xb0: {  	[dreg:$0x4] =	wrdreg $0x9  }
0xb1: {  	_ =	task.clear_ibuf [dreg:s7], $0x5FFFF;
	_ =	strace $0x90000046  }
0xb2: {  	s29 =	simm.s32 $0x9;
	_ =	strace $0x80000048  }
0xb3: {  	_ =	swait.ge [sflag:s29], $0x1  }
0xb4: {  	[sflag:s29] =	ssyncadd.s32 $0xFFFFFFFF  }
0xb5: {  	_ =	strace $0x90000048  }
0xb6: {  	_ =	sfence  }
0xb7: {  	s30 =	sld [smem:$0x0];
	_ =	sdelay $0x2  }
0xb8: {  	s31 =	sshll.u32 s1, $0xD;
	s1 =	sshrl.u32 s1, $0x2  }
0xb9: {  	s3 =	sand.u32 $0x4000, s31;
	s1 =	sadd.s32 s1, s30  }
0xba: {  	s0 =	sor.u32 s3, s0;
	s1 =	sshll.u32 s1, $0x11  }
0xbb: {  	s0 =	sor.u32 s1, s0  }
0xbc: {  	s0 =	sadd.s32 $0x8F2B, s0  }
0xbd: {  	[sflag:s0] =	ssyncadd.remote.s32 $0x1  }
0xbe: {  	_ =	sfence.sel $0xFFFF  }
0xbf: {  	[dreg:$0x0] =	wrdreg $0xFFFFFFFF;
	(pc) =	sbr.abs _section_cstart, $3  }
0xc0: {  	[dreg:$0x1] =	wrdreg $0xFFFFFFFF  }
0xc1: {  	_ =	task.clear_ibuf [dreg:s7], $0x2FFFF;
	_ =	strace $0x9FFFFFFF  }
0xc2: {  	(tm) =	ssettm $0x7FFFFFFF  }
0xc3: {  	_ =	shalt  }
tec
execute0_lowered:
.L_overlay_start_1:
0x0: {  	(tag) =	ssettag $0x1  }
0x1: {  	s0 =	rddreg [dreg:$0x0]  }
0x2: {  	s1 =	rddreg [dreg:$0x1]  }
0x3: {  	s5 =	simm.s32 $0x0;
	s3 =	srdreg.scid;
	s6 =	stileid.u32  }
0x4: {  	[smem:$0x7FF] =	sst s5;
	s4 =	sadd.s32 $0x3000, s0;
	s2 =	sand.u32 $0x1, s3  }
0x5: {  	s13 =	sshll.u32 s6, $0x1;
	s14 =	sadd.s32 $0x3800, s0;
	s15 =	sadd.s32 $0x4000, s0  }
0x6: {  	_ =	strace $0x80000047;
	[dreg:$0x3] =	wrdreg s4;
	s6 =	sor.u32 s2, s13  }
0x7: {  	[dreg:$0x4] =	wrdreg s14;
	s17 =	ssub.s32 $0x2, s2;
	s2 =	sshll.u32 s2, $0x6  }
0x8: {  	s16 =	sshll.u32 s6, $0x3;
	s8 =	sshll.u32 s6, $0x9;
	s6 =	sshll.u32 s6, $0xD  }
0x9: {  	[smem:$0x7EB] =	sst s15;
	s18 =	sor.u32 s2, s8;
	s1 =	sadd.s32 s1, s6  }
0xa: {  	s9 =	sshrl.u32 s17, $0x1;
	s12 =	sor.u32 $0x200, s18;
	[dreg:$0x9] =	wrdreg s1  }
0xb: {  	s20 =	sor.u32 $0x10, s2;
	s19 =	sor.u32 $0x280, s18;
	[dreg:$0xf] =	wrdreg s12  }
0xc: {  	s11 =	ssub.s32 s17, s9;
	s13 =	sor.u32 $0x300, s18;
	[dreg:$0x10] =	wrdreg s19  }
0xd: {  	s21 =	sor.u32 s20, s8;
	s9 =	sor.u32 $0x380, s18;
	[dreg:$0x11] =	wrdreg s13  }
0xe: {  	s22 =	sor.u32 $0x200, s21;
	[dreg:$0x12] =	wrdreg s9  }
0xf: {  	s23 =	sor.u32 $0x280, s21;
	[dreg:$0x13] =	wrdreg s22  }
0x10: {  	s24 =	sor.u32 $0x300, s21;
	[dreg:$0x14] =	wrdreg s23  }
0x11: {  	s7 =	sadd.s32 s16, s0;
	s25 =	sor.u32 $0x380, s21;
	[dreg:$0x15] =	wrdreg s24  }
0x12: {  	s3 =	sor.u32 $0x20, s2;
	s26 =	sadd.s32 $0xC4000, s7;
	[dreg:$0x16] =	wrdreg s25  }
0x13: {  	s15 =	sor.u32 s3, s8;
	s14 =	sadd.s32 $0xC4200, s7;
	[dreg:$0x5] =	wrdreg s26  }
0x14: {  	s17 =	sor.u32 $0x200, s15;
	[dreg:$0x6] =	wrdreg s14  }
0x15: {  	s16 =	sadd.s32 $0xC4400, s7;
	[dreg:$0x17] =	wrdreg s17  }
0x16: {  	s18 =	sor.u32 $0x280, s15;
	[dreg:$0x7] =	wrdreg s16  }
0x17: {  	s7 =	sadd.s32 $0xC4600, s7;
	[dreg:$0x18] =	wrdreg s18  }
0x18: {  	s10 =	sand.u32 $0x3C00, s8;
	s21 =	simm.s32 $0x4000;
	[dreg:$0x8] =	wrdreg s7  }
0x19: {  	s4 =	sor.u32 s2, s10;
	[dreg:$0xa] =	wrdreg s21  }
0x1a: {  	s19 =	sor.u32 $0x300, s15;
	[smem:$0x7F0] =	sst s4  }
0x1b: {  	s9 =	sor.u32 s20, s10;
	s20 =	sor.u32 $0x380, s15;
	[dreg:$0x19] =	wrdreg s19  }
0x1c: {  	s22 =	simm.s32 $0x18000;
	[dreg:$0x1a] =	wrdreg s20  }
0x1d: {  	s23 =	simm.s32 $0x18080;
	[dreg:$0xb] =	wrdreg s22  }
0x1e: {  	s24 =	simm.s32 $0x18100;
	[dreg:$0xc] =	wrdreg s23  }
0x1f: {  	s26 =	simm.s32 $0x18180;
	[dreg:$0xd] =	wrdreg s24  }
0x20: {  	s12 =	sadd.s32 $0x4100, s0;
	[dreg:$0xe] =	wrdreg s26  }
0x21: {  	s13 =	sadd.s32 $0x4200, s0;
	[smem:$0x7EC] =	sst s12  }
0x22: {  	s0 =	sadd.s32 $0x4300, s0;
	[smem:$0x7ED] =	sst s13  }
0x23: {  	s15 =	sor.u32 $0x80, s4;
	[smem:$0x7EE] =	sst s0  }
0x24: {  	s16 =	sor.u32 $0x100, s4;
	[dreg:$0x1f] =	wrdreg s15  }
0x25: {  	s17 =	sor.u32 $0x180, s4;
	[smem:$0x7EF] =	sst s16  }
0x26: {  	[smem:$0x7F1] =	sst s17  }
0x27: {  	s2 =	sor.u32 $0x30, s2;
	s14 =	sor.u32 s3, s10;
	[smem:$0x7F4] =	sst s9  }
0x28: {  	s7 =	sor.u32 s2, s10;
	s2 =	sor.u32 s2, s8;
	[smem:$0x7F8] =	sst s14  }
0x29: {  	s29 =	simm.s32 $0xB800;
	s25 =	sor.u32 $0x200, s2;
	[smem:$0x7FC] =	sst s7  }
0x2a: {  	s30 =	simm.s32 $0xC000;
	s3 =	sor.u32 $0x280, s2;
	[dreg:$0x1b] =	wrdreg s25  }
0x2b: {  	s31 =	simm.s32 $0xD000;
	s8 =	sor.u32 $0x300, s2;
	[dreg:$0x1c] =	wrdreg s3  }
0x2c: {  	s28 =	simm.s32 $0x14000;
	s10 =	sor.u32 $0x380, s2;
	[dreg:$0x1d] =	wrdreg s8  }
0x2d: {  	s6 =	simm.s32 $0xF000;
	s18 =	sor.u32 $0x80, s9;
	[dreg:$0x1e] =	wrdreg s10  }
0x2e: {  	s1 =	smax.u32 s11, $0x1;
	s19 =	sor.u32 $0x100, s9;
	[smem:$0x7F2] =	sst s18  }
0x2f: {  	s11 =	simm.s32 $0x11800;
	s20 =	sor.u32 $0x180, s9;
	[smem:$0x7F3] =	sst s19  }
0x30: {  	s21 =	sor.u32 $0x80, s14;
	s22 =	sor.u32 $0x100, s14;
	[smem:$0x7F5] =	sst s20  }
0x31: {  	s23 =	sor.u32 $0x180, s14;
	s24 =	sor.u32 $0x80, s7;
	[smem:$0x7F6] =	sst s21  }
0x32: {  	s26 =	sor.u32 $0x180, s7;
	s13 =	simm.s32 $0xE000;
	[smem:$0x7F7] =	sst s22  }
0x33: {  	s9 =	simm.s32 $0x11000;
	s12 =	simm.s32 $0x12000;
	[smem:$0x7F9] =	sst s23  }
0x34: {  	s14 =	simm.s32 $0x12800;
	s15 =	simm.s32 $0x13800;
	[smem:$0x7FA] =	sst s24  }
0x35: {  	s25 =	sor.u32 $0x100, s7;
	[smem:$0x7FD] =	sst s26;
	s18 =	simm.s32 $0x9000  }
0x36: {  	v2 =	vlaneseq.u32;
	s20 =	simm.s32 $0x9800;
	s21 =	simm.s32 $0xA000;
	s22 =	simm.s32 $0xA800  }
0x37: {  	vm0 =	vmmov $0xffff;
	v1 =	vshrl.u32 v2, $0x3;
	s23 =	simm.s32 $0xB000;
	s7 =	simm.s32 $0xF800;
	s8 =	simm.s32 $0x10000  }
0x38: {  	v0 =	vand.u32 $0x7, v2;
	v2 =	vor.u32 $0x8, v2;
	v1 =	vmul.u32 $0x8, v1;
	s10 =	simm.s32 $0x10800;
	s19 =	simm.s32 $0x13000;
	[smem:$0x7FB] =	sst s25  }
.LBB2_1:
0x39: {  	s16 =	rddreg [dreg:$0x3];
	s2 =	simm.s32 $0x2  }
0x3a: {  	[tilespmem:s5], [sflag:$0x2] =	stream.linear.gather [hbm4b:s16+s5], $0x4000, $0x38;
	[tilespmem:$0x18200] =	vst v63  }
0x3b: {  	_ =	swait.ge [sflag:s2], $0x4000  }
0x3c: {  	s4 =	rddreg [dreg:$0x4];
	[sflag:s2] =	ssyncset.done $0x0  }
0x3d: {  	s17 =	rddreg [dreg:$0xa];
	[sflag:s2] =	ssyncadd.s32 $0xFFFFC000  }
0x3e: {  	[tilespmem:s17], [sflag:$0x2] =	stream.linear.gather [hbm4b:s4+s5], $0x4000, $0x38;
	[tilespmem:$0x18200] =	vst v63  }
0x3f: {  	_ =	swait.ge [sflag:s2], $0x4000  }
0x40: {  	[sflag:s2] =	ssyncset.done $0x0  }
0x41: {  	s17 =	rddreg [dreg:$0x1f];
	[sflag:s2] =	ssyncadd.s32 $0xFFFFC000  }
0x42: {  	v6 =	vld [tilespmem:s17+$0x0]  }
0x43: {  	s26 =	rddreg [dreg:$0xf];
	v7 =	vld [tilespmem:s17+$0x4000]  }
0x44: {  	s4 =	sld [smem:$0x7F0];
	v60 =	vld [tilespmem:s26+$0x0]  }
0x45: {  	s0 =	rddreg [dreg:$0x10];
	v22 =	vld [tilespmem:s26+$0x4000]  }
0x46: {  	s24 =	sld [smem:$0x7EF];
	v25 =	vld [tilespmem:s0+$0x0]  }
0x47: {  	v3 =	vld [tilespmem:s4+$0x0]  }
0x48: {  	s25 =	sld [smem:$0x7F1];
	v4 =	vld [tilespmem:s4+$0x4000]  }
0x49: {  	v10 =	vld [tilespmem:s24+$0x0]  }
0x4a: {  	v14 =	vld [tilespmem:s24+$0x4000]  }
0x4b: {  	v51 =	vld [tilespmem:s25+$0x0];
	v8 =	vmul.f32 $1.000000020e+30, v6  }
0x4c: {  	v57 =	vld [tilespmem:s25+$0x4000];
	v7 =	vtrunc.f32 v7;
	v20 =	vmul.f32 $1.000000020e+30, v60  }
0x4d: {  	v28 =	vtrunc.f32 v22;
	v32 =	vmul.f32 $1.000000020e+30, v25  }
0x4e: {  	v5 =	vmul.f32 $1.000000020e+30, v3;
	v4 =	vtrunc.f32 v4  }
0x4f: {  	v7 =	vcvt.f32.s32 v7;
	v12 =	vmul.f32 $1.000000020e+30, v10  }
0x50: {  	v14 =	vtrunc.f32 v14;
	v55 =	vmul.f32 $1.000000020e+30, v51  }
0x51: {  	v61 =	vtrunc.f32 v57;
	v30 =	vcvt.f32.s32 v28  }
0x52: {  	v4 =	vcvt.f32.s32 v4;
	v52 =	vcvt.f32.s32 v14;
	v5 =	vmin.f32 v5, $1.000000000e+00  }
0x53: {  	v63 =	vcvt.f32.s32 v61;
	v12 =	vmin.f32 v12, $1.000000000e+00;
	v5 =	vtrunc.f32 v5  }
0x54: {  	v8 =	vmin.f32 v8, $1.000000000e+00;
	v12 =	vtrunc.f32 v12;
	v5 =	vcvt.f32.s32 v5  }
0x55: {  	v8 =	vtrunc.f32 v8;
	v4 =	vadd.s32 $0x1, v4;
	v48 =	vcvt.f32.s32 v12  }
0x56: {  	v12 =	vmin.f32 v20, $1.000000000e+00;
	v9 =	vcvt.s32.f32 v5;
	v4 =	vmul.u32 v5, v4  }
0x57: {  	v8 =	vcvt.f32.s32 v8;
	v24 =	vtrunc.f32 v12  }
0x58: {  	v45 =	vsub.f32 $1.000000000e+00, v9;
	v9 =	vmul.f32 v9, v3;
	vm1 =	vgt.s32 v4, $0x0  }
0x59: {  	s3 =	rddreg [dreg:$0x11];
	v4 =	vadd.s32 $0xFFFFFFFF, v4;
	v3 =	vmul.f32 $0.0e+00, v3;
	v11 =	vsel vm1, $0x0, v8  }
0x5a: {  	v38 =	vld [tilespmem:s3+$0x0];
	v8 =	vnsel vm1, $0x0, v8;
	v5 =	vmul.f32 $0.0e+00, v45;
	v46 =	vcvt.s32.f32 v11  }
0x5b: {  	v13 =	vmul.u32 v7, v11;
	v11 =	vsub.s32 $0x1, v11;
	v3 =	vadd.f32 $0.0e+00, v3  }
0x5c: {  	v49 =	vcvt.s32.f32 v8;
	v7 =	vmul.u32 v7, v8;
	v4 =	vmul.u32 v4, v11  }
0x5d: {  	v5 =	vadd.f32 v5, v9;
	v47 =	vsub.f32 $1.000000000e+00, v46;
	v9 =	vmul.f32 v46, v6  }
0x5e: {  	v15 =	vsub.f32 $1.000000000e+00, v49;
	v7 =	vadd.s32 v7, v8;
	v6 =	vmul.f32 v49, v6  }
0x5f: {  	v46 =	vmul.f32 $1.000000020e+30, v38;
	v4 =	vadd.s32 v13, v4;
	v7 =	vadd.s32 $0xFFFFFFFF, v7  }
0x60: {  	v5 =	vmul.f32 v47, v5;
	vm1 =	vlt.u32 v4, $0x7FFFFFFF;
	v3 =	vmul.f32 v15, v3  }
0x61: {  	v50 =	vsel vm1, $0x0, v48;
	v11 =	vnsel vm1, $0x0, v48;
	v48 =	vmin.f32 v46, $1.000000000e+00  }
0x62: {  	s4 =	rddreg [dreg:$0x12];
	v5 =	vadd.f32 v5, v9;
	v16 =	vcvt.s32.f32 v50;
	v14 =	vmul.u32 v52, v50  }
0x63: {  	v61 =	vld [tilespmem:s4+$0x4000];
	v9 =	vsub.s32 $0x1, v50;
	v3 =	vadd.f32 v3, v6;
	v56 =	vcvt.s32.f32 v11  }
0x64: {  	v58 =	vsub.s32 $0x1, v11;
	v8 =	vmul.u32 v52, v11;
	v4 =	vmul.u32 v4, v9  }
0x65: {  	v50 =	vld [tilespmem:s4+$0x0];
	v9 =	vmin.f32 v55, $1.000000000e+00;
	v7 =	vmul.u32 v7, v58;
	v53 =	vsub.f32 $1.000000000e+00, v16  }
0x66: {  	v54 =	vmul.f32 v16, v10;
	v59 =	vsub.f32 $1.000000000e+00, v56;
	v9 =	vtrunc.f32 v9  }
0x67: {  	v6 =	vmul.f32 v56, v10;
	v4 =	vadd.s32 v14, v4;
	v9 =	vcvt.f32.s32 v9  }
0x68: {  	v16 =	vtrunc.f32 v61;
	v5 =	vmul.f32 v53, v5;
	vm1 =	vlt.u32 v4, $0x7FFFFFFF  }
0x69: {  	v7 =	vadd.s32 v8, v7;
	v3 =	vmul.f32 v59, v3;
	v62 =	vsel vm1, $0x0, v9  }
0x6a: {  	v45 =	vld [tilespmem:s3+$0x4000];
	v9 =	vnsel vm1, $0x0, v9;
	v58 =	vmul.f32 $1.000000020e+30, v50;
	v5 =	vadd.f32 v5, v54  }
0x6b: {  	v3 =	vadd.f32 v3, v6;
	v18 =	vcvt.s32.f32 v62;
	v19 =	vsub.s32 $0x1, v62  }
0x6c: {  	v23 =	vcvt.s32.f32 v9;
	v6 =	vmul.u32 v63, v9;
	v9 =	vsub.s32 $0x1, v9  }
0x6d: {  	v10 =	vmul.u32 v63, v62;
	v4 =	vmul.u32 v4, v19;
	v7 =	vmul.u32 v7, v9  }
0x6e: {  	v21 =	vsub.f32 $1.000000000e+00, v18;
	v8 =	vmul.f32 v18, v51;
	v26 =	vmul.f32 v23, v51  }
0x6f: {  	v27 =	vsub.f32 $1.000000000e+00, v23;
	v51 =	vtrunc.f32 v45;
	v4 =	vadd.s32 v10, v4  }
0x70: {  	v10 =	vcvt.f32.s32 v24;
	v6 =	vadd.s32 v6, v7;
	v7 =	vmin.f32 v32, $1.000000000e+00  }
0x71: {  	v35 =	vld [tilespmem:s0+$0x4000];
	v52 =	vcvt.f32.s32 v51;
	v5 =	vmul.f32 v21, v5;
	vm1 =	vlt.u32 v4, $0x7FFFFFFF  }
0x72: {  	v3 =	vmul.f32 v27, v3;
	v7 =	vtrunc.f32 v7;
	v29 =	vsel vm1, $0x0, v10  }
0x73: {  	v36 =	vnsel vm1, $0x0, v10;
	v7 =	vcvt.f32.s32 v7;
	v5 =	vadd.f32 v5, v8  }
0x74: {  	v31 =	vcvt.s32.f32 v29;
	v33 =	vmul.u32 v30, v29;
	v14 =	vsub.s32 $0x1, v29  }
0x75: {  	v3 =	vadd.f32 v3, v26;
	v10 =	vcvt.s32.f32 v36;
	v8 =	vmul.u32 v30, v36  }
0x76: {  	v9 =	vsub.s32 $0x1, v36;
	v4 =	vmul.u32 v4, v14;
	v14 =	vtrunc.f32 v35  }
0x77: {  	v6 =	vmul.u32 v6, v9;
	v9 =	vtrunc.f32 v48;
	v34 =	vsub.f32 $1.000000000e+00, v31  }
0x78: {  	v13 =	vmul.f32 v31, v60;
	v39 =	vsub.f32 $1.000000000e+00, v10;
	v40 =	vmul.f32 v10, v60  }
0x79: {  	v41 =	vcvt.f32.s32 v14;
	v9 =	vcvt.f32.s32 v9;
	v4 =	vadd.s32 v33, v4  }
0x7a: {  	v6 =	vadd.s32 v8, v6;
	v5 =	vmul.f32 v34, v5;
	vm1 =	vlt.u32 v4, $0x7FFFFFFF  }
0x7b: {  	v3 =	vmul.f32 v39, v3;
	v37 =	vsel vm1, $0x0, v7;
	v7 =	vnsel vm1, $0x0, v7  }
0x7c: {  	v5 =	vadd.f32 v5, v13;
	v17 =	vcvt.s32.f32 v37;
	v43 =	vmul.u32 v41, v37  }
0x7d: {  	v12 =	vsub.s32 $0x1, v37;
	v3 =	vadd.f32 v3, v40;
	v47 =	vcvt.s32.f32 v7  }
0x7e: {  	v10 =	vmul.u32 v41, v7;
	v7 =	vsub.s32 $0x1, v7;
	v4 =	vmul.u32 v4, v12  }
0x7f: {  	v6 =	vmul.u32 v6, v7;
	v12 =	vmin.f32 v58, $1.000000000e+00;
	v42 =	vsub.f32 $1.000000000e+00, v17  }
0x80: {  	v44 =	vmul.f32 v17, v25;
	v49 =	vsub.f32 $1.000000000e+00, v47;
	v8 =	vmul.f32 v47, v25  }
0x81: {  	v63 =	vtrunc.f32 v12;
	v4 =	vadd.s32 v43, v4;
	v5 =	vmul.f32 v42, v5  }
0x82: {  	v6 =	vadd.s32 v10, v6;
	vm1 =	vlt.u32 v4, $0x7FFFFFFF;
	v3 =	vmul.f32 v49, v3  }
0x83: {  	v53 =	vsel vm1, $0x0, v9;
	v9 =	vnsel vm1, $0x0, v9;
	v5 =	vadd.f32 v5, v44  }
0x84: {  	v54 =	vcvt.s32.f32 v53;
	v55 =	vsub.s32 $0x1, v53;
	v3 =	vadd.f32 v3, v8  }
0x85: {  	v56 =	vmul.u32 v52, v53;
	v59 =	vcvt.s32.f32 v9;
	v62 =	vsub.s32 $0x1, v9  }
0x86: {  	v7 =	vmul.u32 v52, v9;
	v9 =	vcvt.f32.s32 v63;
	v4 =	vmul.u32 v4, v55  }
0x87: {  	v8 =	vcvt.f32.s32 v16;
	v6 =	vmul.u32 v6, v62;
	v57 =	vsub.f32 $1.000000000e+00, v54  }
0x88: {  	v60 =	vmul.f32 v54, v38;
	v12 =	vsub.f32 $1.000000000e+00, v59;
	v4 =	vadd.s32 v56, v4  }
0x89: {  	v15 =	vmul.f32 v59, v38;
	v5 =	vmul.f32 v57, v5;
	vm1 =	vlt.u32 v4, $0x7FFFFFFF  }
0x8a: {  	v6 =	vadd.s32 v7, v6;
	v3 =	vmul.f32 v12, v3;
	v17 =	vsel vm1, $0x0, v9  }
0x8b: {  	v9 =	vnsel vm1, $0x0, v9;
	v5 =	vadd.f32 v5, v60;
	v18 =	vcvt.s32.f32 v17  }
0x8c: {  	v3 =	vadd.f32 v3, v15;
	v19 =	vcvt.s32.f32 v9;
	v20 =	vsub.s32 $0x1, v17  }
0x8d: {  	v10 =	vmul.u32 v8, v17;
	v22 =	vsub.s32 $0x1, v9;
	v21 =	vsub.f32 $1.000000000e+00, v18  }
0x8e: {  	v8 =	vmul.u32 v8, v9;
	v4 =	vmul.u32 v4, v20;
	v23 =	vsub.f32 $1.000000000e+00, v19  }
0x8f: {  	v6 =	vmul.u32 v6, v22;
	v11 =	vmul.f32 v18, v50;
	v5 =	vmul.f32 v21, v5  }
0x90: {  	v7 =	vmul.f32 v19, v50;
	v4 =	vadd.s32 v10, v4;
	v3 =	vmul.f32 v23, v3  }
0x91: {  	v6 =	vadd.s32 v8, v6;
	[tilespmem:$0x18000] =	vst v4;
	v5 =	vadd.f32 v5, v11  }
0x92: {  	s0 =	sld [smem:$0x7F4];
	[tilespmem:$0x18080] =	vst v6;
	v3 =	vadd.f32 v3, v7  }
0x93: {  	[tilespmem:$0x18100] =	vst v5  }
0x94: {  	s17 =	sld [smem:$0x7F2];
	[tilespmem:$0x18180] =	vst v3  }
0x95: {  	v3 =	vld [tilespmem:s0+$0x0]  }
0x96: {  	s24 =	sld [smem:$0x7F3];
	v4 =	vld [tilespmem:s0+$0x4000]  }
0x97: {  	v6 =	vld [tilespmem:s17+$0x0]  }
0x98: {  	s25 =	sld [smem:$0x7F5];
	v25 =	vld [tilespmem:s17+$0x4000]  }
0x99: {  	v28 =	vld [tilespmem:s24+$0x0]  }
0x9a: {  	v35 =	vld [tilespmem:s24+$0x4000]  }
0x9b: {  	v39 =	vld [tilespmem:s25+$0x0]  }
0x9c: {  	s26 =	rddreg [dreg:$0x13];
	v47 =	vld [tilespmem:s25+$0x4000]  }
0x9d: {  	v50 =	vld [tilespmem:s26+$0x0]  }
0x9e: {  	v58 =	vld [tilespmem:s26+$0x4000];
	v24 =	vmul.f32 $1.000000020e+30, v3  }
0x9f: {  	v4 =	vtrunc.f32 v4;
	v26 =	vmul.f32 $1.000000020e+30, v6  }
0xa0: {  	s0 =	rddreg [dreg:$0x14];
	v7 =	vtrunc.f32 v25;
	v32 =	vmul.f32 $1.000000020e+30, v28  }
0xa1: {  	v61 =	vld [tilespmem:s0+$0x0];
	v14 =	vtrunc.f32 v35;
	v45 =	vmul.f32 $1.000000020e+30, v39  }
0xa2: {  	v51 =	vtrunc.f32 v47;
	v56 =	vmul.f32 $1.000000020e+30, v50  }
0xa3: {  	v17 =	vtrunc.f32 v58;
	v4 =	vcvt.f32.s32 v4  }
0xa4: {  	v7 =	vcvt.f32.s32 v7;
	v42 =	vcvt.f32.s32 v14  }
0xa5: {  	s4 =	rddreg [dreg:$0x16];
	v53 =	vcvt.f32.s32 v51;
	v19 =	vcvt.f32.s32 v17;
	v5 =	vmin.f32 v24, $1.000000000e+00  }
0xa6: {  	v21 =	vmul.f32 $1.000000020e+30, v61;
	v51 =	vld [tilespmem:s4+$0x4000];
	v5 =	vtrunc.f32 v5  }
0xa7: {  	v8 =	vmin.f32 v26, $1.000000000e+00;
	v12 =	vmin.f32 v32, $1.000000000e+00;
	v5 =	vcvt.f32.s32 v5  }
0xa8: {  	v4 =	vadd.s32 $0x1, v4;
	v8 =	vtrunc.f32 v8;
	v12 =	vtrunc.f32 v12  }
0xa9: {  	v36 =	vcvt.f32.s32 v12;
	v12 =	vmin.f32 v56, $1.000000000e+00;
	v27 =	vcvt.s32.f32 v5  }
0xaa: {  	v8 =	vcvt.f32.s32 v8;
	v60 =	vtrunc.f32 v12;
	v4 =	vmul.u32 v5, v4  }
0xab: {  	v56 =	vtrunc.f32 v51;
	v29 =	vsub.f32 $1.000000000e+00, v27;
	v9 =	vmul.f32 v27, v3  }
0xac: {  	vm1 =	vgt.s32 v4, $0x0;
	v4 =	vadd.s32 $0xFFFFFFFF, v4;
	v3 =	vmul.f32 $0.0e+00, v3  }
0xad: {  	v30 =	vsel vm1, $0x0, v8;
	v8 =	vnsel vm1, $0x0, v8;
	v5 =	vmul.f32 $0.0e+00, v29  }
0xae: {  	s3 =	rddreg [dreg:$0x15];
	v31 =	vcvt.s32.f32 v30;
	v33 =	vmul.u32 v7, v30;
	v11 =	vsub.s32 $0x1, v30  }
0xaf: {  	v27 =	vld [tilespmem:s3+$0x0];
	v3 =	vadd.f32 $0.0e+00, v3;
	v37 =	vcvt.s32.f32 v8;
	v7 =	vmul.u32 v7, v8  }
0xb0: {  	v4 =	vmul.u32 v4, v11;
	v5 =	vadd.f32 v5, v9;
	v34 =	vsub.f32 $1.000000000e+00, v31  }
0xb1: {  	v9 =	vmul.f32 v31, v6;
	v40 =	vsub.f32 $1.000000000e+00, v37;
	v7 =	vadd.s32 v7, v8  }
0xb2: {  	v6 =	vmul.f32 v37, v6;
	v4 =	vadd.s32 v33, v4;
	v7 =	vadd.s32 $0xFFFFFFFF, v7  }
0xb3: {  	v5 =	vmul.f32 v34, v5;
	vm1 =	vlt.u32 v4, $0x7FFFFFFF;
	v3 =	vmul.f32 v40, v3  }
0xb4: {  	v38 =	vsel vm1, $0x0, v36;
	v11 =	vnsel vm1, $0x0, v36;
	v36 =	vmul.f32 $1.000000020e+30, v27  }
0xb5: {  	v35 =	vld [tilespmem:s3+$0x4000];
	v5 =	vadd.f32 v5, v9;
	v41 =	vcvt.s32.f32 v38;
	v14 =	vmul.u32 v42, v38  }
0xb6: {  	v9 =	vsub.s32 $0x1, v38;
	v3 =	vadd.f32 v3, v6;
	v46 =	vcvt.s32.f32 v11  }
0xb7: {  	v48 =	vsub.s32 $0x1, v11;
	v8 =	vmul.u32 v42, v11;
	v4 =	vmul.u32 v4, v9  }
0xb8: {  	v40 =	vld [tilespmem:s4+$0x0];
	v9 =	vmin.f32 v45, $1.000000000e+00;
	v7 =	vmul.u32 v7, v48;
	v38 =	vmin.f32 v36, $1.000000000e+00  }
0xb9: {  	v43 =	vsub.f32 $1.000000000e+00, v41;
	v44 =	vmul.f32 v41, v28;
	v9 =	vtrunc.f32 v9  }
0xba: {  	v49 =	vsub.f32 $1.000000000e+00, v46;
	v6 =	vmul.f32 v46, v28;
	v41 =	vtrunc.f32 v35  }
0xbb: {  	v4 =	vadd.s32 v14, v4;
	v9 =	vcvt.f32.s32 v9;
	v7 =	vadd.s32 v8, v7  }
0xbc: {  	v5 =	vmul.f32 v43, v5;
	v3 =	vmul.f32 v49, v3;
	vm1 =	vlt.u32 v4, $0x7FFFFFFF  }
0xbd: {  	v42 =	vcvt.f32.s32 v41;
	v48 =	vmul.f32 $1.000000020e+30, v40;
	v52 =	vsel vm1, $0x0, v9  }
0xbe: {  	v9 =	vnsel vm1, $0x0, v9;
	v5 =	vadd.f32 v5, v44;
	v3 =	vadd.f32 v3, v6  }
0xbf: {  	v54 =	vcvt.s32.f32 v52;
	v55 =	vsub.s32 $0x1, v52;
	v10 =	vmul.u32 v53, v52  }
0xc0: {  	v59 =	vcvt.s32.f32 v9;
	v6 =	vmul.u32 v53, v9;
	v9 =	vsub.s32 $0x1, v9  }
0xc1: {  	v4 =	vmul.u32 v4, v55;
	v7 =	vmul.u32 v7, v9;
	v57 =	vsub.f32 $1.000000000e+00, v54  }
0xc2: {  	v8 =	vmul.f32 v54, v39;
	v62 =	vmul.f32 v59, v39;
	v63 =	vsub.f32 $1.000000000e+00, v59  }
0xc3: {  	v4 =	vadd.s32 v10, v4;
	v10 =	vcvt.f32.s32 v60;
	v6 =	vadd.s32 v6, v7  }
0xc4: {  	v24 =	vld [tilespmem:s0+$0x4000];
	v7 =	vmin.f32 v21, $1.000000000e+00;
	v5 =	vmul.f32 v57, v5;
	vm1 =	vlt.u32 v4, $0x7FFFFFFF  }
0xc5: {  	v3 =	vmul.f32 v63, v3;
	v7 =	vtrunc.f32 v7;
	v18 =	vsel vm1, $0x0, v10  }
0xc6: {  	v25 =	vnsel vm1, $0x0, v10;
	v7 =	vcvt.f32.s32 v7;
	v5 =	vadd.f32 v5, v8  }
0xc7: {  	v20 =	vcvt.s32.f32 v18;
	v22 =	vmul.u32 v19, v18;
	v14 =	vsub.s32 $0x1, v18  }
0xc8: {  	v3 =	vadd.f32 v3, v62;
	v10 =	vcvt.s32.f32 v25;
	v8 =	vmul.u32 v19, v25  }
0xc9: {  	v9 =	vsub.s32 $0x1, v25;
	v4 =	vmul.u32 v4, v14;
	v14 =	vtrunc.f32 v24  }
0xca: {  	v6 =	vmul.u32 v6, v9;
	v9 =	vtrunc.f32 v38;
	v23 =	vsub.f32 $1.000000000e+00, v20  }
0xcb: {  	v13 =	vmul.f32 v20, v50;
	v28 =	vsub.f32 $1.000000000e+00, v10;
	v30 =	vmul.f32 v10, v50  }
0xcc: {  	v31 =	vcvt.f32.s32 v14;
	v9 =	vcvt.f32.s32 v9;
	v4 =	vadd.s32 v22, v4  }
0xcd: {  	v6 =	vadd.s32 v8, v6;
	v5 =	vmul.f32 v23, v5;
	vm1 =	vlt.u32 v4, $0x7FFFFFFF  }
0xce: {  	v3 =	vmul.f32 v28, v3;
	v26 =	vsel vm1, $0x0, v7;
	v7 =	vnsel vm1, $0x0, v7  }
0xcf: {  	v5 =	vadd.f32 v5, v13;
	v29 =	vcvt.s32.f32 v26;
	v33 =	vmul.u32 v31, v26  }
0xd0: {  	v12 =	vsub.s32 $0x1, v26;
	v3 =	vadd.f32 v3, v30;
	v37 =	vcvt.s32.f32 v7  }
0xd1: {  	v10 =	vmul.u32 v31, v7;
	v7 =	vsub.s32 $0x1, v7;
	v4 =	vmul.u32 v4, v12  }
0xd2: {  	v6 =	vmul.u32 v6, v7;
	v12 =	vmin.f32 v48, $1.000000000e+00;
	v32 =	vsub.f32 $1.000000000e+00, v29  }
0xd3: {  	v34 =	vmul.f32 v29, v61;
	v39 =	vsub.f32 $1.000000000e+00, v37;
	v8 =	vmul.f32 v37, v61  }
0xd4: {  	v53 =	vtrunc.f32 v12;
	v4 =	vadd.s32 v33, v4;
	v5 =	vmul.f32 v32, v5  }
0xd5: {  	v6 =	vadd.s32 v10, v6;
	vm1 =	vlt.u32 v4, $0x7FFFFFFF;
	v3 =	vmul.f32 v39, v3  }
0xd6: {  	v43 =	vsel vm1, $0x0, v9;
	v9 =	vnsel vm1, $0x0, v9;
	v5 =	vadd.f32 v5, v34  }
0xd7: {  	v44 =	vcvt.s32.f32 v43;
	v45 =	vsub.s32 $0x1, v43;
	v3 =	vadd.f32 v3, v8  }
0xd8: {  	v46 =	vmul.u32 v42, v43;
	v49 =	vcvt.s32.f32 v9;
	v52 =	vsub.s32 $0x1, v9  }
0xd9: {  	v7 =	vmul.u32 v42, v9;
	v9 =	vcvt.f32.s32 v53;
	v4 =	vmul.u32 v4, v45  }
0xda: {  	v8 =	vcvt.f32.s32 v56;
	v6 =	vmul.u32 v6, v52;
	v47 =	vsub.f32 $1.000000000e+00, v44  }
0xdb: {  	v50 =	vmul.f32 v44, v27;
	v54 =	vsub.f32 $1.000000000e+00, v49;
	v4 =	vadd.s32 v46, v4  }
0xdc: {  	v55 =	vmul.f32 v49, v27;
	v5 =	vmul.f32 v47, v5;
	vm1 =	vlt.u32 v4, $0x7FFFFFFF  }
0xdd: {  	v6 =	vadd.s32 v7, v6;
	v3 =	vmul.f32 v54, v3;
	v57 =	vsel vm1, $0x0, v9  }
0xde: {  	v9 =	vnsel vm1, $0x0, v9;
	v5 =	vadd.f32 v5, v50;
	v58 =	vcvt.s32.f32 v57  }
0xdf: {  	v3 =	vadd.f32 v3, v55;
	v59 =	vcvt.s32.f32 v9;
	v60 =	vsub.s32 $0x1, v57  }
0xe0: {  	v10 =	vmul.u32 v8, v57;
	v62 =	vsub.s32 $0x1, v9;
	v61 =	vsub.f32 $1.000000000e+00, v58  }
0xe1: {  	v8 =	vmul.u32 v8, v9;
	v4 =	vmul.u32 v4, v60;
	v63 =	vsub.f32 $1.000000000e+00, v59  }
0xe2: {  	v6 =	vmul.u32 v6, v62;
	v11 =	vmul.f32 v58, v40;
	v5 =	vmul.f32 v61, v5  }
0xe3: {  	v7 =	vmul.f32 v59, v40;
	v4 =	vadd.s32 v10, v4;
	v3 =	vmul.f32 v63, v3  }
0xe4: {  	v6 =	vadd.s32 v8, v6;
	[tilespmem:$0x18010] =	vst v4;
	v5 =	vadd.f32 v5, v11  }
0xe5: {  	s17 =	sld [smem:$0x7F8];
	[tilespmem:$0x18090] =	vst v6;
	v3 =	vadd.f32 v3, v7  }
0xe6: {  	[tilespmem:$0x18110] =	vst v5  }
0xe7: {  	s24 =	sld [smem:$0x7F6];
	[tilespmem:$0x18190] =	vst v3  }
0xe8: {  	v3 =	vld [tilespmem:s17+$0x0]  }
0xe9: {  	s25 =	sld [smem:$0x7F7];
	v4 =	vld [tilespmem:s17+$0x4000]  }
0xea: {  	v6 =	vld [tilespmem:s24+$0x0]  }
0xeb: {  	s26 =	sld [smem:$0x7F9];
	v19 =	vld [tilespmem:s24+$0x4000]  }
0xec: {  	v22 =	vld [tilespmem:s25+$0x0]  }
0xed: {  	v29 =	vld [tilespmem:s25+$0x4000]  }
0xee: {  	v33 =	vld [tilespmem:s26+$0x0]  }
0xef: {  	s0 =	rddreg [dreg:$0x17];
	v41 =	vld [tilespmem:s26+$0x4000]  }
0xf0: {  	v44 =	vld [tilespmem:s0+$0x0]  }
0xf1: {  	s3 =	rddreg [dreg:$0x18];
	v52 =	vld [tilespmem:s0+$0x4000]  }
0xf2: {  	v55 =	vld [tilespmem:s3+$0x0];
	v18 =	vmul.f32 $1.000000020e+30, v3  }
0xf3: {  	v4 =	vtrunc.f32 v4;
	v20 =	vmul.f32 $1.000000020e+30, v6  }
0xf4: {  	v7 =	vtrunc.f32 v19;
	v26 =	vmul.f32 $1.000000020e+30, v22  }
0xf5: {  	v14 =	vtrunc.f32 v29;
	v39 =	vmul.f32 $1.000000020e+30, v33  }
0xf6: {  	v45 =	vtrunc.f32 v41;
	v50 =	vmul.f32 $1.000000020e+30, v44  }
0xf7: {  	v58 =	vtrunc.f32 v52;
	v62 =	vmul.f32 $1.000000020e+30, v55  }
0xf8: {  	v4 =	vcvt.f32.s32 v4;
	v7 =	vcvt.f32.s32 v7  }
0xf9: {  	v36 =	vcvt.f32.s32 v14;
	v47 =	vcvt.f32.s32 v45;
	v5 =	vmin.f32 v18, $1.000000000e+00  }
0xfa: {  	v60 =	vcvt.f32.s32 v58;
	v12 =	vmin.f32 v26, $1.000000000e+00;
	v5 =	vtrunc.f32 v5  }
0xfb: {  	v8 =	vmin.f32 v20, $1.000000000e+00;
	v12 =	vtrunc.f32 v12;
	v5 =	vcvt.f32.s32 v5  }
0xfc: {  	v4 =	vadd.s32 $0x1, v4;
	v8 =	vtrunc.f32 v8;
	v30 =	vcvt.f32.s32 v12  }
0xfd: {  	v12 =	vmin.f32 v50, $1.000000000e+00;
	v21 =	vcvt.s32.f32 v5;
	v4 =	vmul.u32 v5, v4  }
0xfe: {  	v8 =	vcvt.f32.s32 v8;
	v54 =	vtrunc.f32 v12  }
0xff: {  	v23 =	vsub.f32 $1.000000000e+00, v21;
	v9 =	vmul.f32 v21, v3;
	vm1 =	vgt.s32 v4, $0x0  }
0x100: {  	v4 =	vadd.s32 $0xFFFFFFFF, v4;
	v3 =	vmul.f32 $0.0e+00, v3;
	v24 =	vsel vm1, $0x0, v8  }
0x101: {  	v8 =	vnsel vm1, $0x0, v8;
	v5 =	vmul.f32 $0.0e+00, v23;
	v25 =	vcvt.s32.f32 v24  }
0x102: {  	v27 =	vmul.u32 v7, v24;
	v11 =	vsub.s32 $0x1, v24;
	v3 =	vadd.f32 $0.0e+00, v3  }
0x103: {  	v31 =	vcvt.s32.f32 v8;
	v7 =	vmul.u32 v7, v8;
	v4 =	vmul.u32 v4, v11  }
0x104: {  	v5 =	vadd.f32 v5, v9;
	v28 =	vsub.f32 $1.000000000e+00, v25;
	v9 =	vmul.f32 v25, v6  }
0x105: {  	v34 =	vsub.f32 $1.000000000e+00, v31;
	v7 =	vadd.s32 v7, v8;
	v4 =	vadd.s32 v27, v4  }
0x106: {  	v6 =	vmul.f32 v31, v6;
	v5 =	vmul.f32 v28, v5;
	vm1 =	vlt.u32 v4, $0x7FFFFFFF  }
0x107: {  	v7 =	vadd.s32 $0xFFFFFFFF, v7;
	v3 =	vmul.f32 v34, v3;
	v32 =	vsel vm1, $0x0, v30  }
0x108: {  	v11 =	vnsel vm1, $0x0, v30;
	v5 =	vadd.f32 v5, v9;
	v35 =	vcvt.s32.f32 v32  }
0x109: {  	s4 =	rddreg [dreg:$0x19];
	v14 =	vmul.u32 v36, v32;
	v9 =	vsub.s32 $0x1, v32;
	v3 =	vadd.f32 v3, v6  }
0x10a: {  	v30 =	vld [tilespmem:s4+$0x4000];
	v40 =	vcvt.s32.f32 v11;
	v42 =	vsub.s32 $0x1, v11;
	v8 =	vmul.u32 v36, v11  }
0x10b: {  	v4 =	vmul.u32 v4, v9;
	v9 =	vmin.f32 v39, $1.000000000e+00;
	v7 =	vmul.u32 v7, v42  }
0x10c: {  	v37 =	vsub.f32 $1.000000000e+00, v35;
	v38 =	vmul.f32 v35, v22;
	v43 =	vsub.f32 $1.000000000e+00, v40  }
0x10d: {  	v9 =	vtrunc.f32 v9;
	v6 =	vmul.f32 v40, v22;
	v4 =	vadd.s32 v14, v4  }
0x10e: {  	s17 =	rddreg [dreg:$0x1a];
	v22 =	vld [tilespmem:s4+$0x0];
	v9 =	vcvt.f32.s32 v9;
	v7 =	vadd.s32 v8, v7;
	v5 =	vmul.f32 v37, v5  }
0x10f: {  	v35 =	vld [tilespmem:s17+$0x0];
	v3 =	vmul.f32 v43, v3;
	vm1 =	vlt.u32 v4, $0x7FFFFFFF;
	v36 =	vtrunc.f32 v30  }
0x110: {  	v46 =	vsel vm1, $0x0, v9;
	v9 =	vnsel vm1, $0x0, v9;
	v37 =	vcvt.f32.s32 v36  }
0x111: {  	v5 =	vadd.f32 v5, v38;
	v3 =	vadd.f32 v3, v6;
	v48 =	vcvt.s32.f32 v46  }
0x112: {  	v49 =	vsub.s32 $0x1, v46;
	v10 =	vmul.u32 v47, v46;
	v53 =	vcvt.s32.f32 v9  }
0x113: {  	v6 =	vmul.u32 v47, v9;
	v9 =	vsub.s32 $0x1, v9;
	v4 =	vmul.u32 v4, v49  }
0x114: {  	v7 =	vmul.u32 v7, v9;
	v31 =	vmul.f32 $1.000000020e+30, v22;
	v43 =	vmul.f32 $1.000000020e+30, v35  }
0x115: {  	v46 =	vld [tilespmem:s17+$0x4000];
	v51 =	vsub.f32 $1.000000000e+00, v48;
	v8 =	vmul.f32 v48, v33;
	v56 =	vmul.f32 v53, v33  }
0x116: {  	v57 =	vsub.f32 $1.000000000e+00, v53;
	v4 =	vadd.s32 v10, v4;
	v10 =	vcvt.f32.s32 v54  }
0x117: {  	v6 =	vadd.s32 v6, v7;
	v7 =	vmin.f32 v62, $1.000000000e+00;
	v33 =	vmin.f32 v31, $1.000000000e+00  }
0x118: {  	v19 =	vld [tilespmem:s3+$0x4000];
	v5 =	vmul.f32 v51, v5;
	vm1 =	vlt.u32 v4, $0x7FFFFFFF;
	v3 =	vmul.f32 v57, v3  }
0x119: {  	v7 =	vtrunc.f32 v7;
	v59 =	vsel vm1, $0x0, v10;
	v20 =	vnsel vm1, $0x0, v10  }
0x11a: {  	v7 =	vcvt.f32.s32 v7;
	v51 =	vtrunc.f32 v46;
	v5 =	vadd.f32 v5, v8  }
0x11b: {  	v61 =	vcvt.s32.f32 v59;
	v63 =	vmul.u32 v60, v59;
	v14 =	vsub.s32 $0x1, v59  }
0x11c: {  	v3 =	vadd.f32 v3, v56;
	v10 =	vcvt.s32.f32 v20;
	v8 =	vmul.u32 v60, v20  }
0x11d: {  	v9 =	vsub.s32 $0x1, v20;
	v4 =	vmul.u32 v4, v14;
	v14 =	vtrunc.f32 v19  }
0x11e: {  	v6 =	vmul.u32 v6, v9;
	v9 =	vtrunc.f32 v33;
	v18 =	vsub.f32 $1.000000000e+00, v61  }
0x11f: {  	v13 =	vmul.f32 v61, v44;
	v23 =	vsub.f32 $1.000000000e+00, v10;
	v25 =	vmul.f32 v10, v44  }
0x120: {  	v26 =	vcvt.f32.s32 v14;
	v9 =	vcvt.f32.s32 v9;
	v4 =	vadd.s32 v63, v4  }
0x121: {  	v6 =	vadd.s32 v8, v6;
	v5 =	vmul.f32 v18, v5;
	vm1 =	vlt.u32 v4, $0x7FFFFFFF  }
0x122: {  	v3 =	vmul.f32 v23, v3;
	v21 =	vsel vm1, $0x0, v7;
	v7 =	vnsel vm1, $0x0, v7  }
0x123: {  	v5 =	vadd.f32 v5, v13;
	v24 =	vcvt.s32.f32 v21;
	v28 =	vmul.u32 v26, v21  }
0x124: {  	v12 =	vsub.s32 $0x1, v21;
	v3 =	vadd.f32 v3, v25;
	v32 =	vcvt.s32.f32 v7  }
0x125: {  	v10 =	vmul.u32 v26, v7;
	v7 =	vsub.s32 $0x1, v7;
	v4 =	vmul.u32 v4, v12  }
0x126: {  	v6 =	vmul.u32 v6, v7;
	v12 =	vmin.f32 v43, $1.000000000e+00;
	v27 =	vsub.f32 $1.000000000e+00, v24  }
0x127: {  	v29 =	vmul.f32 v24, v55;
	v34 =	vsub.f32 $1.000000000e+00, v32;
	v8 =	vmul.f32 v32, v55  }
0x128: {  	v48 =	vtrunc.f32 v12;
	v4 =	vadd.s32 v28, v4;
	v5 =	vmul.f32 v27, v5  }
0x129: {  	v6 =	vadd.s32 v10, v6;
	vm1 =	vlt.u32 v4, $0x7FFFFFFF;
	v3 =	vmul.f32 v34, v3  }
0x12a: {  	v38 =	vsel vm1, $0x0, v9;
	v9 =	vnsel vm1, $0x0, v9;
	v5 =	vadd.f32 v5, v29  }
0x12b: {  	v39 =	vcvt.s32.f32 v38;
	v40 =	vsub.s32 $0x1, v38;
	v3 =	vadd.f32 v3, v8  }
0x12c: {  	v41 =	vmul.u32 v37, v38;
	v44 =	vcvt.s32.f32 v9;
	v47 =	vsub.s32 $0x1, v9  }
0x12d: {  	v7 =	vmul.u32 v37, v9;
	v9 =	vcvt.f32.s32 v48;
	v4 =	vmul.u32 v4, v40  }
0x12e: {  	v8 =	vcvt.f32.s32 v51;
	v6 =	vmul.u32 v6, v47;
	v42 =	vsub.f32 $1.000000000e+00, v39  }
0x12f: {  	v45 =	vmul.f32 v39, v22;
	v49 =	vsub.f32 $1.000000000e+00, v44;
	v4 =	vadd.s32 v41, v4  }
0x130: {  	v50 =	vmul.f32 v44, v22;
	v5 =	vmul.f32 v42, v5;
	vm1 =	vlt.u32 v4, $0x7FFFFFFF  }
0x131: {  	v6 =	vadd.s32 v7, v6;
	v3 =	vmul.f32 v49, v3;
	v52 =	vsel vm1, $0x0, v9  }
0x132: {  	v9 =	vnsel vm1, $0x0, v9;
	v5 =	vadd.f32 v5, v45;
	v53 =	vcvt.s32.f32 v52  }
0x133: {  	v3 =	vadd.f32 v3, v50;
	v54 =	vcvt.s32.f32 v9;
	v55 =	vsub.s32 $0x1, v52  }
0x134: {  	v10 =	vmul.u32 v8, v52;
	v57 =	vsub.s32 $0x1, v9;
	v56 =	vsub.f32 $1.000000000e+00, v53  }
0x135: {  	v8 =	vmul.u32 v8, v9;
	v4 =	vmul.u32 v4, v55;
	v58 =	vsub.f32 $1.000000000e+00, v54  }
0x136: {  	v6 =	vmul.u32 v6, v57;
	v11 =	vmul.f32 v53, v35;
	v5 =	vmul.f32 v56, v5  }
0x137: {  	v7 =	vmul.f32 v54, v35;
	v4 =	vadd.s32 v10, v4;
	v3 =	vmul.f32 v58, v3  }
0x138: {  	v6 =	vadd.s32 v8, v6;
	[tilespmem:$0x18020] =	vst v4;
	v5 =	vadd.f32 v5, v11  }
0x139: {  	s24 =	sld [smem:$0x7FC];
	[tilespmem:$0x180A0] =	vst v6;
	v3 =	vadd.f32 v3, v7  }
0x13a: {  	[tilespmem:$0x18120] =	vst v5  }
0x13b: {  	s25 =	sld [smem:$0x7FA];
	[tilespmem:$0x181A0] =	vst v3  }
0x13c: {  	v3 =	vld [tilespmem:s24+$0x0]  }
0x13d: {  	s26 =	sld [smem:$0x7FB];
	v4 =	vld [tilespmem:s24+$0x4000]  }
0x13e: {  	v6 =	vld [tilespmem:s25+$0x0]  }
0x13f: {  	s3 =	sld [smem:$0x7FD];
	v60 =	vld [tilespmem:s25+$0x4000]  }
0x140: {  	v63 =	vld [tilespmem:s26+$0x0]  }
0x141: {  	v22 =	vld [tilespmem:s26+$0x4000]  }
0x142: {  	v26 =	vld [tilespmem:s3+$0x0]  }
0x143: {  	s4 =	rddreg [dreg:$0x1b];
	v34 =	vld [tilespmem:s3+$0x4000]  }
0x144: {  	v37 =	vld [tilespmem:s4+$0x0]  }
0x145: {  	s17 =	rddreg [dreg:$0x1c];
	v46 =	vld [tilespmem:s4+$0x4000]  }
0x146: {  	v50 =	vld [tilespmem:s17+$0x0];
	v59 =	vmul.f32 $1.000000020e+30, v3  }
0x147: {  	v4 =	vtrunc.f32 v4;
	v61 =	vmul.f32 $1.000000020e+30, v6  }
0x148: {  	v7 =	vtrunc.f32 v60;
	v19 =	vmul.f32 $1.000000020e+30, v63  }
0x149: {  	v14 =	vtrunc.f32 v22;
	v32 =	vmul.f32 $1.000000020e+30, v26  }
0x14a: {  	v38 =	vtrunc.f32 v34;
	v43 =	vmul.f32 $1.000000020e+30, v37  }
0x14b: {  	v53 =	vtrunc.f32 v46;
	v60 =	vmul.f32 $1.000000020e+30, v50  }
0x14c: {  	v4 =	vcvt.f32.s32 v4;
	v7 =	vcvt.f32.s32 v7  }
0x14d: {  	v29 =	vcvt.f32.s32 v14;
	v40 =	vcvt.f32.s32 v38;
	v5 =	vmin.f32 v59, $1.000000000e+00  }
0x14e: {  	v55 =	vcvt.f32.s32 v53;
	v12 =	vmin.f32 v19, $1.000000000e+00;
	v5 =	vtrunc.f32 v5  }
0x14f: {  	v8 =	vmin.f32 v61, $1.000000000e+00;
	v12 =	vtrunc.f32 v12;
	v5 =	vcvt.f32.s32 v5  }
0x150: {  	v4 =	vadd.s32 $0x1, v4;
	v8 =	vtrunc.f32 v8;
	v23 =	vcvt.f32.s32 v12  }
0x151: {  	v12 =	vmin.f32 v43, $1.000000000e+00;
	v62 =	vcvt.s32.f32 v5;
	v4 =	vmul.u32 v5, v4  }
0x152: {  	v8 =	vcvt.f32.s32 v8;
	v47 =	vtrunc.f32 v12  }
0x153: {  	v16 =	vsub.f32 $1.000000000e+00, v62;
	v9 =	vmul.f32 v62, v3;
	vm1 =	vgt.s32 v4, $0x0  }
0x154: {  	v4 =	vadd.s32 $0xFFFFFFFF, v4;
	v3 =	vmul.f32 $0.0e+00, v3;
	v62 =	vmin.f32 v60, $1.000000000e+00  }
0x155: {  	v17 =	vsel vm1, $0x0, v8;
	v8 =	vnsel vm1, $0x0, v8;
	v5 =	vmul.f32 $0.0e+00, v16  }
0x156: {  	v18 =	vcvt.s32.f32 v17;
	v20 =	vmul.u32 v7, v17;
	v11 =	vsub.s32 $0x1, v17  }
0x157: {  	v3 =	vadd.f32 $0.0e+00, v3;
	v24 =	vcvt.s32.f32 v8;
	v7 =	vmul.u32 v7, v8  }
0x158: {  	v4 =	vmul.u32 v4, v11;
	v5 =	vadd.f32 v5, v9;
	v21 =	vsub.f32 $1.000000000e+00, v18  }
0x159: {  	v9 =	vmul.f32 v18, v6;
	v27 =	vsub.f32 $1.000000000e+00, v24;
	v7 =	vadd.s32 v7, v8  }
0x15a: {  	v6 =	vmul.f32 v24, v6;
	v4 =	vadd.s32 v20, v4;
	v5 =	vmul.f32 v21, v5  }
0x15b: {  	v7 =	vadd.s32 $0xFFFFFFFF, v7;
	vm1 =	vlt.u32 v4, $0x7FFFFFFF;
	v3 =	vmul.f32 v27, v3  }
0x15c: {  	v25 =	vsel vm1, $0x0, v23;
	v11 =	vnsel vm1, $0x0, v23;
	v5 =	vadd.f32 v5, v9  }
0x15d: {  	v28 =	vcvt.s32.f32 v25;
	v14 =	vmul.u32 v29, v25;
	v9 =	vsub.s32 $0x1, v25  }
0x15e: {  	v3 =	vadd.f32 v3, v6;
	v33 =	vcvt.s32.f32 v11;
	v35 =	vsub.s32 $0x1, v11  }
0x15f: {  	v8 =	vmul.u32 v29, v11;
	v11 =	vtrunc.f32 v62;
	v4 =	vmul.u32 v4, v9  }
0x160: {  	v9 =	vmin.f32 v32, $1.000000000e+00;
	v7 =	vmul.u32 v7, v35;
	v30 =	vsub.f32 $1.000000000e+00, v28  }
0x161: {  	v31 =	vmul.f32 v28, v63;
	v36 =	vsub.f32 $1.000000000e+00, v33;
	v9 =	vtrunc.f32 v9  }
0x162: {  	s24 =	rddreg [dreg:$0x1d];
	v6 =	vmul.f32 v33, v63;
	v4 =	vadd.s32 v14, v4;
	v9 =	vcvt.f32.s32 v9  }
0x163: {  	v63 =	vld [tilespmem:s24+$0x0];
	v5 =	vmul.f32 v30, v5;
	v3 =	vmul.f32 v36, v3;
	vm1 =	vlt.u32 v4, $0x7FFFFFFF  }
0x164: {  	v18 =	vcvt.f32.s32 v11;
	v7 =	vadd.s32 v8, v7;
	v39 =	vsel vm1, $0x0, v9  }
0x165: {  	v9 =	vnsel vm1, $0x0, v9;
	v5 =	vadd.f32 v5, v31;
	v3 =	vadd.f32 v3, v6  }
0x166: {  	v41 =	vcvt.s32.f32 v39;
	v42 =	vsub.s32 $0x1, v39;
	v10 =	vmul.u32 v40, v39  }
0x167: {  	v45 =	vcvt.s32.f32 v9;
	v48 =	vsub.s32 $0x1, v9;
	v6 =	vmul.u32 v40, v9  }
0x168: {  	s25 =	rddreg [dreg:$0x1e];
	v59 =	vld [tilespmem:s17+$0x4000];
	v4 =	vmul.u32 v4, v42;
	v7 =	vmul.u32 v7, v48;
	v23 =	vmul.f32 $1.000000020e+30, v63  }
0x169: {  	v39 =	vld [tilespmem:s25+$0x4000];
	v44 =	vsub.f32 $1.000000000e+00, v41;
	v8 =	vmul.f32 v41, v26;
	v49 =	vsub.f32 $1.000000000e+00, v45  }
0x16a: {  	v51 =	vmul.f32 v45, v26;
	v4 =	vadd.s32 v10, v4;
	v10 =	vcvt.f32.s32 v47  }
0x16b: {  	v6 =	vadd.s32 v6, v7;
	v14 =	vmin.f32 v23, $1.000000000e+00;
	v5 =	vmul.f32 v44, v5  }
0x16c: {  	vm1 =	vlt.u32 v4, $0x7FFFFFFF;
	v3 =	vmul.f32 v49, v3;
	v28 =	vtrunc.f32 v14  }
0x16d: {  	v26 =	vld [tilespmem:s24+$0x4000];
	v52 =	vsel vm1, $0x0, v10;
	v56 =	vnsel vm1, $0x0, v10;
	v10 =	vtrunc.f32 v59  }
0x16e: {  	v30 =	vld [tilespmem:s25+$0x0];
	v47 =	vtrunc.f32 v39;
	v5 =	vadd.f32 v5, v8;
	v54 =	vcvt.s32.f32 v52  }
0x16f: {  	v3 =	vadd.f32 v3, v51;
	v57 =	vsub.s32 $0x1, v52;
	v12 =	vmul.u32 v55, v52  }
0x170: {  	v61 =	vsub.s32 $0x1, v56;
	v7 =	vmul.u32 v55, v56;
	v8 =	vcvt.s32.f32 v56  }
0x171: {  	v10 =	vcvt.f32.s32 v10;
	v4 =	vmul.u32 v4, v57;
	v6 =	vmul.u32 v6, v61  }
0x172: {  	v33 =	vtrunc.f32 v26;
	v58 =	vsub.f32 $1.000000000e+00, v54;
	v13 =	vmul.f32 v54, v37  }
0x173: {  	v19 =	vsub.f32 $1.000000000e+00, v8;
	v8 =	vmul.f32 v8, v37;
	v37 =	vmul.f32 $1.000000020e+30, v30  }
0x174: {  	v4 =	vadd.s32 v12, v4;
	v6 =	vadd.s32 v7, v6;
	v5 =	vmul.f32 v58, v5  }
0x175: {  	vm1 =	vlt.u32 v4, $0x7FFFFFFF;
	v3 =	vmul.f32 v19, v3;
	v40 =	vmin.f32 v37, $1.000000000e+00  }
0x176: {  	v20 =	vsel vm1, $0x0, v18;
	v7 =	vnsel vm1, $0x0, v18;
	v42 =	vtrunc.f32 v40  }
0x177: {  	v5 =	vadd.f32 v5, v13;
	v21 =	vcvt.s32.f32 v20;
	v22 =	vsub.s32 $0x1, v20  }
0x178: {  	v13 =	vmul.u32 v10, v20;
	v3 =	vadd.f32 v3, v8;
	v25 =	vcvt.s32.f32 v7  }
0x179: {  	v27 =	vmul.u32 v10, v7;
	v7 =	vsub.s32 $0x1, v7;
	v10 =	vcvt.f32.s32 v28  }
0x17a: {  	v4 =	vmul.u32 v4, v22;
	v6 =	vmul.u32 v6, v7;
	v24 =	vsub.f32 $1.000000000e+00, v21  }
0x17b: {  	v7 =	vcvt.f32.s32 v33;
	v29 =	vsub.f32 $1.000000000e+00, v25;
	v31 =	vmul.f32 v21, v50  }
0x17c: {  	v9 =	vmul.f32 v25, v50;
	v4 =	vadd.s32 v13, v4;
	v5 =	vmul.f32 v24, v5  }
0x17d: {  	v6 =	vadd.s32 v27, v6;
	vm1 =	vlt.u32 v4, $0x7FFFFFFF;
	v3 =	vmul.f32 v29, v3  }
0x17e: {  	v32 =	vsel vm1, $0x0, v10;
	v10 =	vnsel vm1, $0x0, v10;
	v5 =	vadd.f32 v5, v31  }
0x17f: {  	v34 =	vcvt.s32.f32 v32;
	v3 =	vadd.f32 v3, v9;
	v35 =	vsub.s32 $0x1, v32  }
0x180: {  	v11 =	vmul.u32 v7, v32;
	v41 =	vcvt.s32.f32 v10;
	v43 =	vsub.s32 $0x1, v10  }
0x181: {  	v7 =	vmul.u32 v7, v10;
	v4 =	vmul.u32 v4, v35;
	v6 =	vmul.u32 v6, v43  }
0x182: {  	v36 =	vsub.f32 $1.000000000e+00, v34;
	v38 =	vmul.f32 v34, v63;
	v44 =	vmul.f32 v41, v63  }
0x183: {  	v45 =	vsub.f32 $1.000000000e+00, v41;
	v4 =	vadd.s32 v11, v4;
	v11 =	vcvt.f32.s32 v42  }
0x184: {  	v6 =	vadd.s32 v7, v6;
	v5 =	vmul.f32 v36, v5;
	vm1 =	vlt.u32 v4, $0x7FFFFFFF  }
0x185: {  	v7 =	vcvt.f32.s32 v47;
	v3 =	vmul.f32 v45, v3;
	v46 =	vsel vm1, $0x0, v11  }
0x186: {  	v49 =	vnsel vm1, $0x0, v11;
	v5 =	vadd.f32 v5, v38;
	v48 =	vcvt.s32.f32 v46  }
0x187: {  	v11 =	vcvt.s32.f32 v49;
	v50 =	vsub.s32 $0x1, v46;
	v3 =	vadd.f32 v3, v44  }
0x188: {  	v52 =	vmul.u32 v7, v46;
	v53 =	vsub.s32 $0x1, v49;
	v51 =	vsub.f32 $1.000000000e+00, v48  }
0x189: {  	v7 =	vmul.u32 v7, v49;
	v4 =	vmul.u32 v4, v50;
	v54 =	vsub.f32 $1.000000000e+00, v11  }
0x18a: {  	v6 =	vmul.u32 v6, v53;
	v9 =	vmul.f32 v48, v30;
	v5 =	vmul.f32 v51, v5  }
0x18b: {  	v55 =	vmul.f32 v11, v30;
	v4 =	vadd.s32 v52, v4;
	v3 =	vmul.f32 v54, v3  }
0x18c: {  	v6 =	vadd.s32 v7, v6;
	[tilespmem:$0x18030] =	vst v4;
	v5 =	vadd.f32 v5, v9  }
0x18d: {  	[tilespmem:$0x180B0] =	vst v6;
	v3 =	vadd.f32 v3, v55  }
0x18e: {  	s0 =	rddreg [dreg:$0xb];
	[tilespmem:$0x18130] =	vst v5  }
0x18f: {  	s26 =	rddreg [dreg:$0x5];
	[tilespmem:$0x181B0] =	vst v3  }
0x190: {  	[hbm4b:s26+s5] =	stream.linear.scatter [tilespmem:s0], [sflag:$0x2], $0x40, $0x38;
	[tilespmem:$0x18200] =	vst v63  }
0x191: {  	_ =	swait.ge [sflag:s2], $0x40  }
0x192: {  	s3 =	rddreg [dreg:$0x6];
	[sflag:s2] =	ssyncset.done $0x0  }
0x193: {  	s4 =	rddreg [dreg:$0xc];
	[sflag:s2] =	ssyncadd.s32 $0xFFFFFFC0  }
0x194: {  	[hbm4b:s3+s5] =	stream.linear.scatter [tilespmem:s4], [sflag:$0x2], $0x40, $0x38;
	[tilespmem:$0x18200] =	vst v63  }
0x195: {  	_ =	swait.ge [sflag:s2], $0x40  }
0x196: {  	s17 =	rddreg [dreg:$0x7];
	[sflag:s2] =	ssyncset.done $0x0  }
0x197: {  	s24 =	rddreg [dreg:$0xd];
	[sflag:s2] =	ssyncadd.s32 $0xFFFFFFC0  }
0x198: {  	[hbm4b:s17+s5] =	stream.linear.scatter [tilespmem:s24], [sflag:$0x2], $0x40, $0x38;
	[tilespmem:$0x18200] =	vst v63  }
0x199: {  	_ =	swait.ge [sflag:s2], $0x40  }
0x19a: {  	s25 =	rddreg [dreg:$0x8];
	[sflag:s2] =	ssyncset.done $0x0  }
0x19b: {  	s26 =	rddreg [dreg:$0xe];
	[sflag:s2] =	ssyncadd.s32 $0xFFFFFFC0  }
0x19c: {  	[hbm4b:s25+s5] =	stream.linear.scatter [tilespmem:s26], [sflag:$0x2], $0x40, $0x38;
	[tilespmem:$0x18200] =	vst v63  }
0x19d: {  	_ =	swait.ge [sflag:s2], $0x40  }
0x19e: {  	[sflag:s2] =	ssyncset.done $0x0  }
0x19f: {  	s17 =	simm.s32 $0x8000;
	s0 =	rddreg [dreg:$0x9];
	[sflag:s2] =	ssyncadd.s32 $0xFFFFFFC0  }
0x1a0: {  	[tilespmem:s17], [sflag:$0x2] =	stream.linear.gather [hbm4b:s0+s5], $0x10000, $0x38;
	[tilespmem:$0x18200] =	vst v63  }
0x1a1: {  	_ =	swait.ge [sflag:s2], $0x10000  }
0x1a2: {  	[sflag:s2] =	ssyncset.done $0x0  }
0x1a3: {  	[sflag:s2] =	ssyncadd.s32 $0xFFFF0000  }
0x1a4: {  	v3 =	vld [tilespmem:$0x18000];
	_ =	sdelay $0x4  }
0x1a5: {  	v56 =	vshll.u32 v3, $0x3  }
0x1a6: {  	v3 =	vand.u32 $0x7, v3;
	v4 =	vand.u32 $0xFFFFFFC0, v56  }
0x1a7: {  	v3 =	vor.u32 v3, v4  }
0x1a8: {  	v4 =	vperm.xlane v3, v0;
	_ =	sdelay $0x1  }
0x1a9: {  	v4 =	vadd.s32 v1, v4;
	_ =	sdelay $0x1  }
0x1aa: {  	s24 =	sld [smem:$0x7EB];
	_ =	sdelay $0x1  }
0x1ab: {  	s25 =	sld [smem:$0x7EC]  }
0x1ac: {  	[hbm4b:s24+s5] =	stream.indirect_vreg.scatter [tilespmem:s17], [sflag:$0x1], $0x80, v4, vm0, $0xb8;
	[tilespmem:$0x18200] =	vst v63  }
0x1ad: {  	s16 =	simm.s32 $0x8800;
	s26 =	sld [smem:$0x7ED];
	v3 =	vperm.xlane v3, v2  }
0x1ae: {  	[hbm4b:s25+s5] =	stream.indirect_vreg.scatter [tilespmem:s16], [sflag:$0x1], $0x80, v4, vm0, $0xb8;
	[tilespmem:$0x18200] =	vst v63  }
0x1af: {  	s0 =	sld [smem:$0x7EE];
	v3 =	vadd.s32 v1, v3  }
0x1b0: {  	[hbm4b:s26+s5] =	stream.indirect_vreg.scatter [tilespmem:s18], [sflag:$0x1], $0x80, v4, vm0, $0xb8;
	[tilespmem:$0x18200] =	vst v63  }
0x1b1: {  	_ = 	snop  }
0x1b2: {  	[hbm4b:s0+s5] =	stream.indirect_vreg.scatter [tilespmem:s20], [sflag:$0x1], $0x80, v4, vm0, $0xb8;
	[tilespmem:$0x18200] =	vst v63  }
0x1b3: {  	_ = 	snop  }
0x1b4: {  	[hbm4b:s24+s5] =	stream.indirect_vreg.scatter [tilespmem:s21], [sflag:$0x1], $0x80, v3, vm0, $0xb8;
	[tilespmem:$0x18200] =	vst v63  }
0x1b5: {  	_ = 	snop  }
0x1b6: {  	[hbm4b:s25+s5] =	stream.indirect_vreg.scatter [tilespmem:s22], [sflag:$0x1], $0x80, v3, vm0, $0xb8;
	[tilespmem:$0x18200] =	vst v63  }
0x1b7: {  	_ = 	snop  }
0x1b8: {  	[hbm4b:s26+s5] =	stream.indirect_vreg.scatter [tilespmem:s23], [sflag:$0x1], $0x80, v3, vm0, $0xb8;
	[tilespmem:$0x18200] =	vst v63  }
0x1b9: {  	_ = 	snop  }
0x1ba: {  	[hbm4b:s0+s5] =	stream.indirect_vreg.scatter [tilespmem:s29], [sflag:$0x1], $0x80, v3, vm0, $0xb8;
	[tilespmem:$0x18200] =	vst v63  }
0x1bb: {  	v3 =	vld [tilespmem:$0x18010];
	_ =	sdelay $0x4  }
0x1bc: {  	v57 =	vshll.u32 v3, $0x3  }
0x1bd: {  	v3 =	vand.u32 $0x7, v3;
	v4 =	vand.u32 $0xFFFFFFC0, v57  }
0x1be: {  	v3 =	vor.u32 v3, v4  }
0x1bf: {  	v4 =	vperm.xlane v3, v0;
	_ =	sdelay $0x1  }
0x1c0: {  	v4 =	vadd.s32 v1, v4;
	_ =	sdelay $0x4  }
0x1c1: {  	[hbm4b:s24+s5] =	stream.indirect_vreg.scatter [tilespmem:s30], [sflag:$0x1], $0x80, v4, vm0, $0xb8;
	[tilespmem:$0x18200] =	vst v63  }
0x1c2: {  	s4 =	simm.s32 $0xC800;
	v3 =	vperm.xlane v3, v2  }
0x1c3: {  	[hbm4b:s25+s5] =	stream.indirect_vreg.scatter [tilespmem:s4], [sflag:$0x1], $0x80, v4, vm0, $0xb8;
	[tilespmem:$0x18200] =	vst v63  }
0x1c4: {  	v3 =	vadd.s32 v1, v3  }
0x1c5: {  	[hbm4b:s26+s5] =	stream.indirect_vreg.scatter [tilespmem:s31], [sflag:$0x1], $0x80, v4, vm0, $0xb8;
	[tilespmem:$0x18200] =	vst v63  }
0x1c6: {  	s3 =	simm.s32 $0xD800  }
0x1c7: {  	[hbm4b:s0+s5] =	stream.indirect_vreg.scatter [tilespmem:s3], [sflag:$0x1], $0x80, v4, vm0, $0xb8;
	[tilespmem:$0x18200] =	vst v63  }
0x1c8: {  	_ = 	snop  }
0x1c9: {  	[hbm4b:s24+s5] =	stream.indirect_vreg.scatter [tilespmem:s13], [sflag:$0x1], $0x80, v3, vm0, $0xb8;
	[tilespmem:$0x18200] =	vst v63  }
0x1ca: {  	s3 =	simm.s32 $0xE800  }
0x1cb: {  	[hbm4b:s25+s5] =	stream.indirect_vreg.scatter [tilespmem:s3], [sflag:$0x1], $0x80, v3, vm0, $0xb8;
	[tilespmem:$0x18200] =	vst v63  }
0x1cc: {  	_ = 	snop  }
0x1cd: {  	[hbm4b:s26+s5] =	stream.indirect_vreg.scatter [tilespmem:s6], [sflag:$0x1], $0x80, v3, vm0, $0xb8;
	[tilespmem:$0x18200] =	vst v63  }
0x1ce: {  	_ = 	snop  }
0x1cf: {  	[hbm4b:s0+s5] =	stream.indirect_vreg.scatter [tilespmem:s7], [sflag:$0x1], $0x80, v3, vm0, $0xb8;
	[tilespmem:$0x18200] =	vst v63  }
0x1d0: {  	v3 =	vld [tilespmem:$0x18020];
	_ =	sdelay $0x4  }
0x1d1: {  	v58 =	vshll.u32 v3, $0x3  }
0x1d2: {  	v3 =	vand.u32 $0x7, v3;
	v4 =	vand.u32 $0xFFFFFFC0, v58  }
0x1d3: {  	v3 =	vor.u32 v3, v4  }
0x1d4: {  	v4 =	vperm.xlane v3, v0;
	_ =	sdelay $0x1  }
0x1d5: {  	v4 =	vadd.s32 v1, v4;
	_ =	sdelay $0x4  }
0x1d6: {  	[hbm4b:s24+s5] =	stream.indirect_vreg.scatter [tilespmem:s8], [sflag:$0x1], $0x80, v4, vm0, $0xb8;
	[tilespmem:$0x18200] =	vst v63  }
0x1d7: {  	v3 =	vperm.xlane v3, v2  }
0x1d8: {  	[hbm4b:s25+s5] =	stream.indirect_vreg.scatter [tilespmem:s10], [sflag:$0x1], $0x80, v4, vm0, $0xb8;
	[tilespmem:$0x18200] =	vst v63  }
0x1d9: {  	v3 =	vadd.s32 v1, v3  }
0x1da: {  	[hbm4b:s26+s5] =	stream.indirect_vreg.scatter [tilespmem:s9], [sflag:$0x1], $0x80, v4, vm0, $0xb8;
	[tilespmem:$0x18200] =	vst v63  }
0x1db: {  	_ = 	snop  }
0x1dc: {  	[hbm4b:s0+s5] =	stream.indirect_vreg.scatter [tilespmem:s11], [sflag:$0x1], $0x80, v4, vm0, $0xb8;
	[tilespmem:$0x18200] =	vst v63  }
0x1dd: {  	_ = 	snop  }
0x1de: {  	[hbm4b:s24+s5] =	stream.indirect_vreg.scatter [tilespmem:s12], [sflag:$0x1], $0x80, v3, vm0, $0xb8;
	[tilespmem:$0x18200] =	vst v63  }
0x1df: {  	_ = 	snop  }
0x1e0: {  	[hbm4b:s25+s5] =	stream.indirect_vreg.scatter [tilespmem:s14], [sflag:$0x1], $0x80, v3, vm0, $0xb8;
	[tilespmem:$0x18200] =	vst v63  }
0x1e1: {  	_ = 	snop  }
0x1e2: {  	[hbm4b:s26+s5] =	stream.indirect_vreg.scatter [tilespmem:s19], [sflag:$0x1], $0x80, v3, vm0, $0xb8;
	[tilespmem:$0x18200] =	vst v63  }
0x1e3: {  	_ = 	snop  }
0x1e4: {  	[hbm4b:s0+s5] =	stream.indirect_vreg.scatter [tilespmem:s15], [sflag:$0x1], $0x80, v3, vm0, $0xb8;
	[tilespmem:$0x18200] =	vst v63  }
0x1e5: {  	v3 =	vld [tilespmem:$0x18030];
	_ =	sdelay $0x4  }
0x1e6: {  	v59 =	vshll.u32 v3, $0x3  }
0x1e7: {  	v3 =	vand.u32 $0x7, v3;
	v4 =	vand.u32 $0xFFFFFFC0, v59  }
0x1e8: {  	v3 =	vor.u32 v3, v4  }
0x1e9: {  	v4 =	vperm.xlane v3, v0;
	_ =	sdelay $0x1  }
0x1ea: {  	v4 =	vadd.s32 v1, v4;
	_ =	sdelay $0x4  }
0x1eb: {  	[hbm4b:s24+s5] =	stream.indirect_vreg.scatter [tilespmem:s28], [sflag:$0x1], $0x80, v4, vm0, $0xb8;
	[tilespmem:$0x18200] =	vst v63  }
0x1ec: {  	s3 =	simm.s32 $0x14800;
	v3 =	vperm.xlane v3, v2  }
0x1ed: {  	[hbm4b:s25+s5] =	stream.indirect_vreg.scatter [tilespmem:s3], [sflag:$0x1], $0x80, v4, vm0, $0xb8;
	[tilespmem:$0x18200] =	vst v63  }
0x1ee: {  	s2 =	simm.s32 $0x15000;
	v3 =	vadd.s32 v1, v3  }
0x1ef: {  	[hbm4b:s26+s5] =	stream.indirect_vreg.scatter [tilespmem:s2], [sflag:$0x1], $0x80, v4, vm0, $0xb8;
	[tilespmem:$0x18200] =	vst v63  }
0x1f0: {  	s2 =	simm.s32 $0x15800  }
0x1f1: {  	[hbm4b:s0+s5] =	stream.indirect_vreg.scatter [tilespmem:s2], [sflag:$0x1], $0x80, v4, vm0, $0xb8;
	[tilespmem:$0x18200] =	vst v63  }
0x1f2: {  	s2 =	simm.s32 $0x16000  }
0x1f3: {  	[hbm4b:s24+s5] =	stream.indirect_vreg.scatter [tilespmem:s2], [sflag:$0x1], $0x80, v3, vm0, $0xb8;
	[tilespmem:$0x18200] =	vst v63  }
0x1f4: {  	s2 =	simm.s32 $0x16800  }
0x1f5: {  	[hbm4b:s25+s5] =	stream.indirect_vreg.scatter [tilespmem:s2], [sflag:$0x1], $0x80, v3, vm0, $0xb8;
	[tilespmem:$0x18200] =	vst v63  }
0x1f6: {  	s2 =	simm.s32 $0x17000  }
0x1f7: {  	[hbm4b:s26+s5] =	stream.indirect_vreg.scatter [tilespmem:s2], [sflag:$0x1], $0x80, v3, vm0, $0xb8;
	[tilespmem:$0x18200] =	vst v63  }
0x1f8: {  	s2 =	simm.s32 $0x17800  }
0x1f9: {  	[hbm4b:s0+s5] =	stream.indirect_vreg.scatter [tilespmem:s2], [sflag:$0x1], $0x80, v3, vm0, $0xb8;
	[tilespmem:$0x18200] =	vst v63  }
0x1fa: {  	s2 =	simm.s32 $0x1  }
0x1fb: {  	_ =	swait.ge [sflag:s2], $0x10000  }
0x1fc: {  	[sflag:s2] =	ssyncset.done $0x0  }
0x1fd: {  	[sflag:s2] =	ssyncadd.s32 $0xFFFF0000  }
0x1fe: {  	v3 =	vld [tilespmem:$0x18080];
	_ =	sdelay $0x4  }
0x1ff: {  	v60 =	vshll.u32 v3, $0x3  }
0x200: {  	v3 =	vand.u32 $0x7, v3;
	v4 =	vand.u32 $0xFFFFFFC0, v60  }
0x201: {  	v3 =	vor.u32 v3, v4  }
0x202: {  	v4 =	vperm.xlane v3, v0;
	_ =	sdelay $0x1  }
0x203: {  	v4 =	vadd.s32 v1, v4;
	_ =	sdelay $0x4  }
0x204: {  	[hbm4b:s24+s5] =	stream.indirect_vreg.scatter [tilespmem:s17], [sflag:$0x1], $0x80, v4, vm0, $0xb8;
	[tilespmem:$0x18200] =	vst v63  }
0x205: {  	v3 =	vperm.xlane v3, v2  }
0x206: {  	[hbm4b:s25+s5] =	stream.indirect_vreg.scatter [tilespmem:s16], [sflag:$0x1], $0x80, v4, vm0, $0xb8;
	[tilespmem:$0x18200] =	vst v63  }
0x207: {  	v3 =	vadd.s32 v1, v3  }
0x208: {  	[hbm4b:s26+s5] =	stream.indirect_vreg.scatter [tilespmem:s18], [sflag:$0x1], $0x80, v4, vm0, $0xb8;
	[tilespmem:$0x18200] =	vst v63  }
0x209: {  	_ = 	snop  }
0x20a: {  	[hbm4b:s0+s5] =	stream.indirect_vreg.scatter [tilespmem:s20], [sflag:$0x1], $0x80, v4, vm0, $0xb8;
	[tilespmem:$0x18200] =	vst v63  }
0x20b: {  	_ = 	snop  }
0x20c: {  	[hbm4b:s24+s5] =	stream.indirect_vreg.scatter [tilespmem:s21], [sflag:$0x1], $0x80, v3, vm0, $0xb8;
	[tilespmem:$0x18200] =	vst v63  }
0x20d: {  	_ = 	snop  }
0x20e: {  	[hbm4b:s25+s5] =	stream.indirect_vreg.scatter [tilespmem:s22], [sflag:$0x1], $0x80, v3, vm0, $0xb8;
	[tilespmem:$0x18200] =	vst v63  }
0x20f: {  	_ = 	snop  }
0x210: {  	[hbm4b:s26+s5] =	stream.indirect_vreg.scatter [tilespmem:s23], [sflag:$0x1], $0x80, v3, vm0, $0xb8;
	[tilespmem:$0x18200] =	vst v63  }
0x211: {  	_ = 	snop  }
0x212: {  	[hbm4b:s0+s5] =	stream.indirect_vreg.scatter [tilespmem:s29], [sflag:$0x1], $0x80, v3, vm0, $0xb8;
	[tilespmem:$0x18200] =	vst v63  }
0x213: {  	v3 =	vld [tilespmem:$0x18090];
	_ =	sdelay $0x4  }
0x214: {  	v61 =	vshll.u32 v3, $0x3  }
0x215: {  	v3 =	vand.u32 $0x7, v3;
	v4 =	vand.u32 $0xFFFFFFC0, v61  }
0x216: {  	v3 =	vor.u32 v3, v4  }
0x217: {  	v4 =	vperm.xlane v3, v0;
	_ =	sdelay $0x1  }
0x218: {  	v4 =	vadd.s32 v1, v4;
	_ =	sdelay $0x4  }
0x219: {  	[hbm4b:s24+s5] =	stream.indirect_vreg.scatter [tilespmem:s30], [sflag:$0x1], $0x80, v4, vm0, $0xb8;
	[tilespmem:$0x18200] =	vst v63  }
0x21a: {  	v3 =	vperm.xlane v3, v2  }
0x21b: {  	[hbm4b:s25+s5] =	stream.indirect_vreg.scatter [tilespmem:s4], [sflag:$0x1], $0x80, v4, vm0, $0xb8;
	[tilespmem:$0x18200] =	vst v63  }
0x21c: {  	v3 =	vadd.s32 v1, v3  }
0x21d: {  	[hbm4b:s26+s5] =	stream.indirect_vreg.scatter [tilespmem:s31], [sflag:$0x1], $0x80, v4, vm0, $0xb8;
	[tilespmem:$0x18200] =	vst v63  }
0x21e: {  	s16 =	simm.s32 $0xD800  }
0x21f: {  	[hbm4b:s0+s5] =	stream.indirect_vreg.scatter [tilespmem:s16], [sflag:$0x1], $0x80, v4, vm0, $0xb8;
	[tilespmem:$0x18200] =	vst v63  }
0x220: {  	_ = 	snop  }
0x221: {  	[hbm4b:s24+s5] =	stream.indirect_vreg.scatter [tilespmem:s13], [sflag:$0x1], $0x80, v3, vm0, $0xb8;
	[tilespmem:$0x18200] =	vst v63  }
0x222: {  	s17 =	simm.s32 $0xE800  }
0x223: {  	[hbm4b:s25+s5] =	stream.indirect_vreg.scatter [tilespmem:s17], [sflag:$0x1], $0x80, v3, vm0, $0xb8;
	[tilespmem:$0x18200] =	vst v63  }
0x224: {  	_ = 	snop  }
0x225: {  	[hbm4b:s26+s5] =	stream.indirect_vreg.scatter [tilespmem:s6], [sflag:$0x1], $0x80, v3, vm0, $0xb8;
	[tilespmem:$0x18200] =	vst v63  }
0x226: {  	_ = 	snop  }
0x227: {  	[hbm4b:s0+s5] =	stream.indirect_vreg.scatter [tilespmem:s7], [sflag:$0x1], $0x80, v3, vm0, $0xb8;
	[tilespmem:$0x18200] =	vst v63  }
0x228: {  	v3 =	vld [tilespmem:$0x180A0];
	_ =	sdelay $0x4  }
0x229: {  	v62 =	vshll.u32 v3, $0x3  }
0x22a: {  	v3 =	vand.u32 $0x7, v3;
	v4 =	vand.u32 $0xFFFFFFC0, v62  }
0x22b: {  	v3 =	vor.u32 v3, v4  }
0x22c: {  	v4 =	vperm.xlane v3, v0;
	_ =	sdelay $0x1  }
0x22d: {  	v4 =	vadd.s32 v1, v4;
	_ =	sdelay $0x4  }
0x22e: {  	[hbm4b:s24+s5] =	stream.indirect_vreg.scatter [tilespmem:s8], [sflag:$0x1], $0x80, v4, vm0, $0xb8;
	[tilespmem:$0x18200] =	vst v63  }
0x22f: {  	v3 =	vperm.xlane v3, v2  }
0x230: {  	[hbm4b:s25+s5] =	stream.indirect_vreg.scatter [tilespmem:s10], [sflag:$0x1], $0x80, v4, vm0, $0xb8;
	[tilespmem:$0x18200] =	vst v63  }
0x231: {  	v3 =	vadd.s32 v1, v3  }
0x232: {  	[hbm4b:s26+s5] =	stream.indirect_vreg.scatter [tilespmem:s9], [sflag:$0x1], $0x80, v4, vm0, $0xb8;
	[tilespmem:$0x18200] =	vst v63  }
0x233: {  	_ = 	snop  }
0x234: {  	[hbm4b:s0+s5] =	stream.indirect_vreg.scatter [tilespmem:s11], [sflag:$0x1], $0x80, v4, vm0, $0xb8;
	[tilespmem:$0x18200] =	vst v63  }
0x235: {  	_ = 	snop  }
0x236: {  	[hbm4b:s24+s5] =	stream.indirect_vreg.scatter [tilespmem:s12], [sflag:$0x1], $0x80, v3, vm0, $0xb8;
	[tilespmem:$0x18200] =	vst v63  }
0x237: {  	_ = 	snop  }
0x238: {  	[hbm4b:s25+s5] =	stream.indirect_vreg.scatter [tilespmem:s14], [sflag:$0x1], $0x80, v3, vm0, $0xb8;
	[tilespmem:$0x18200] =	vst v63  }
0x239: {  	_ = 	snop  }
0x23a: {  	[hbm4b:s26+s5] =	stream.indirect_vreg.scatter [tilespmem:s19], [sflag:$0x1], $0x80, v3, vm0, $0xb8;
	[tilespmem:$0x18200] =	vst v63  }
0x23b: {  	_ = 	snop  }
0x23c: {  	[hbm4b:s0+s5] =	stream.indirect_vreg.scatter [tilespmem:s15], [sflag:$0x1], $0x80, v3, vm0, $0xb8;
	[tilespmem:$0x18200] =	vst v63  }
0x23d: {  	v3 =	vld [tilespmem:$0x180B0];
	_ =	sdelay $0x4  }
0x23e: {  	v63 =	vshll.u32 v3, $0x3  }
0x23f: {  	v3 =	vand.u32 $0x7, v3;
	v4 =	vand.u32 $0xFFFFFFC0, v63  }
0x240: {  	v3 =	vor.u32 v3, v4  }
0x241: {  	v4 =	vperm.xlane v3, v0;
	_ =	sdelay $0x1  }
0x242: {  	v4 =	vadd.s32 v1, v4;
	_ =	sdelay $0x4  }
0x243: {  	[hbm4b:s24+s5] =	stream.indirect_vreg.scatter [tilespmem:s28], [sflag:$0x1], $0x80, v4, vm0, $0xb8;
	[tilespmem:$0x18200] =	vst v63  }
0x244: {  	v3 =	vperm.xlane v3, v2  }
0x245: {  	[hbm4b:s25+s5] =	stream.indirect_vreg.scatter [tilespmem:s3], [sflag:$0x1], $0x80, v4, vm0, $0xb8;
	[tilespmem:$0x18200] =	vst v63  }
0x246: {  	s4 =	simm.s32 $0x15000;
	v3 =	vadd.s32 v1, v3  }
0x247: {  	[hbm4b:s26+s5] =	stream.indirect_vreg.scatter [tilespmem:s4], [sflag:$0x1], $0x80, v4, vm0, $0xb8;
	[tilespmem:$0x18200] =	vst v63  }
0x248: {  	s16 =	simm.s32 $0x15800  }
0x249: {  	[hbm4b:s0+s5] =	stream.indirect_vreg.scatter [tilespmem:s16], [sflag:$0x1], $0x80, v4, vm0, $0xb8;
	[tilespmem:$0x18200] =	vst v63  }
0x24a: {  	s17 =	simm.s32 $0x16000  }
0x24b: {  	[hbm4b:s24+s5] =	stream.indirect_vreg.scatter [tilespmem:s17], [sflag:$0x1], $0x80, v3, vm0, $0xb8;
	[tilespmem:$0x18200] =	vst v63  }
0x24c: {  	s24 =	simm.s32 $0x16800  }
0x24d: {  	[hbm4b:s25+s5] =	stream.indirect_vreg.scatter [tilespmem:s24], [sflag:$0x1], $0x80, v3, vm0, $0xb8;
	[tilespmem:$0x18200] =	vst v63  }
0x24e: {  	p0 =	sne.s32 s1, $0x1;
	s25 =	simm.s32 $0x17000  }
0x24f: {  	[hbm4b:s26+s5] =	stream.indirect_vreg.scatter [tilespmem:s25], [sflag:$0x1], $0x80, v3, vm0, $0xb8;
	[tilespmem:$0x18200] =	vst v63  }
.Ltmp0:
0x250: {  	s26 =	simm.s32 $0x17800;
	(pc) =	sbr.rel @p0 .LBB2_1-.Ltmp0, $4  }
0x251: {  	[hbm4b:s0+s5] =	stream.indirect_vreg.scatter [tilespmem:s26], [sflag:$0x1], $0x80, v3, vm0, $0xb8;
	[tilespmem:$0x18200] =	vst v63  }
0x252: {  	_ =	swait.ge [sflag:s2], $0x10000  }
0x253: {  	[sflag:s2] =	ssyncset.done $0x0  }
0x254: {  	s1 =	sadd.s32 $0xFFFFFFFF, s1;
	[sflag:s2] =	ssyncadd.s32 $0xFFFF0000  }
0x255: {  	_ =	sfence.sel $0x180000  }
0x256: {  	[bflag:$0x0] =	sbarrier.arrive $0xFFFF  }
0x257: {  	_ =	strace $0x90000047  }
0x258: {  	s0 =	stileid.u32;
	[bflag:$0x2] =	sbarrier.arrive $0xFFFF  }
0x259: {  	p0 =	sne.s32 s0, $0x0;
	s0 =	rddreg [dreg:$0x2]  }
0x25a: {  	s0 =	sadd.s32 @!p0 $0x100000, s0  }
0x25b: {  	[sflag:s0] =	ssyncadd.tile.s32 @!p0 $0x1;
	_ =	shalt  }
.Lfunc_end2:
_tile_overlayer_lowered:
.L_overlay_start_2:
0x25c: {  	(tag) =	ssettag $0x2  }
0x25d: {  	s0 =	rddreg [dreg:$0x0];
	s2 =	stileid.u32  }
0x25e: {  	s1 =	rddreg [dreg:$0x1];
	p0 =	sne.s32 s2, $0x0  }
0x25f: {  	s3 =	rddreg [dreg:$0x2];
	[bflag:$0x3] =	sbarrier.arrive $0xFFFF;
	s2 =	simm.s32 @!p0 $0x1C02  }
0x260: {  	[timem:s3], [sflag:s2] =	dma.local @!p0 [hbm:s0], s1  }
0x261: {  	s0 =	simm.s32 @!p0 $0x2  }
0x262: {  	_ =	swait.ge @!p0 [sflag:s0], s1  }
0x263: {  	s1 =	ssub.s32 @!p0 $0x0, s1;
	[sflag:s0] =	ssyncset.done @!p0 $0x0  }
0x264: {  	[sflag:s0] =	ssyncadd.s32 @!p0 s1  }
0x265: {  	[bflag:$0x3] =	sbarrier.arrive $0xFFFF  }
0x266: {  	_ =	shalt  }

</sc_bundles>
